<compile_context>
chip_gen: v7x
topology: tpu7x:2x2x1
jax: 0.10.2.dev20260603
libtpu: 0.0.44.dev20260713+nightly
codegen_flags: <defaults>
</compile_context>

<pallas_src>
import functools

import jax
import jax.numpy as jnp
from jax import lax
from jax.experimental import pallas as pl
from jax.experimental.pallas import tpu as pltpu
from jax.experimental.pallas import tpu_sc as plsc

N_NODES = 10000
N_EDGES = 320000
IN_C = 128
HID_C = 256
OUT_C = 256

NC = 2
NS = 16
EPB = 128

NPAD = 10240
EPAD = 323584
MSG_NBLK = EPAD // NS // EPB
MSG_NCHUNK = 2
MSG_CBLK = MSG_NBLK // MSG_NCHUNK
DEG_NBLK = EPAD // (NC * NS) // EPB
RPS = NPAD // NS
HALF = 128

@functools.cache
def _mesh():
    return plsc.VectorSubcoreMesh(
        core_axis_name="c", subcore_axis_name="s",
        num_cores=NC, num_subcores=NS)



def _deg_body(dst_hbm, ones_hbm, zrows_hbm, deg_hbm, dst_v, ones_v, deg_sh,
              sem):
    c = lax.axis_index("c")
    s = lax.axis_index("s")
    wid = c * NS + s
    pltpu.sync_copy(zrows_hbm, deg_sh.at[pl.ds(s * RPS, RPS)])
    pltpu.sync_copy(ones_hbm, ones_v)
    pltpu.sync_copy(dst_hbm.at[wid], dst_v)
    plsc.subcore_barrier()

    def body(j, carry):
        pltpu.sync_copy(ones_v, deg_sh.at[dst_v.at[j]], add=True)
        return carry

    lax.fori_loop(0, DEG_NBLK, body, 0)
    plsc.subcore_barrier()
    pltpu.sync_copy(deg_sh.at[pl.ds(s * RPS, RPS)],
                    deg_hbm.at[pl.ds(c * NPAD + s * RPS, RPS)])


@functools.cache
def _deg_kernel():
    return pl.kernel(
        _deg_body,
        out_type=jax.ShapeDtypeStruct((NC * NPAD, HALF), jnp.float32),
        mesh=_mesh(),
        scratch_types=[
            pltpu.VMEM((DEG_NBLK, EPB), jnp.int32),
            pltpu.VMEM((EPB, HALF), jnp.float32),
            pltpu.VMEM_SHARED((NPAD, HALF), jnp.float32),
            pltpu.SemaphoreType.DMA,
        ],
    )


def _msg_half(g_hbm, out_hbm, src_hbm, dst_hbm, src_v, dst_v, rows_v,
              acc_sh, sem, s):
    def chunk(k, carry):
        pltpu.sync_copy(src_hbm.at[s, k], src_v)
        pltpu.sync_copy(dst_hbm.at[s, k], dst_v)

        def body(j, c2):
            pltpu.async_copy(g_hbm.at[src_v.at[j]], rows_v, sem).wait()
            pltpu.sync_copy(rows_v, acc_sh.at[dst_v.at[j]], add=True)
            return c2

        lax.fori_loop(0, MSG_CBLK, body, 0)
        return carry

    for k in range(MSG_NCHUNK):
        chunk(k, 0)
    plsc.subcore_barrier()
    pltpu.sync_copy(acc_sh.at[pl.ds(s * RPS, RPS)],
                    out_hbm.at[pl.ds(s * RPS, RPS)])


def _msg_body(src_hbm, dst_hbm, ga_hbm, gb_hbm, zrows_hbm,
              acca_hbm, accb_hbm, src_v, dst_v, rows_v, acc_sh, sem):
    c = lax.axis_index("c")
    s = lax.axis_index("s")
    pltpu.sync_copy(zrows_hbm, acc_sh.at[pl.ds(s * RPS, RPS)])
    plsc.subcore_barrier()

    @pl.when(c == 0)
    def _():
        _msg_half(ga_hbm, acca_hbm, src_hbm, dst_hbm, src_v, dst_v, rows_v,
                  acc_sh, sem, s)

    @pl.when(c == 1)
    def _():
        _msg_half(gb_hbm, accb_hbm, src_hbm, dst_hbm, src_v, dst_v, rows_v,
                  acc_sh, sem, s)


@functools.cache
def _msg_kernel():
    return pl.kernel(
        _msg_body,
        out_type=[jax.ShapeDtypeStruct((NPAD, HALF), jnp.float32),
                  jax.ShapeDtypeStruct((NPAD, HALF), jnp.float32)],
        mesh=_mesh(),
        scratch_types=[
            pltpu.VMEM((MSG_CBLK, EPB), jnp.int32),
            pltpu.VMEM((MSG_CBLK, EPB), jnp.int32),
            pltpu.VMEM((EPB, HALF), jnp.float32),
            pltpu.VMEM_SHARED((NPAD, HALF), jnp.float32),
            pltpu.SemaphoreType.DMA,
        ],
    )



_RB = 1024


def _dinv_of(deg_ref):
    return lax.rsqrt(deg_ref[0, :, :1] + deg_ref[1, :, :1] + 1.0)


def _tc_first_body(x_ref, w_ref, deg_ref, ga_ref, gb_ref):
    dinv = _dinv_of(deg_ref)
    h = jnp.dot(x_ref[...], w_ref[...], preferred_element_type=jnp.float32)
    g = h * dinv
    ga_ref[...] = g[:, :HALF]
    gb_ref[...] = g[:, HALF:]


def _tc_mid_body(acca_ref, accb_ref, ga_ref, gb_ref, deg_ref, w_ref, b_ref,
                 oa_ref, ob_ref):
    dinv = _dinv_of(deg_ref)
    pre = jnp.concatenate(
        [acca_ref[...] + ga_ref[...], accb_ref[...] + gb_ref[...]], axis=1)
    act = jnp.maximum(pre * dinv + b_ref[...], 0.0)
    h = jnp.dot(act, w_ref[...], preferred_element_type=jnp.float32)
    g = h * dinv
    oa_ref[...] = g[:, :HALF]
    ob_ref[...] = g[:, HALF:]


def _tc_last_body(acca_ref, accb_ref, ga_ref, gb_ref, deg_ref, b_ref, o_ref):
    dinv = _dinv_of(deg_ref)
    pre = jnp.concatenate(
        [acca_ref[...] + ga_ref[...], accb_ref[...] + gb_ref[...]], axis=1)
    o_ref[...] = pre * dinv + b_ref[...]


def _half_spec():
    return pl.BlockSpec((_RB, HALF), lambda i: (i, 0))


def _deg_spec():
    return pl.BlockSpec((2, _RB, HALF), lambda i: (0, i, 0))


def _full_spec(cols):
    return pl.BlockSpec((_RB, cols), lambda i: (i, 0))


def _const_spec(r, c):
    return pl.BlockSpec((r, c), lambda i: (0, 0))


def _tc_first(x, w, deg):
    return pl.pallas_call(
        _tc_first_body,
        grid=(NPAD // _RB,),
        in_specs=[_full_spec(IN_C), _const_spec(IN_C, HID_C), _deg_spec()],
        out_specs=[_half_spec(), _half_spec()],
        out_shape=[jax.ShapeDtypeStruct((NPAD, HALF), jnp.float32)] * 2,
    )(x, w, deg)


def _tc_mid(acca, accb, ga, gb, deg, w, b):
    return pl.pallas_call(
        _tc_mid_body,
        grid=(NPAD // _RB,),
        in_specs=[_half_spec(), _half_spec(), _half_spec(), _half_spec(),
                  _deg_spec(), _const_spec(HID_C, HID_C), _const_spec(1, HID_C)],
        out_specs=[_half_spec(), _half_spec()],
        out_shape=[jax.ShapeDtypeStruct((NPAD, HALF), jnp.float32)] * 2,
    )(acca, accb, ga, gb, deg, w, b)


def _tc_last(acca, accb, ga, gb, deg, b):
    return pl.pallas_call(
        _tc_last_body,
        grid=(NPAD // _RB,),
        in_specs=[_half_spec(), _half_spec(), _half_spec(), _half_spec(),
                  _deg_spec(), _const_spec(1, OUT_C)],
        out_specs=_full_spec(OUT_C),
        out_shape=jax.ShapeDtypeStruct((NPAD, OUT_C), jnp.float32),
    )(acca, accb, ga, gb, deg, b)



def kernel(x, edge_index, W1, b1, W2, b2, W3, b3):
    ei = edge_index.astype(jnp.int32)
    pad = EPAD - N_EDGES
    fill = jnp.full((pad,), N_NODES, jnp.int32)
    src_p = jnp.concatenate([ei[0], fill])
    dst_p = jnp.concatenate([ei[1], fill])
    src16 = src_p.reshape(NS, MSG_NCHUNK, MSG_CBLK, EPB)
    dst16 = dst_p.reshape(NS, MSG_NCHUNK, MSG_CBLK, EPB)
    dst32 = dst_p.reshape(NC * NS, DEG_NBLK, EPB)

    x_p = jnp.zeros((NPAD, IN_C), jnp.float32).at[:N_NODES].set(x)
    ones = jnp.ones((EPB, HALF), jnp.float32)
    zrows = jnp.zeros((RPS, HALF), jnp.float32)

    deg = _deg_kernel()(dst32, ones, zrows).reshape(NC, NPAD, HALF)

    msg = _msg_kernel()
    g1a, g1b = _tc_first(x_p, W1, deg)
    a1a, a1b = msg(src16, dst16, g1a, g1b, zrows)

    g2a, g2b = _tc_mid(a1a, a1b, g1a, g1b, deg, W2, b1.reshape(1, HID_C))
    a2a, a2b = msg(src16, dst16, g2a, g2b, zrows)

    g3a, g3b = _tc_mid(a2a, a2b, g2a, g2b, deg, W3, b2.reshape(1, HID_C))
    a3a, a3b = msg(src16, dst16, g3a, g3b, zrows)

    out = _tc_last(a3a, a3b, g3a, g3b, deg, b3.reshape(1, OUT_C))
    return out[:N_NODES]

# --- scband reference (transcript-rebuilt; emitter-appended) ---
"""Pipeline reference for scband-neo-gnn-9887014715909 (READ-ONLY COPY).

The authoritative reference and input builder live on the scoring server;
editing this copy changes nothing except your own understanding.
"""

import jax, jax.numpy as jnp
import numpy as np

N_NODES = 10000
N_EDGES = 320000
IN_C = 128
HID_C = 256
OUT_C = 256


def gcn_conv(x, edge_index, W, b, num_nodes):
    # GCNConv with add_self_loops=True and symmetric normalization (PyG default)
    src = edge_index[0]
    dst = edge_index[1]
    loop = jnp.arange(num_nodes, dtype=edge_index.dtype)
    src = jnp.concatenate([src, loop])
    dst = jnp.concatenate([dst, loop])
    # degree (edge weight = 1) computed on destination
    deg = jnp.zeros((num_nodes,), dtype=x.dtype).at[dst].add(1.0)
    deg_inv_sqrt = jnp.where(deg > 0, 1.0 / jnp.sqrt(deg), 0.0)
    norm = deg_inv_sqrt[src] * deg_inv_sqrt[dst]
    h = x @ W
    msg = h[src] * norm[:, None]
    out = jnp.zeros((num_nodes, h.shape[1]), dtype=x.dtype).at[dst].add(msg)
    return out + b


def setup_inputs(seed: int = 0) -> dict:
    key = jax.random.key(seed)
    k_x, k_e, k1, k2, k3 = jax.random.split(key, 5)
    x = jax.random.normal(k_x, (N_NODES, IN_C), dtype=jnp.float32)
    edge_index = jax.random.randint(k_e, (2, N_EDGES), 0, N_NODES, dtype=jnp.int64)
    def glorot(k, fan_in, fan_out):
        lim = jnp.sqrt(6.0 / (fan_in + fan_out))
        return jax.random.uniform(k, (fan_in, fan_out), dtype=jnp.float32, minval=-lim, maxval=lim)
    W1 = glorot(k1, IN_C, HID_C)
    b1 = jnp.zeros((HID_C,), dtype=jnp.float32)
    W2 = glorot(k2, HID_C, HID_C)
    b2 = jnp.zeros((HID_C,), dtype=jnp.float32)
    W3 = glorot(k3, HID_C, OUT_C)
    b3 = jnp.zeros((OUT_C,), dtype=jnp.float32)
    return {"x": x, "edge_index": edge_index, "W1": W1, "b1": b1, "W2": W2, "b2": b2, "W3": W3, "b3": b3}


def reference(x, edge_index, W1, b1, W2, b2, W3, b3):
    # NeoGNN.encode: stack of GCNConv with ReLU between (dropout p=0.0 -> identity)
    num_nodes = x.shape[0]
    h = gcn_conv(x, edge_index, W1, b1, num_nodes)
    h = jax.nn.relu(h)
    h = gcn_conv(h, edge_index, W2, b2, num_nodes)
    h = jax.nn.relu(h)
    h = gcn_conv(h, edge_index, W3, b3, num_nodes)
    return h

if __name__ == "__main__":
    import jax
    _d = setup_inputs()
    print(jax.jit(kernel)(*tuple(_d.values())))

</pallas_src>

<mosaic_0001>
#map = affine_map<(d0, d1) -> (0, 0, 0, 0)>
#map1 = affine_map<(d0, d1) -> (0, 0)>
module attributes {stable_mosaic.version = 14 : i64} {
  func.func @_msg_body(%arg0: i32, %arg1: i32, %arg2: memref<16x2x79x128xi32, #tpu.memory_space<hbm>>, %arg3: memref<16x2x79x128xi32, #tpu.memory_space<hbm>>, %arg4: memref<10240x128xf32, #tpu.memory_space<hbm>>, %arg5: memref<10240x128xf32, #tpu.memory_space<hbm>>, %arg6: memref<640x128xf32, #tpu.memory_space<hbm>>, %arg7: memref<10240x128xf32, #tpu.memory_space<hbm>>, %arg8: memref<10240x128xf32, #tpu.memory_space<hbm>>, %arg9: memref<79x128xi32, #tpu.memory_space<vmem>>, %arg10: memref<79x128xi32, #tpu.memory_space<vmem>>, %arg11: memref<128x128xf32, #tpu.memory_space<vmem>>, %arg12: memref<10240x128xf32, #tpu.memory_space<vmem_shared>>, %arg13: memref<!tpu.dma_semaphore, #tpu.memory_space<semaphore_mem>>) attributes {dimension_semantics = [#tpu.dimension_semantics<core_parallel>, #tpu.dimension_semantics<subcore_parallel>], iteration_bounds = array<i64: 2, 16>, scalar_prefetch = 0 : i64, scratch_operands = 5 : i64, tpu.core_type = #tpu.core_type<sc_vector_subcore>, window_params = [{transform_indices = #map}, {transform_indices = #map}, {transform_indices = #map1}, {transform_indices = #map1}, {transform_indices = #map1}, {transform_indices = #map1}, {transform_indices = #map1}]} {
    %mul3A = arith.constant 640 : i32
    %mul3A_0 = arith.muli %arg1, %mul3A : i32
    "tpu.region"() ({
      %run_scoped3A = tpu.sem_alloc : memref<!tpu.dma_semaphore, #tpu.memory_space<semaphore_mem>>
      %dma_start3A = arith.constant 0 : i32
      %dma_start3A_8 = tpu.memref_slice %arg12[%mul3A_0, %dma_start3A] : memref<10240x128xf32, #tpu.memory_space<vmem_shared>> -> memref<640x128xf32, #tpu.memory_space<vmem_shared>>
      tpu.enqueue_dma source(%arg6 : memref<640x128xf32, #tpu.memory_space<hbm>>) target(%dma_start3A_8 : memref<640x128xf32, #tpu.memory_space<vmem_shared>>) target_semaphore(%run_scoped3A : memref<!tpu.dma_semaphore, #tpu.memory_space<semaphore_mem>>)
      %dma_wait3A = arith.constant 0 : i32
      %dma_wait3A_9 = tpu.memref_slice %arg12[%mul3A_0, %dma_wait3A] : memref<10240x128xf32, #tpu.memory_space<vmem_shared>> -> memref<640x128xf32, #tpu.memory_space<vmem_shared>>
      tpu.wait_dma2 semaphore(%run_scoped3A : memref<!tpu.dma_semaphore, #tpu.memory_space<semaphore_mem>>) src(%arg6 : memref<640x128xf32, #tpu.memory_space<hbm>>) dst(%dma_wait3A_9 : memref<640x128xf32, #tpu.memory_space<vmem_shared>>)
      tpu.yield
    }) : () -> ()
    %barrier3A = arith.constant 0 : index
    tpu.barrier barrier_id(%barrier3A)
    %eq3A = arith.constant 0 : i32
    %eq3A_1 = arith.cmpi eq, %arg0, %eq3A : i32
    %convert_element_type3A = arith.extui %eq3A_1 : i1 to i32
    %cond3A = arith.constant 0 : i32
    %cond3A_2 = arith.cmpi ne, %convert_element_type3A, %cond3A : i32
    scf.if %cond3A_2 {
      %run_scoped3A = arith.constant 0 : i32
      "tpu.region"() ({
        %run_scoped3A_27 = tpu.sem_alloc : memref<!tpu.dma_semaphore, #tpu.memory_space<semaphore_mem>>
        %dma_start3A = arith.constant 0 : i32
        %dma_start3A_28 = arith.constant 0 : i32
        %dma_start3A_29 = tpu.memref_slice %arg2[%arg1, %run_scoped3A, %dma_start3A, %dma_start3A_28] : memref<16x2x79x128xi32, #tpu.memory_space<hbm>> -> memref<1x1x79x128xi32, #tpu.memory_space<hbm>>
        %dma_start3A_30 = tpu.memref_squeeze %dma_start3A_29 : memref<1x1x79x128xi32, #tpu.memory_space<hbm>> -> memref<79x128xi32, #tpu.memory_space<hbm>>
        %dma_start3A_31 = arith.constant 0 : i32
        %dma_start3A_32 = arith.constant 0 : i32
        %dma_start3A_33 = tpu.memref_slice %arg2[%arg1, %run_scoped3A, %dma_start3A_31, %dma_start3A_32] : memref<16x2x79x128xi32, #tpu.memory_space<hbm>> -> memref<1x1x79x128xi32, #tpu.memory_space<hbm>>
        %dma_start3A_34 = tpu.memref_squeeze %dma_start3A_33 : memref<1x1x79x128xi32, #tpu.memory_space<hbm>> -> memref<79x128xi32, #tpu.memory_space<hbm>>
        tpu.enqueue_dma source(%dma_start3A_34 : memref<79x128xi32, #tpu.memory_space<hbm>>) target(%arg9 : memref<79x128xi32, #tpu.memory_space<vmem>>) target_semaphore(%run_scoped3A_27 : memref<!tpu.dma_semaphore, #tpu.memory_space<semaphore_mem>>)
        %dma_wait3A = arith.constant 0 : i32
        %dma_wait3A_35 = arith.constant 0 : i32
        %dma_wait3A_36 = tpu.memref_slice %arg2[%arg1, %run_scoped3A, %dma_wait3A, %dma_wait3A_35] : memref<16x2x79x128xi32, #tpu.memory_space<hbm>> -> memref<1x1x79x128xi32, #tpu.memory_space<hbm>>
        %dma_wait3A_37 = tpu.memref_squeeze %dma_wait3A_36 : memref<1x1x79x128xi32, #tpu.memory_space<hbm>> -> memref<79x128xi32, #tpu.memory_space<hbm>>
        %dma_wait3A_38 = arith.constant 0 : i32
        %dma_wait3A_39 = arith.constant 0 : i32
        %dma_wait3A_40 = tpu.memref_slice %arg2[%arg1, %run_scoped3A, %dma_wait3A_38, %dma_wait3A_39] : memref<16x2x79x128xi32, #tpu.memory_space<hbm>> -> memref<1x1x79x128xi32, #tpu.memory_space<hbm>>
        %dma_wait3A_41 = tpu.memref_squeeze %dma_wait3A_40 : memref<1x1x79x128xi32, #tpu.memory_space<hbm>> -> memref<79x128xi32, #tpu.memory_space<hbm>>
        tpu.wait_dma2 semaphore(%run_scoped3A_27 : memref<!tpu.dma_semaphore, #tpu.memory_space<semaphore_mem>>) src(%dma_wait3A_41 : memref<79x128xi32, #tpu.memory_space<hbm>>) dst(%arg9 : memref<79x128xi32, #tpu.memory_space<vmem>>)
        tpu.yield
      }) : () -> ()
      %run_scoped3A_8 = arith.constant 0 : i32
      "tpu.region"() ({
        %run_scoped3A_27 = tpu.sem_alloc : memref<!tpu.dma_semaphore, #tpu.memory_space<semaphore_mem>>
        %dma_start3A = arith.constant 0 : i32
        %dma_start3A_28 = arith.constant 0 : i32
        %dma_start3A_29 = tpu.memref_slice %arg3[%arg1, %run_scoped3A_8, %dma_start3A, %dma_start3A_28] : memref<16x2x79x128xi32, #tpu.memory_space<hbm>> -> memref<1x1x79x128xi32, #tpu.memory_space<hbm>>
        %dma_start3A_30 = tpu.memref_squeeze %dma_start3A_29 : memref<1x1x79x128xi32, #tpu.memory_space<hbm>> -> memref<79x128xi32, #tpu.memory_space<hbm>>
        %dma_start3A_31 = arith.constant 0 : i32
        %dma_start3A_32 = arith.constant 0 : i32
        %dma_start3A_33 = tpu.memref_slice %arg3[%arg1, %run_scoped3A_8, %dma_start3A_31, %dma_start3A_32] : memref<16x2x79x128xi32, #tpu.memory_space<hbm>> -> memref<1x1x79x128xi32, #tpu.memory_space<hbm>>
        %dma_start3A_34 = tpu.memref_squeeze %dma_start3A_33 : memref<1x1x79x128xi32, #tpu.memory_space<hbm>> -> memref<79x128xi32, #tpu.memory_space<hbm>>
        tpu.enqueue_dma source(%dma_start3A_34 : memref<79x128xi32, #tpu.memory_space<hbm>>) target(%arg10 : memref<79x128xi32, #tpu.memory_space<vmem>>) target_semaphore(%run_scoped3A_27 : memref<!tpu.dma_semaphore, #tpu.memory_space<semaphore_mem>>)
        %dma_wait3A = arith.constant 0 : i32
        %dma_wait3A_35 = arith.constant 0 : i32
        %dma_wait3A_36 = tpu.memref_slice %arg3[%arg1, %run_scoped3A_8, %dma_wait3A, %dma_wait3A_35] : memref<16x2x79x128xi32, #tpu.memory_space<hbm>> -> memref<1x1x79x128xi32, #tpu.memory_space<hbm>>
        %dma_wait3A_37 = tpu.memref_squeeze %dma_wait3A_36 : memref<1x1x79x128xi32, #tpu.memory_space<hbm>> -> memref<79x128xi32, #tpu.memory_space<hbm>>
        %dma_wait3A_38 = arith.constant 0 : i32
        %dma_wait3A_39 = arith.constant 0 : i32
        %dma_wait3A_40 = tpu.memref_slice %arg3[%arg1, %run_scoped3A_8, %dma_wait3A_38, %dma_wait3A_39] : memref<16x2x79x128xi32, #tpu.memory_space<hbm>> -> memref<1x1x79x128xi32, #tpu.memory_space<hbm>>
        %dma_wait3A_41 = tpu.memref_squeeze %dma_wait3A_40 : memref<1x1x79x128xi32, #tpu.memory_space<hbm>> -> memref<79x128xi32, #tpu.memory_space<hbm>>
        tpu.wait_dma2 semaphore(%run_scoped3A_27 : memref<!tpu.dma_semaphore, #tpu.memory_space<semaphore_mem>>) src(%dma_wait3A_41 : memref<79x128xi32, #tpu.memory_space<hbm>>) dst(%arg10 : memref<79x128xi32, #tpu.memory_space<vmem>>)
        tpu.yield
      }) : () -> ()
      %scan3A = arith.constant 0 : i32
      %scan3A_9 = arith.constant 0 : i32
      %scan3A_10 = arith.constant 79 : i32
      %scan3A_11 = arith.addi %scan3A_9, %scan3A_10 : i32
      %scan3A_12 = arith.constant 1 : i32
      scf.for %scan3A_27 = %scan3A_9 to %scan3A_11 step %scan3A_12  : i32 {
        %dma_start3A = arith.constant 0 : i32
        %dma_start3A_28 = tpu.memref_slice %arg9[%scan3A_27, %dma_start3A] : memref<79x128xi32, #tpu.memory_space<vmem>> -> memref<1x128xi32, #tpu.memory_space<vmem>>
        %dma_start3A_29 = tpu.memref_squeeze %dma_start3A_28 : memref<1x128xi32, #tpu.memory_space<vmem>> -> memref<128xi32, #tpu.memory_space<vmem>>
        %dma_start3A_30 = arith.constant 0 : i32
        %dma_start3A_31 = arith.constant 0 : i32
        %dma_start3A_32 = tpu.memref_slice %arg4[%dma_start3A_30, %dma_start3A_31] : memref<10240x128xf32, #tpu.memory_space<hbm>> -> memref<10240x128xf32, #tpu.memory_space<hbm>>
        tpu.enqueue_indirect_dma source(%dma_start3A_32 : memref<10240x128xf32, #tpu.memory_space<hbm>>) target(%arg11 : memref<128x128xf32, #tpu.memory_space<vmem>>) offsets(%dma_start3A_29 : memref<128xi32, #tpu.memory_space<vmem>>) semaphore(%arg13 : memref<!tpu.dma_semaphore, #tpu.memory_space<semaphore_mem>>)
        %dma_wait3A = arith.constant 0 : i32
        %dma_wait3A_33 = tpu.memref_slice %arg9[%scan3A_27, %dma_wait3A] : memref<79x128xi32, #tpu.memory_space<vmem>> -> memref<1x128xi32, #tpu.memory_space<vmem>>
        %dma_wait3A_34 = tpu.memref_squeeze %dma_wait3A_33 : memref<1x128xi32, #tpu.memory_space<vmem>> -> memref<128xi32, #tpu.memory_space<vmem>>
        %dma_wait3A_35 = arith.constant 0 : i32
        %dma_wait3A_36 = arith.constant 0 : i32
        %dma_wait3A_37 = tpu.memref_slice %arg4[%dma_wait3A_35, %dma_wait3A_36] : memref<10240x128xf32, #tpu.memory_space<hbm>> -> memref<10240x128xf32, #tpu.memory_space<hbm>>
        tpu.wait_indirect_dma semaphore(%arg13 : memref<!tpu.dma_semaphore, #tpu.memory_space<semaphore_mem>>) src(%dma_wait3A_37 : memref<10240x128xf32, #tpu.memory_space<hbm>>) dst(%arg11 : memref<128x128xf32, #tpu.memory_space<vmem>>)
        "tpu.region"() ({
          %run_scoped3A_38 = tpu.sem_alloc : memref<!tpu.dma_semaphore, #tpu.memory_space<semaphore_mem>>
          %dma_start3A_39 = arith.constant 0 : i32
          %dma_start3A_40 = tpu.memref_slice %arg10[%scan3A_27, %dma_start3A_39] : memref<79x128xi32, #tpu.memory_space<vmem>> -> memref<1x128xi32, #tpu.memory_space<vmem>>
          %dma_start3A_41 = tpu.memref_squeeze %dma_start3A_40 : memref<1x128xi32, #tpu.memory_space<vmem>> -> memref<128xi32, #tpu.memory_space<vmem>>
          %dma_start3A_42 = arith.constant 0 : i32
          %dma_start3A_43 = arith.constant 0 : i32
          %dma_start3A_44 = tpu.memref_slice %arg12[%dma_start3A_42, %dma_start3A_43] : memref<10240x128xf32, #tpu.memory_space<vmem_shared>> -> memref<10240x128xf32, #tpu.memory_space<vmem_shared>>
          tpu.enqueue_indirect_dma source(%arg11 : memref<128x128xf32, #tpu.memory_space<vmem>>) target(%dma_start3A_44 : memref<10240x128xf32, #tpu.memory_space<vmem_shared>>) offsets(%dma_start3A_41 : memref<128xi32, #tpu.memory_space<vmem>>) semaphore(%run_scoped3A_38 : memref<!tpu.dma_semaphore, #tpu.memory_space<semaphore_mem>>) {add = true}
          %dma_wait3A_45 = arith.constant 0 : i32
          %dma_wait3A_46 = tpu.memref_slice %arg10[%scan3A_27, %dma_wait3A_45] : memref<79x128xi32, #tpu.memory_space<vmem>> -> memref<1x128xi32, #tpu.memory_space<vmem>>
          %dma_wait3A_47 = tpu.memref_squeeze %dma_wait3A_46 : memref<1x128xi32, #tpu.memory_space<vmem>> -> memref<128xi32, #tpu.memory_space<vmem>>
          %dma_wait3A_48 = arith.constant 0 : i32
          %dma_wait3A_49 = arith.constant 0 : i32
          %dma_wait3A_50 = tpu.memref_slice %arg12[%dma_wait3A_48, %dma_wait3A_49] : memref<10240x128xf32, #tpu.memory_space<vmem_shared>> -> memref<10240x128xf32, #tpu.memory_space<vmem_shared>>
          tpu.wait_indirect_dma semaphore(%run_scoped3A_38 : memref<!tpu.dma_semaphore, #tpu.memory_space<semaphore_mem>>) src(%arg11 : memref<128x128xf32, #tpu.memory_space<vmem>>) dst(%dma_wait3A_50 : memref<10240x128xf32, #tpu.memory_space<vmem_shared>>)
          tpu.yield
        }) : () -> ()
      }
      %scan3A_13 = arith.constant 79 : i32
      %run_scoped3A_14 = arith.constant 1 : i32
      "tpu.region"() ({
        %run_scoped3A_27 = tpu.sem_alloc : memref<!tpu.dma_semaphore, #tpu.memory_space<semaphore_mem>>
        %dma_start3A = arith.constant 0 : i32
        %dma_start3A_28 = arith.constant 0 : i32
        %dma_start3A_29 = tpu.memref_slice %arg2[%arg1, %run_scoped3A_14, %dma_start3A, %dma_start3A_28] : memref<16x2x79x128xi32, #tpu.memory_space<hbm>> -> memref<1x1x79x128xi32, #tpu.memory_space<hbm>>
        %dma_start3A_30 = tpu.memref_squeeze %dma_start3A_29 : memref<1x1x79x128xi32, #tpu.memory_space<hbm>> -> memref<79x128xi32, #tpu.memory_space<hbm>>
        %dma_start3A_31 = arith.constant 0 : i32
        %dma_start3A_32 = arith.constant 0 : i32
        %dma_start3A_33 = tpu.memref_slice %arg2[%arg1, %run_scoped3A_14, %dma_start3A_31, %dma_start3A_32] : memref<16x2x79x128xi32, #tpu.memory_space<hbm>> -> memref<1x1x79x128xi32, #tpu.memory_space<hbm>>
        %dma_start3A_34 = tpu.memref_squeeze %dma_start3A_33 : memref<1x1x79x128xi32, #tpu.memory_space<hbm>> -> memref<79x128xi32, #tpu.memory_space<hbm>>
        tpu.enqueue_dma source(%dma_start3A_34 : memref<79x128xi32, #tpu.memory_space<hbm>>) target(%arg9 : memref<79x128xi32, #tpu.memory_space<vmem>>) target_semaphore(%run_scoped3A_27 : memref<!tpu.dma_semaphore, #tpu.memory_space<semaphore_mem>>)
        %dma_wait3A = arith.constant 0 : i32
        %dma_wait3A_35 = arith.constant 0 : i32
        %dma_wait3A_36 = tpu.memref_slice %arg2[%arg1, %run_scoped3A_14, %dma_wait3A, %dma_wait3A_35] : memref<16x2x79x128xi32, #tpu.memory_space<hbm>> -> memref<1x1x79x128xi32, #tpu.memory_space<hbm>>
        %dma_wait3A_37 = tpu.memref_squeeze %dma_wait3A_36 : memref<1x1x79x128xi32, #tpu.memory_space<hbm>> -> memref<79x128xi32, #tpu.memory_space<hbm>>
        %dma_wait3A_38 = arith.constant 0 : i32
        %dma_wait3A_39 = arith.constant 0 : i32
        %dma_wait3A_40 = tpu.memref_slice %arg2[%arg1, %run_scoped3A_14, %dma_wait3A_38, %dma_wait3A_39] : memref<16x2x79x128xi32, #tpu.memory_space<hbm>> -> memref<1x1x79x128xi32, #tpu.memory_space<hbm>>
        %dma_wait3A_41 = tpu.memref_squeeze %dma_wait3A_40 : memref<1x1x79x128xi32, #tpu.memory_space<hbm>> -> memref<79x128xi32, #tpu.memory_space<hbm>>
        tpu.wait_dma2 semaphore(%run_scoped3A_27 : memref<!tpu.dma_semaphore, #tpu.memory_space<semaphore_mem>>) src(%dma_wait3A_41 : memref<79x128xi32, #tpu.memory_space<hbm>>) dst(%arg9 : memref<79x128xi32, #tpu.memory_space<vmem>>)
        tpu.yield
      }) : () -> ()
      %run_scoped3A_15 = arith.constant 1 : i32
      "tpu.region"() ({
        %run_scoped3A_27 = tpu.sem_alloc : memref<!tpu.dma_semaphore, #tpu.memory_space<semaphore_mem>>
        %dma_start3A = arith.constant 0 : i32
        %dma_start3A_28 = arith.constant 0 : i32
        %dma_start3A_29 = tpu.memref_slice %arg3[%arg1, %run_scoped3A_15, %dma_start3A, %dma_start3A_28] : memref<16x2x79x128xi32, #tpu.memory_space<hbm>> -> memref<1x1x79x128xi32, #tpu.memory_space<hbm>>
        %dma_start3A_30 = tpu.memref_squeeze %dma_start3A_29 : memref<1x1x79x128xi32, #tpu.memory_space<hbm>> -> memref<79x128xi32, #tpu.memory_space<hbm>>
        %dma_start3A_31 = arith.constant 0 : i32
        %dma_start3A_32 = arith.constant 0 : i32
        %dma_start3A_33 = tpu.memref_slice %arg3[%arg1, %run_scoped3A_15, %dma_start3A_31, %dma_start3A_32] : memref<16x2x79x128xi32, #tpu.memory_space<hbm>> -> memref<1x1x79x128xi32, #tpu.memory_space<hbm>>
        %dma_start3A_34 = tpu.memref_squeeze %dma_start3A_33 : memref<1x1x79x128xi32, #tpu.memory_space<hbm>> -> memref<79x128xi32, #tpu.memory_space<hbm>>
        tpu.enqueue_dma source(%dma_start3A_34 : memref<79x128xi32, #tpu.memory_space<hbm>>) target(%arg10 : memref<79x128xi32, #tpu.memory_space<vmem>>) target_semaphore(%run_scoped3A_27 : memref<!tpu.dma_semaphore, #tpu.memory_space<semaphore_mem>>)
        %dma_wait3A = arith.constant 0 : i32
        %dma_wait3A_35 = arith.constant 0 : i32
        %dma_wait3A_36 = tpu.memref_slice %arg3[%arg1, %run_scoped3A_15, %dma_wait3A, %dma_wait3A_35] : memref<16x2x79x128xi32, #tpu.memory_space<hbm>> -> memref<1x1x79x128xi32, #tpu.memory_space<hbm>>
        %dma_wait3A_37 = tpu.memref_squeeze %dma_wait3A_36 : memref<1x1x79x128xi32, #tpu.memory_space<hbm>> -> memref<79x128xi32, #tpu.memory_space<hbm>>
        %dma_wait3A_38 = arith.constant 0 : i32
        %dma_wait3A_39 = arith.constant 0 : i32
        %dma_wait3A_40 = tpu.memref_slice %arg3[%arg1, %run_scoped3A_15, %dma_wait3A_38, %dma_wait3A_39] : memref<16x2x79x128xi32, #tpu.memory_space<hbm>> -> memref<1x1x79x128xi32, #tpu.memory_space<hbm>>
        %dma_wait3A_41 = tpu.memref_squeeze %dma_wait3A_40 : memref<1x1x79x128xi32, #tpu.memory_space<hbm>> -> memref<79x128xi32, #tpu.memory_space<hbm>>
        tpu.wait_dma2 semaphore(%run_scoped3A_27 : memref<!tpu.dma_semaphore, #tpu.memory_space<semaphore_mem>>) src(%dma_wait3A_41 : memref<79x128xi32, #tpu.memory_space<hbm>>) dst(%arg10 : memref<79x128xi32, #tpu.memory_space<vmem>>)
        tpu.yield
      }) : () -> ()
      %scan3A_16 = arith.constant 0 : i32
      %scan3A_17 = arith.constant 0 : i32
      %scan3A_18 = arith.constant 79 : i32
      %scan3A_19 = arith.addi %scan3A_17, %scan3A_18 : i32
      %scan3A_20 = arith.constant 1 : i32
      scf.for %scan3A_27 = %scan3A_17 to %scan3A_19 step %scan3A_20  : i32 {
        %dma_start3A = arith.constant 0 : i32
        %dma_start3A_28 = tpu.memref_slice %arg9[%scan3A_27, %dma_start3A] : memref<79x128xi32, #tpu.memory_space<vmem>> -> memref<1x128xi32, #tpu.memory_space<vmem>>
        %dma_start3A_29 = tpu.memref_squeeze %dma_start3A_28 : memref<1x128xi32, #tpu.memory_space<vmem>> -> memref<128xi32, #tpu.memory_space<vmem>>
        %dma_start3A_30 = arith.constant 0 : i32
        %dma_start3A_31 = arith.constant 0 : i32
        %dma_start3A_32 = tpu.memref_slice %arg4[%dma_start3A_30, %dma_start3A_31] : memref<10240x128xf32, #tpu.memory_space<hbm>> -> memref<10240x128xf32, #tpu.memory_space<hbm>>
        tpu.enqueue_indirect_dma source(%dma_start3A_32 : memref<10240x128xf32, #tpu.memory_space<hbm>>) target(%arg11 : memref<128x128xf32, #tpu.memory_space<vmem>>) offsets(%dma_start3A_29 : memref<128xi32, #tpu.memory_space<vmem>>) semaphore(%arg13 : memref<!tpu.dma_semaphore, #tpu.memory_space<semaphore_mem>>)
        %dma_wait3A = arith.constant 0 : i32
        %dma_wait3A_33 = tpu.memref_slice %arg9[%scan3A_27, %dma_wait3A] : memref<79x128xi32, #tpu.memory_space<vmem>> -> memref<1x128xi32, #tpu.memory_space<vmem>>
        %dma_wait3A_34 = tpu.memref_squeeze %dma_wait3A_33 : memref<1x128xi32, #tpu.memory_space<vmem>> -> memref<128xi32, #tpu.memory_space<vmem>>
        %dma_wait3A_35 = arith.constant 0 : i32
        %dma_wait3A_36 = arith.constant 0 : i32
        %dma_wait3A_37 = tpu.memref_slice %arg4[%dma_wait3A_35, %dma_wait3A_36] : memref<10240x128xf32, #tpu.memory_space<hbm>> -> memref<10240x128xf32, #tpu.memory_space<hbm>>
        tpu.wait_indirect_dma semaphore(%arg13 : memref<!tpu.dma_semaphore, #tpu.memory_space<semaphore_mem>>) src(%dma_wait3A_37 : memref<10240x128xf32, #tpu.memory_space<hbm>>) dst(%arg11 : memref<128x128xf32, #tpu.memory_space<vmem>>)
        "tpu.region"() ({
          %run_scoped3A_38 = tpu.sem_alloc : memref<!tpu.dma_semaphore, #tpu.memory_space<semaphore_mem>>
          %dma_start3A_39 = arith.constant 0 : i32
          %dma_start3A_40 = tpu.memref_slice %arg10[%scan3A_27, %dma_start3A_39] : memref<79x128xi32, #tpu.memory_space<vmem>> -> memref<1x128xi32, #tpu.memory_space<vmem>>
          %dma_start3A_41 = tpu.memref_squeeze %dma_start3A_40 : memref<1x128xi32, #tpu.memory_space<vmem>> -> memref<128xi32, #tpu.memory_space<vmem>>
          %dma_start3A_42 = arith.constant 0 : i32
          %dma_start3A_43 = arith.constant 0 : i32
          %dma_start3A_44 = tpu.memref_slice %arg12[%dma_start3A_42, %dma_start3A_43] : memref<10240x128xf32, #tpu.memory_space<vmem_shared>> -> memref<10240x128xf32, #tpu.memory_space<vmem_shared>>
          tpu.enqueue_indirect_dma source(%arg11 : memref<128x128xf32, #tpu.memory_space<vmem>>) target(%dma_start3A_44 : memref<10240x128xf32, #tpu.memory_space<vmem_shared>>) offsets(%dma_start3A_41 : memref<128xi32, #tpu.memory_space<vmem>>) semaphore(%run_scoped3A_38 : memref<!tpu.dma_semaphore, #tpu.memory_space<semaphore_mem>>) {add = true}
          %dma_wait3A_45 = arith.constant 0 : i32
          %dma_wait3A_46 = tpu.memref_slice %arg10[%scan3A_27, %dma_wait3A_45] : memref<79x128xi32, #tpu.memory_space<vmem>> -> memref<1x128xi32, #tpu.memory_space<vmem>>
          %dma_wait3A_47 = tpu.memref_squeeze %dma_wait3A_46 : memref<1x128xi32, #tpu.memory_space<vmem>> -> memref<128xi32, #tpu.memory_space<vmem>>
          %dma_wait3A_48 = arith.constant 0 : i32
          %dma_wait3A_49 = arith.constant 0 : i32
          %dma_wait3A_50 = tpu.memref_slice %arg12[%dma_wait3A_48, %dma_wait3A_49] : memref<10240x128xf32, #tpu.memory_space<vmem_shared>> -> memref<10240x128xf32, #tpu.memory_space<vmem_shared>>
          tpu.wait_indirect_dma semaphore(%run_scoped3A_38 : memref<!tpu.dma_semaphore, #tpu.memory_space<semaphore_mem>>) src(%arg11 : memref<128x128xf32, #tpu.memory_space<vmem>>) dst(%dma_wait3A_50 : memref<10240x128xf32, #tpu.memory_space<vmem_shared>>)
          tpu.yield
        }) : () -> ()
      }
      %scan3A_21 = arith.constant 79 : i32
      %barrier3A_22 = arith.constant 0 : index
      tpu.barrier barrier_id(%barrier3A_22)
      %mul3A_23 = arith.constant 640 : i32
      %mul3A_24 = arith.muli %arg1, %mul3A_23 : i32
      %mul3A_25 = arith.constant 640 : i32
      %mul3A_26 = arith.muli %arg1, %mul3A_25 : i32
      "tpu.region"() ({
        %run_scoped3A_27 = tpu.sem_alloc : memref<!tpu.dma_semaphore, #tpu.memory_space<semaphore_mem>>
        %dma_start3A = arith.constant 0 : i32
        %dma_start3A_28 = tpu.memref_slice %arg7[%mul3A_26, %dma_start3A] : memref<10240x128xf32, #tpu.memory_space<hbm>> -> memref<640x128xf32, #tpu.memory_space<hbm>>
        %dma_start3A_29 = arith.constant 0 : i32
        %dma_start3A_30 = tpu.memref_slice %arg12[%mul3A_24, %dma_start3A_29] : memref<10240x128xf32, #tpu.memory_space<vmem_shared>> -> memref<640x128xf32, #tpu.memory_space<vmem_shared>>
        tpu.enqueue_dma source(%dma_start3A_30 : memref<640x128xf32, #tpu.memory_space<vmem_shared>>) target(%dma_start3A_28 : memref<640x128xf32, #tpu.memory_space<hbm>>) target_semaphore(%run_scoped3A_27 : memref<!tpu.dma_semaphore, #tpu.memory_space<semaphore_mem>>)
        %dma_wait3A = arith.constant 0 : i32
        %dma_wait3A_31 = tpu.memref_slice %arg7[%mul3A_26, %dma_wait3A] : memref<10240x128xf32, #tpu.memory_space<hbm>> -> memref<640x128xf32, #tpu.memory_space<hbm>>
        %dma_wait3A_32 = arith.constant 0 : i32
        %dma_wait3A_33 = tpu.memref_slice %arg12[%mul3A_24, %dma_wait3A_32] : memref<10240x128xf32, #tpu.memory_space<vmem_shared>> -> memref<640x128xf32, #tpu.memory_space<vmem_shared>>
        tpu.wait_dma2 semaphore(%run_scoped3A_27 : memref<!tpu.dma_semaphore, #tpu.memory_space<semaphore_mem>>) src(%dma_wait3A_33 : memref<640x128xf32, #tpu.memory_space<vmem_shared>>) dst(%dma_wait3A_31 : memref<640x128xf32, #tpu.memory_space<hbm>>)
        tpu.yield
      }) : () -> ()
    } else {
    }
    %eq3A_3 = arith.constant 1 : i32
    %eq3A_4 = arith.cmpi eq, %arg0, %eq3A_3 : i32
    %convert_element_type3A_5 = arith.extui %eq3A_4 : i1 to i32
    %cond3A_6 = arith.constant 0 : i32
    %cond3A_7 = arith.cmpi ne, %convert_element_type3A_5, %cond3A_6 : i32
    scf.if %cond3A_7 {
      %run_scoped3A = arith.constant 0 : i32
      "tpu.region"() ({
        %run_scoped3A_27 = tpu.sem_alloc : memref<!tpu.dma_semaphore, #tpu.memory_space<semaphore_mem>>
        %dma_start3A = arith.constant 0 : i32
        %dma_start3A_28 = arith.constant 0 : i32
        %dma_start3A_29 = tpu.memref_slice %arg2[%arg1, %run_scoped3A, %dma_start3A, %dma_start3A_28] : memref<16x2x79x128xi32, #tpu.memory_space<hbm>> -> memref<1x1x79x128xi32, #tpu.memory_space<hbm>>
        %dma_start3A_30 = tpu.memref_squeeze %dma_start3A_29 : memref<1x1x79x128xi32, #tpu.memory_space<hbm>> -> memref<79x128xi32, #tpu.memory_space<hbm>>
        %dma_start3A_31 = arith.constant 0 : i32
        %dma_start3A_32 = arith.constant 0 : i32
        %dma_start3A_33 = tpu.memref_slice %arg2[%arg1, %run_scoped3A, %dma_start3A_31, %dma_start3A_32] : memref<16x2x79x128xi32, #tpu.memory_space<hbm>> -> memref<1x1x79x128xi32, #tpu.memory_space<hbm>>
        %dma_start3A_34 = tpu.memref_squeeze %dma_start3A_33 : memref<1x1x79x128xi32, #tpu.memory_space<hbm>> -> memref<79x128xi32, #tpu.memory_space<hbm>>
        tpu.enqueue_dma source(%dma_start3A_34 : memref<79x128xi32, #tpu.memory_space<hbm>>) target(%arg9 : memref<79x128xi32, #tpu.memory_space<vmem>>) target_semaphore(%run_scoped3A_27 : memref<!tpu.dma_semaphore, #tpu.memory_space<semaphore_mem>>)
        %dma_wait3A = arith.constant 0 : i32
        %dma_wait3A_35 = arith.constant 0 : i32
        %dma_wait3A_36 = tpu.memref_slice %arg2[%arg1, %run_scoped3A, %dma_wait3A, %dma_wait3A_35] : memref<16x2x79x128xi32, #tpu.memory_space<hbm>> -> memref<1x1x79x128xi32, #tpu.memory_space<hbm>>
        %dma_wait3A_37 = tpu.memref_squeeze %dma_wait3A_36 : memref<1x1x79x128xi32, #tpu.memory_space<hbm>> -> memref<79x128xi32, #tpu.memory_space<hbm>>
        %dma_wait3A_38 = arith.constant 0 : i32
        %dma_wait3A_39 = arith.constant 0 : i32
        %dma_wait3A_40 = tpu.memref_slice %arg2[%arg1, %run_scoped3A, %dma_wait3A_38, %dma_wait3A_39] : memref<16x2x79x128xi32, #tpu.memory_space<hbm>> -> memref<1x1x79x128xi32, #tpu.memory_space<hbm>>
        %dma_wait3A_41 = tpu.memref_squeeze %dma_wait3A_40 : memref<1x1x79x128xi32, #tpu.memory_space<hbm>> -> memref<79x128xi32, #tpu.memory_space<hbm>>
        tpu.wait_dma2 semaphore(%run_scoped3A_27 : memref<!tpu.dma_semaphore, #tpu.memory_space<semaphore_mem>>) src(%dma_wait3A_41 : memref<79x128xi32, #tpu.memory_space<hbm>>) dst(%arg9 : memref<79x128xi32, #tpu.memory_space<vmem>>)
        tpu.yield
      }) : () -> ()
      %run_scoped3A_8 = arith.constant 0 : i32
      "tpu.region"() ({
        %run_scoped3A_27 = tpu.sem_alloc : memref<!tpu.dma_semaphore, #tpu.memory_space<semaphore_mem>>
        %dma_start3A = arith.constant 0 : i32
        %dma_start3A_28 = arith.constant 0 : i32
        %dma_start3A_29 = tpu.memref_slice %arg3[%arg1, %run_scoped3A_8, %dma_start3A, %dma_start3A_28] : memref<16x2x79x128xi32, #tpu.memory_space<hbm>> -> memref<1x1x79x128xi32, #tpu.memory_space<hbm>>
        %dma_start3A_30 = tpu.memref_squeeze %dma_start3A_29 : memref<1x1x79x128xi32, #tpu.memory_space<hbm>> -> memref<79x128xi32, #tpu.memory_space<hbm>>
        %dma_start3A_31 = arith.constant 0 : i32
        %dma_start3A_32 = arith.constant 0 : i32
        %dma_start3A_33 = tpu.memref_slice %arg3[%arg1, %run_scoped3A_8, %dma_start3A_31, %dma_start3A_32] : memref<16x2x79x128xi32, #tpu.memory_space<hbm>> -> memref<1x1x79x128xi32, #tpu.memory_space<hbm>>
        %dma_start3A_34 = tpu.memref_squeeze %dma_start3A_33 : memref<1x1x79x128xi32, #tpu.memory_space<hbm>> -> memref<79x128xi32, #tpu.memory_space<hbm>>
        tpu.enqueue_dma source(%dma_start3A_34 : memref<79x128xi32, #tpu.memory_space<hbm>>) target(%arg10 : memref<79x128xi32, #tpu.memory_space<vmem>>) target_semaphore(%run_scoped3A_27 : memref<!tpu.dma_semaphore, #tpu.memory_space<semaphore_mem>>)
        %dma_wait3A = arith.constant 0 : i32
        %dma_wait3A_35 = arith.constant 0 : i32
        %dma_wait3A_36 = tpu.memref_slice %arg3[%arg1, %run_scoped3A_8, %dma_wait3A, %dma_wait3A_35] : memref<16x2x79x128xi32, #tpu.memory_space<hbm>> -> memref<1x1x79x128xi32, #tpu.memory_space<hbm>>
        %dma_wait3A_37 = tpu.memref_squeeze %dma_wait3A_36 : memref<1x1x79x128xi32, #tpu.memory_space<hbm>> -> memref<79x128xi32, #tpu.memory_space<hbm>>
        %dma_wait3A_38 = arith.constant 0 : i32
        %dma_wait3A_39 = arith.constant 0 : i32
        %dma_wait3A_40 = tpu.memref_slice %arg3[%arg1, %run_scoped3A_8, %dma_wait3A_38, %dma_wait3A_39] : memref<16x2x79x128xi32, #tpu.memory_space<hbm>> -> memref<1x1x79x128xi32, #tpu.memory_space<hbm>>
        %dma_wait3A_41 = tpu.memref_squeeze %dma_wait3A_40 : memref<1x1x79x128xi32, #tpu.memory_space<hbm>> -> memref<79x128xi32, #tpu.memory_space<hbm>>
        tpu.wait_dma2 semaphore(%run_scoped3A_27 : memref<!tpu.dma_semaphore, #tpu.memory_space<semaphore_mem>>) src(%dma_wait3A_41 : memref<79x128xi32, #tpu.memory_space<hbm>>) dst(%arg10 : memref<79x128xi32, #tpu.memory_space<vmem>>)
        tpu.yield
      }) : () -> ()
      %scan3A = arith.constant 0 : i32
      %scan3A_9 = arith.constant 0 : i32
      %scan3A_10 = arith.constant 79 : i32
      %scan3A_11 = arith.addi %scan3A_9, %scan3A_10 : i32
      %scan3A_12 = arith.constant 1 : i32
      scf.for %scan3A_27 = %scan3A_9 to %scan3A_11 step %scan3A_12  : i32 {
        %dma_start3A = arith.constant 0 : i32
        %dma_start3A_28 = tpu.memref_slice %arg9[%scan3A_27, %dma_start3A] : memref<79x128xi32, #tpu.memory_space<vmem>> -> memref<1x128xi32, #tpu.memory_space<vmem>>
        %dma_start3A_29 = tpu.memref_squeeze %dma_start3A_28 : memref<1x128xi32, #tpu.memory_space<vmem>> -> memref<128xi32, #tpu.memory_space<vmem>>
        %dma_start3A_30 = arith.constant 0 : i32
        %dma_start3A_31 = arith.constant 0 : i32
        %dma_start3A_32 = tpu.memref_slice %arg5[%dma_start3A_30, %dma_start3A_31] : memref<10240x128xf32, #tpu.memory_space<hbm>> -> memref<10240x128xf32, #tpu.memory_space<hbm>>
        tpu.enqueue_indirect_dma source(%dma_start3A_32 : memref<10240x128xf32, #tpu.memory_space<hbm>>) target(%arg11 : memref<128x128xf32, #tpu.memory_space<vmem>>) offsets(%dma_start3A_29 : memref<128xi32, #tpu.memory_space<vmem>>) semaphore(%arg13 : memref<!tpu.dma_semaphore, #tpu.memory_space<semaphore_mem>>)
        %dma_wait3A = arith.constant 0 : i32
        %dma_wait3A_33 = tpu.memref_slice %arg9[%scan3A_27, %dma_wait3A] : memref<79x128xi32, #tpu.memory_space<vmem>> -> memref<1x128xi32, #tpu.memory_space<vmem>>
        %dma_wait3A_34 = tpu.memref_squeeze %dma_wait3A_33 : memref<1x128xi32, #tpu.memory_space<vmem>> -> memref<128xi32, #tpu.memory_space<vmem>>
        %dma_wait3A_35 = arith.constant 0 : i32
        %dma_wait3A_36 = arith.constant 0 : i32
        %dma_wait3A_37 = tpu.memref_slice %arg5[%dma_wait3A_35, %dma_wait3A_36] : memref<10240x128xf32, #tpu.memory_space<hbm>> -> memref<10240x128xf32, #tpu.memory_space<hbm>>
        tpu.wait_indirect_dma semaphore(%arg13 : memref<!tpu.dma_semaphore, #tpu.memory_space<semaphore_mem>>) src(%dma_wait3A_37 : memref<10240x128xf32, #tpu.memory_space<hbm>>) dst(%arg11 : memref<128x128xf32, #tpu.memory_space<vmem>>)
        "tpu.region"() ({
          %run_scoped3A_38 = tpu.sem_alloc : memref<!tpu.dma_semaphore, #tpu.memory_space<semaphore_mem>>
          %dma_start3A_39 = arith.constant 0 : i32
          %dma_start3A_40 = tpu.memref_slice %arg10[%scan3A_27, %dma_start3A_39] : memref<79x128xi32, #tpu.memory_space<vmem>> -> memref<1x128xi32, #tpu.memory_space<vmem>>
          %dma_start3A_41 = tpu.memref_squeeze %dma_start3A_40 : memref<1x128xi32, #tpu.memory_space<vmem>> -> memref<128xi32, #tpu.memory_space<vmem>>
          %dma_start3A_42 = arith.constant 0 : i32
          %dma_start3A_43 = arith.constant 0 : i32
          %dma_start3A_44 = tpu.memref_slice %arg12[%dma_start3A_42, %dma_start3A_43] : memref<10240x128xf32, #tpu.memory_space<vmem_shared>> -> memref<10240x128xf32, #tpu.memory_space<vmem_shared>>
          tpu.enqueue_indirect_dma source(%arg11 : memref<128x128xf32, #tpu.memory_space<vmem>>) target(%dma_start3A_44 : memref<10240x128xf32, #tpu.memory_space<vmem_shared>>) offsets(%dma_start3A_41 : memref<128xi32, #tpu.memory_space<vmem>>) semaphore(%run_scoped3A_38 : memref<!tpu.dma_semaphore, #tpu.memory_space<semaphore_mem>>) {add = true}
          %dma_wait3A_45 = arith.constant 0 : i32
          %dma_wait3A_46 = tpu.memref_slice %arg10[%scan3A_27, %dma_wait3A_45] : memref<79x128xi32, #tpu.memory_space<vmem>> -> memref<1x128xi32, #tpu.memory_space<vmem>>
          %dma_wait3A_47 = tpu.memref_squeeze %dma_wait3A_46 : memref<1x128xi32, #tpu.memory_space<vmem>> -> memref<128xi32, #tpu.memory_space<vmem>>
          %dma_wait3A_48 = arith.constant 0 : i32
          %dma_wait3A_49 = arith.constant 0 : i32
          %dma_wait3A_50 = tpu.memref_slice %arg12[%dma_wait3A_48, %dma_wait3A_49] : memref<10240x128xf32, #tpu.memory_space<vmem_shared>> -> memref<10240x128xf32, #tpu.memory_space<vmem_shared>>
          tpu.wait_indirect_dma semaphore(%run_scoped3A_38 : memref<!tpu.dma_semaphore, #tpu.memory_space<semaphore_mem>>) src(%arg11 : memref<128x128xf32, #tpu.memory_space<vmem>>) dst(%dma_wait3A_50 : memref<10240x128xf32, #tpu.memory_space<vmem_shared>>)
          tpu.yield
        }) : () -> ()
      }
      %scan3A_13 = arith.constant 79 : i32
      %run_scoped3A_14 = arith.constant 1 : i32
      "tpu.region"() ({
        %run_scoped3A_27 = tpu.sem_alloc : memref<!tpu.dma_semaphore, #tpu.memory_space<semaphore_mem>>
        %dma_start3A = arith.constant 0 : i32
        %dma_start3A_28 = arith.constant 0 : i32
        %dma_start3A_29 = tpu.memref_slice %arg2[%arg1, %run_scoped3A_14, %dma_start3A, %dma_start3A_28] : memref<16x2x79x128xi32, #tpu.memory_space<hbm>> -> memref<1x1x79x128xi32, #tpu.memory_space<hbm>>
        %dma_start3A_30 = tpu.memref_squeeze %dma_start3A_29 : memref<1x1x79x128xi32, #tpu.memory_space<hbm>> -> memref<79x128xi32, #tpu.memory_space<hbm>>
        %dma_start3A_31 = arith.constant 0 : i32
        %dma_start3A_32 = arith.constant 0 : i32
        %dma_start3A_33 = tpu.memref_slice %arg2[%arg1, %run_scoped3A_14, %dma_start3A_31, %dma_start3A_32] : memref<16x2x79x128xi32, #tpu.memory_space<hbm>> -> memref<1x1x79x128xi32, #tpu.memory_space<hbm>>
        %dma_start3A_34 = tpu.memref_squeeze %dma_start3A_33 : memref<1x1x79x128xi32, #tpu.memory_space<hbm>> -> memref<79x128xi32, #tpu.memory_space<hbm>>
        tpu.enqueue_dma source(%dma_start3A_34 : memref<79x128xi32, #tpu.memory_space<hbm>>) target(%arg9 : memref<79x128xi32, #tpu.memory_space<vmem>>) target_semaphore(%run_scoped3A_27 : memref<!tpu.dma_semaphore, #tpu.memory_space<semaphore_mem>>)
        %dma_wait3A = arith.constant 0 : i32
        %dma_wait3A_35 = arith.constant 0 : i32
        %dma_wait3A_36 = tpu.memref_slice %arg2[%arg1, %run_scoped3A_14, %dma_wait3A, %dma_wait3A_35] : memref<16x2x79x128xi32, #tpu.memory_space<hbm>> -> memref<1x1x79x128xi32, #tpu.memory_space<hbm>>
        %dma_wait3A_37 = tpu.memref_squeeze %dma_wait3A_36 : memref<1x1x79x128xi32, #tpu.memory_space<hbm>> -> memref<79x128xi32, #tpu.memory_space<hbm>>
        %dma_wait3A_38 = arith.constant 0 : i32
        %dma_wait3A_39 = arith.constant 0 : i32
        %dma_wait3A_40 = tpu.memref_slice %arg2[%arg1, %run_scoped3A_14, %dma_wait3A_38, %dma_wait3A_39] : memref<16x2x79x128xi32, #tpu.memory_space<hbm>> -> memref<1x1x79x128xi32, #tpu.memory_space<hbm>>
        %dma_wait3A_41 = tpu.memref_squeeze %dma_wait3A_40 : memref<1x1x79x128xi32, #tpu.memory_space<hbm>> -> memref<79x128xi32, #tpu.memory_space<hbm>>
        tpu.wait_dma2 semaphore(%run_scoped3A_27 : memref<!tpu.dma_semaphore, #tpu.memory_space<semaphore_mem>>) src(%dma_wait3A_41 : memref<79x128xi32, #tpu.memory_space<hbm>>) dst(%arg9 : memref<79x128xi32, #tpu.memory_space<vmem>>)
        tpu.yield
      }) : () -> ()
      %run_scoped3A_15 = arith.constant 1 : i32
      "tpu.region"() ({
        %run_scoped3A_27 = tpu.sem_alloc : memref<!tpu.dma_semaphore, #tpu.memory_space<semaphore_mem>>
        %dma_start3A = arith.constant 0 : i32
        %dma_start3A_28 = arith.constant 0 : i32
        %dma_start3A_29 = tpu.memref_slice %arg3[%arg1, %run_scoped3A_15, %dma_start3A, %dma_start3A_28] : memref<16x2x79x128xi32, #tpu.memory_space<hbm>> -> memref<1x1x79x128xi32, #tpu.memory_space<hbm>>
        %dma_start3A_30 = tpu.memref_squeeze %dma_start3A_29 : memref<1x1x79x128xi32, #tpu.memory_space<hbm>> -> memref<79x128xi32, #tpu.memory_space<hbm>>
        %dma_start3A_31 = arith.constant 0 : i32
        %dma_start3A_32 = arith.constant 0 : i32
        %dma_start3A_33 = tpu.memref_slice %arg3[%arg1, %run_scoped3A_15, %dma_start3A_31, %dma_start3A_32] : memref<16x2x79x128xi32, #tpu.memory_space<hbm>> -> memref<1x1x79x128xi32, #tpu.memory_space<hbm>>
        %dma_start3A_34 = tpu.memref_squeeze %dma_start3A_33 : memref<1x1x79x128xi32, #tpu.memory_space<hbm>> -> memref<79x128xi32, #tpu.memory_space<hbm>>
        tpu.enqueue_dma source(%dma_start3A_34 : memref<79x128xi32, #tpu.memory_space<hbm>>) target(%arg10 : memref<79x128xi32, #tpu.memory_space<vmem>>) target_semaphore(%run_scoped3A_27 : memref<!tpu.dma_semaphore, #tpu.memory_space<semaphore_mem>>)
        %dma_wait3A = arith.constant 0 : i32
        %dma_wait3A_35 = arith.constant 0 : i32
        %dma_wait3A_36 = tpu.memref_slice %arg3[%arg1, %run_scoped3A_15, %dma_wait3A, %dma_wait3A_35] : memref<16x2x79x128xi32, #tpu.memory_space<hbm>> -> memref<1x1x79x128xi32, #tpu.memory_space<hbm>>
        %dma_wait3A_37 = tpu.memref_squeeze %dma_wait3A_36 : memref<1x1x79x128xi32, #tpu.memory_space<hbm>> -> memref<79x128xi32, #tpu.memory_space<hbm>>
        %dma_wait3A_38 = arith.constant 0 : i32
        %dma_wait3A_39 = arith.constant 0 : i32
        %dma_wait3A_40 = tpu.memref_slice %arg3[%arg1, %run_scoped3A_15, %dma_wait3A_38, %dma_wait3A_39] : memref<16x2x79x128xi32, #tpu.memory_space<hbm>> -> memref<1x1x79x128xi32, #tpu.memory_space<hbm>>
        %dma_wait3A_41 = tpu.memref_squeeze %dma_wait3A_40 : memref<1x1x79x128xi32, #tpu.memory_space<hbm>> -> memref<79x128xi32, #tpu.memory_space<hbm>>
        tpu.wait_dma2 semaphore(%run_scoped3A_27 : memref<!tpu.dma_semaphore, #tpu.memory_space<semaphore_mem>>) src(%dma_wait3A_41 : memref<79x128xi32, #tpu.memory_space<hbm>>) dst(%arg10 : memref<79x128xi32, #tpu.memory_space<vmem>>)
        tpu.yield
      }) : () -> ()
      %scan3A_16 = arith.constant 0 : i32
      %scan3A_17 = arith.constant 0 : i32
      %scan3A_18 = arith.constant 79 : i32
      %scan3A_19 = arith.addi %scan3A_17, %scan3A_18 : i32
      %scan3A_20 = arith.constant 1 : i32
      scf.for %scan3A_27 = %scan3A_17 to %scan3A_19 step %scan3A_20  : i32 {
        %dma_start3A = arith.constant 0 : i32
        %dma_start3A_28 = tpu.memref_slice %arg9[%scan3A_27, %dma_start3A] : memref<79x128xi32, #tpu.memory_space<vmem>> -> memref<1x128xi32, #tpu.memory_space<vmem>>
        %dma_start3A_29 = tpu.memref_squeeze %dma_start3A_28 : memref<1x128xi32, #tpu.memory_space<vmem>> -> memref<128xi32, #tpu.memory_space<vmem>>
        %dma_start3A_30 = arith.constant 0 : i32
        %dma_start3A_31 = arith.constant 0 : i32
        %dma_start3A_32 = tpu.memref_slice %arg5[%dma_start3A_30, %dma_start3A_31] : memref<10240x128xf32, #tpu.memory_space<hbm>> -> memref<10240x128xf32, #tpu.memory_space<hbm>>
        tpu.enqueue_indirect_dma source(%dma_start3A_32 : memref<10240x128xf32, #tpu.memory_space<hbm>>) target(%arg11 : memref<128x128xf32, #tpu.memory_space<vmem>>) offsets(%dma_start3A_29 : memref<128xi32, #tpu.memory_space<vmem>>) semaphore(%arg13 : memref<!tpu.dma_semaphore, #tpu.memory_space<semaphore_mem>>)
        %dma_wait3A = arith.constant 0 : i32
        %dma_wait3A_33 = tpu.memref_slice %arg9[%scan3A_27, %dma_wait3A] : memref<79x128xi32, #tpu.memory_space<vmem>> -> memref<1x128xi32, #tpu.memory_space<vmem>>
        %dma_wait3A_34 = tpu.memref_squeeze %dma_wait3A_33 : memref<1x128xi32, #tpu.memory_space<vmem>> -> memref<128xi32, #tpu.memory_space<vmem>>
        %dma_wait3A_35 = arith.constant 0 : i32
        %dma_wait3A_36 = arith.constant 0 : i32
        %dma_wait3A_37 = tpu.memref_slice %arg5[%dma_wait3A_35, %dma_wait3A_36] : memref<10240x128xf32, #tpu.memory_space<hbm>> -> memref<10240x128xf32, #tpu.memory_space<hbm>>
        tpu.wait_indirect_dma semaphore(%arg13 : memref<!tpu.dma_semaphore, #tpu.memory_space<semaphore_mem>>) src(%dma_wait3A_37 : memref<10240x128xf32, #tpu.memory_space<hbm>>) dst(%arg11 : memref<128x128xf32, #tpu.memory_space<vmem>>)
        "tpu.region"() ({
          %run_scoped3A_38 = tpu.sem_alloc : memref<!tpu.dma_semaphore, #tpu.memory_space<semaphore_mem>>
          %dma_start3A_39 = arith.constant 0 : i32
          %dma_start3A_40 = tpu.memref_slice %arg10[%scan3A_27, %dma_start3A_39] : memref<79x128xi32, #tpu.memory_space<vmem>> -> memref<1x128xi32, #tpu.memory_space<vmem>>
          %dma_start3A_41 = tpu.memref_squeeze %dma_start3A_40 : memref<1x128xi32, #tpu.memory_space<vmem>> -> memref<128xi32, #tpu.memory_space<vmem>>
          %dma_start3A_42 = arith.constant 0 : i32
          %dma_start3A_43 = arith.constant 0 : i32
          %dma_start3A_44 = tpu.memref_slice %arg12[%dma_start3A_42, %dma_start3A_43] : memref<10240x128xf32, #tpu.memory_space<vmem_shared>> -> memref<10240x128xf32, #tpu.memory_space<vmem_shared>>
          tpu.enqueue_indirect_dma source(%arg11 : memref<128x128xf32, #tpu.memory_space<vmem>>) target(%dma_start3A_44 : memref<10240x128xf32, #tpu.memory_space<vmem_shared>>) offsets(%dma_start3A_41 : memref<128xi32, #tpu.memory_space<vmem>>) semaphore(%run_scoped3A_38 : memref<!tpu.dma_semaphore, #tpu.memory_space<semaphore_mem>>) {add = true}
          %dma_wait3A_45 = arith.constant 0 : i32
          %dma_wait3A_46 = tpu.memref_slice %arg10[%scan3A_27, %dma_wait3A_45] : memref<79x128xi32, #tpu.memory_space<vmem>> -> memref<1x128xi32, #tpu.memory_space<vmem>>
          %dma_wait3A_47 = tpu.memref_squeeze %dma_wait3A_46 : memref<1x128xi32, #tpu.memory_space<vmem>> -> memref<128xi32, #tpu.memory_space<vmem>>
          %dma_wait3A_48 = arith.constant 0 : i32
          %dma_wait3A_49 = arith.constant 0 : i32
          %dma_wait3A_50 = tpu.memref_slice %arg12[%dma_wait3A_48, %dma_wait3A_49] : memref<10240x128xf32, #tpu.memory_space<vmem_shared>> -> memref<10240x128xf32, #tpu.memory_space<vmem_shared>>
          tpu.wait_indirect_dma semaphore(%run_scoped3A_38 : memref<!tpu.dma_semaphore, #tpu.memory_space<semaphore_mem>>) src(%arg11 : memref<128x128xf32, #tpu.memory_space<vmem>>) dst(%dma_wait3A_50 : memref<10240x128xf32, #tpu.memory_space<vmem_shared>>)
          tpu.yield
        }) : () -> ()
      }
      %scan3A_21 = arith.constant 79 : i32
      %barrier3A_22 = arith.constant 0 : index
      tpu.barrier barrier_id(%barrier3A_22)
      %mul3A_23 = arith.constant 640 : i32
      %mul3A_24 = arith.muli %arg1, %mul3A_23 : i32
      %mul3A_25 = arith.constant 640 : i32
      %mul3A_26 = arith.muli %arg1, %mul3A_25 : i32
      "tpu.region"() ({
        %run_scoped3A_27 = tpu.sem_alloc : memref<!tpu.dma_semaphore, #tpu.memory_space<semaphore_mem>>
        %dma_start3A = arith.constant 0 : i32
        %dma_start3A_28 = tpu.memref_slice %arg8[%mul3A_26, %dma_start3A] : memref<10240x128xf32, #tpu.memory_space<hbm>> -> memref<640x128xf32, #tpu.memory_space<hbm>>
        %dma_start3A_29 = arith.constant 0 : i32
        %dma_start3A_30 = tpu.memref_slice %arg12[%mul3A_24, %dma_start3A_29] : memref<10240x128xf32, #tpu.memory_space<vmem_shared>> -> memref<640x128xf32, #tpu.memory_space<vmem_shared>>
        tpu.enqueue_dma source(%dma_start3A_30 : memref<640x128xf32, #tpu.memory_space<vmem_shared>>) target(%dma_start3A_28 : memref<640x128xf32, #tpu.memory_space<hbm>>) target_semaphore(%run_scoped3A_27 : memref<!tpu.dma_semaphore, #tpu.memory_space<semaphore_mem>>)
        %dma_wait3A = arith.constant 0 : i32
        %dma_wait3A_31 = tpu.memref_slice %arg8[%mul3A_26, %dma_wait3A] : memref<10240x128xf32, #tpu.memory_space<hbm>> -> memref<640x128xf32, #tpu.memory_space<hbm>>
        %dma_wait3A_32 = arith.constant 0 : i32
        %dma_wait3A_33 = tpu.memref_slice %arg12[%mul3A_24, %dma_wait3A_32] : memref<10240x128xf32, #tpu.memory_space<vmem_shared>> -> memref<640x128xf32, #tpu.memory_space<vmem_shared>>
        tpu.wait_dma2 semaphore(%run_scoped3A_27 : memref<!tpu.dma_semaphore, #tpu.memory_space<semaphore_mem>>) src(%dma_wait3A_33 : memref<640x128xf32, #tpu.memory_space<vmem_shared>>) dst(%dma_wait3A_31 : memref<640x128xf32, #tpu.memory_space<hbm>>)
        tpu.yield
      }) : () -> ()
    } else {
    }
    return
  }
}

#map = affine_map<(d0, d1) -> (0, 0, 0)>
#map1 = affine_map<(d0, d1) -> (0, 0)>
module attributes {stable_mosaic.version = 14 : i64} {
  func.func @_deg_body(%arg0: i32, %arg1: i32, %arg2: memref<32x79x128xi32, #tpu.memory_space<hbm>>, %arg3: memref<128x128xf32, #tpu.memory_space<hbm>>, %arg4: memref<640x128xf32, #tpu.memory_space<hbm>>, %arg5: memref<20480x128xf32, #tpu.memory_space<hbm>>, %arg6: memref<79x128xi32, #tpu.memory_space<vmem>>, %arg7: memref<128x128xf32, #tpu.memory_space<vmem>>, %arg8: memref<10240x128xf32, #tpu.memory_space<vmem_shared>>, %arg9: memref<!tpu.dma_semaphore, #tpu.memory_space<semaphore_mem>>) attributes {dimension_semantics = [#tpu.dimension_semantics<core_parallel>, #tpu.dimension_semantics<subcore_parallel>], iteration_bounds = array<i64: 2, 16>, scalar_prefetch = 0 : i64, scratch_operands = 4 : i64, tpu.core_type = #tpu.core_type<sc_vector_subcore>, window_params = [{transform_indices = #map}, {transform_indices = #map1}, {transform_indices = #map1}, {transform_indices = #map1}]} {
    %mul3A = arith.constant 16 : i32
    %mul3A_0 = arith.muli %arg0, %mul3A : i32
    %add3A = arith.addi %mul3A_0, %arg1 : i32
    %mul3A_1 = arith.constant 640 : i32
    %mul3A_2 = arith.muli %arg1, %mul3A_1 : i32
    "tpu.region"() ({
      %run_scoped3A = tpu.sem_alloc : memref<!tpu.dma_semaphore, #tpu.memory_space<semaphore_mem>>
      %dma_start3A = arith.constant 0 : i32
      %dma_start3A_16 = tpu.memref_slice %arg8[%mul3A_2, %dma_start3A] : memref<10240x128xf32, #tpu.memory_space<vmem_shared>> -> memref<640x128xf32, #tpu.memory_space<vmem_shared>>
      tpu.enqueue_dma source(%arg4 : memref<640x128xf32, #tpu.memory_space<hbm>>) target(%dma_start3A_16 : memref<640x128xf32, #tpu.memory_space<vmem_shared>>) target_semaphore(%run_scoped3A : memref<!tpu.dma_semaphore, #tpu.memory_space<semaphore_mem>>)
      %dma_wait3A = arith.constant 0 : i32
      %dma_wait3A_17 = tpu.memref_slice %arg8[%mul3A_2, %dma_wait3A] : memref<10240x128xf32, #tpu.memory_space<vmem_shared>> -> memref<640x128xf32, #tpu.memory_space<vmem_shared>>
      tpu.wait_dma2 semaphore(%run_scoped3A : memref<!tpu.dma_semaphore, #tpu.memory_space<semaphore_mem>>) src(%arg4 : memref<640x128xf32, #tpu.memory_space<hbm>>) dst(%dma_wait3A_17 : memref<640x128xf32, #tpu.memory_space<vmem_shared>>)
      tpu.yield
    }) : () -> ()
    "tpu.region"() ({
      %run_scoped3A = tpu.sem_alloc : memref<!tpu.dma_semaphore, #tpu.memory_space<semaphore_mem>>
      tpu.enqueue_dma source(%arg3 : memref<128x128xf32, #tpu.memory_space<hbm>>) target(%arg7 : memref<128x128xf32, #tpu.memory_space<vmem>>) target_semaphore(%run_scoped3A : memref<!tpu.dma_semaphore, #tpu.memory_space<semaphore_mem>>)
      tpu.wait_dma2 semaphore(%run_scoped3A : memref<!tpu.dma_semaphore, #tpu.memory_space<semaphore_mem>>) src(%arg3 : memref<128x128xf32, #tpu.memory_space<hbm>>) dst(%arg7 : memref<128x128xf32, #tpu.memory_space<vmem>>)
      tpu.yield
    }) : () -> ()
    "tpu.region"() ({
      %run_scoped3A = tpu.sem_alloc : memref<!tpu.dma_semaphore, #tpu.memory_space<semaphore_mem>>
      %dma_start3A = arith.constant 0 : i32
      %dma_start3A_16 = arith.constant 0 : i32
      %dma_start3A_17 = tpu.memref_slice %arg2[%add3A, %dma_start3A, %dma_start3A_16] : memref<32x79x128xi32, #tpu.memory_space<hbm>> -> memref<1x79x128xi32, #tpu.memory_space<hbm>>
      %dma_start3A_18 = tpu.memref_squeeze %dma_start3A_17 : memref<1x79x128xi32, #tpu.memory_space<hbm>> -> memref<79x128xi32, #tpu.memory_space<hbm>>
      %dma_start3A_19 = arith.constant 0 : i32
      %dma_start3A_20 = arith.constant 0 : i32
      %dma_start3A_21 = tpu.memref_slice %arg2[%add3A, %dma_start3A_19, %dma_start3A_20] : memref<32x79x128xi32, #tpu.memory_space<hbm>> -> memref<1x79x128xi32, #tpu.memory_space<hbm>>
      %dma_start3A_22 = tpu.memref_squeeze %dma_start3A_21 : memref<1x79x128xi32, #tpu.memory_space<hbm>> -> memref<79x128xi32, #tpu.memory_space<hbm>>
      tpu.enqueue_dma source(%dma_start3A_22 : memref<79x128xi32, #tpu.memory_space<hbm>>) target(%arg6 : memref<79x128xi32, #tpu.memory_space<vmem>>) target_semaphore(%run_scoped3A : memref<!tpu.dma_semaphore, #tpu.memory_space<semaphore_mem>>)
      %dma_wait3A = arith.constant 0 : i32
      %dma_wait3A_23 = arith.constant 0 : i32
      %dma_wait3A_24 = tpu.memref_slice %arg2[%add3A, %dma_wait3A, %dma_wait3A_23] : memref<32x79x128xi32, #tpu.memory_space<hbm>> -> memref<1x79x128xi32, #tpu.memory_space<hbm>>
      %dma_wait3A_25 = tpu.memref_squeeze %dma_wait3A_24 : memref<1x79x128xi32, #tpu.memory_space<hbm>> -> memref<79x128xi32, #tpu.memory_space<hbm>>
      %dma_wait3A_26 = arith.constant 0 : i32
      %dma_wait3A_27 = arith.constant 0 : i32
      %dma_wait3A_28 = tpu.memref_slice %arg2[%add3A, %dma_wait3A_26, %dma_wait3A_27] : memref<32x79x128xi32, #tpu.memory_space<hbm>> -> memref<1x79x128xi32, #tpu.memory_space<hbm>>
      %dma_wait3A_29 = tpu.memref_squeeze %dma_wait3A_28 : memref<1x79x128xi32, #tpu.memory_space<hbm>> -> memref<79x128xi32, #tpu.memory_space<hbm>>
      tpu.wait_dma2 semaphore(%run_scoped3A : memref<!tpu.dma_semaphore, #tpu.memory_space<semaphore_mem>>) src(%dma_wait3A_29 : memref<79x128xi32, #tpu.memory_space<hbm>>) dst(%arg6 : memref<79x128xi32, #tpu.memory_space<vmem>>)
      tpu.yield
    }) : () -> ()
    %barrier3A = arith.constant 0 : index
    tpu.barrier barrier_id(%barrier3A)
    %scan3A = arith.constant 0 : i32
    %scan3A_3 = arith.constant 0 : i32
    %scan3A_4 = arith.constant 79 : i32
    %scan3A_5 = arith.addi %scan3A_3, %scan3A_4 : i32
    %scan3A_6 = arith.constant 1 : i32
    scf.for %scan3A_16 = %scan3A_3 to %scan3A_5 step %scan3A_6  : i32 {
      "tpu.region"() ({
        %run_scoped3A = tpu.sem_alloc : memref<!tpu.dma_semaphore, #tpu.memory_space<semaphore_mem>>
        %dma_start3A = arith.constant 0 : i32
        %dma_start3A_17 = tpu.memref_slice %arg6[%scan3A_16, %dma_start3A] : memref<79x128xi32, #tpu.memory_space<vmem>> -> memref<1x128xi32, #tpu.memory_space<vmem>>
        %dma_start3A_18 = tpu.memref_squeeze %dma_start3A_17 : memref<1x128xi32, #tpu.memory_space<vmem>> -> memref<128xi32, #tpu.memory_space<vmem>>
        %dma_start3A_19 = arith.constant 0 : i32
        %dma_start3A_20 = arith.constant 0 : i32
        %dma_start3A_21 = tpu.memref_slice %arg8[%dma_start3A_19, %dma_start3A_20] : memref<10240x128xf32, #tpu.memory_space<vmem_shared>> -> memref<10240x128xf32, #tpu.memory_space<vmem_shared>>
        tpu.enqueue_indirect_dma source(%arg7 : memref<128x128xf32, #tpu.memory_space<vmem>>) target(%dma_start3A_21 : memref<10240x128xf32, #tpu.memory_space<vmem_shared>>) offsets(%dma_start3A_18 : memref<128xi32, #tpu.memory_space<vmem>>) semaphore(%run_scoped3A : memref<!tpu.dma_semaphore, #tpu.memory_space<semaphore_mem>>) {add = true}
        %dma_wait3A = arith.constant 0 : i32
        %dma_wait3A_22 = tpu.memref_slice %arg6[%scan3A_16, %dma_wait3A] : memref<79x128xi32, #tpu.memory_space<vmem>> -> memref<1x128xi32, #tpu.memory_space<vmem>>
        %dma_wait3A_23 = tpu.memref_squeeze %dma_wait3A_22 : memref<1x128xi32, #tpu.memory_space<vmem>> -> memref<128xi32, #tpu.memory_space<vmem>>
        %dma_wait3A_24 = arith.constant 0 : i32
        %dma_wait3A_25 = arith.constant 0 : i32
        %dma_wait3A_26 = tpu.memref_slice %arg8[%dma_wait3A_24, %dma_wait3A_25] : memref<10240x128xf32, #tpu.memory_space<vmem_shared>> -> memref<10240x128xf32, #tpu.memory_space<vmem_shared>>
        tpu.wait_indirect_dma semaphore(%run_scoped3A : memref<!tpu.dma_semaphore, #tpu.memory_space<semaphore_mem>>) src(%arg7 : memref<128x128xf32, #tpu.memory_space<vmem>>) dst(%dma_wait3A_26 : memref<10240x128xf32, #tpu.memory_space<vmem_shared>>)
        tpu.yield
      }) : () -> ()
    }
    %scan3A_7 = arith.constant 79 : i32
    %barrier3A_8 = arith.constant 0 : index
    tpu.barrier barrier_id(%barrier3A_8)
    %mul3A_9 = arith.constant 640 : i32
    %mul3A_10 = arith.muli %arg1, %mul3A_9 : i32
    %mul3A_11 = arith.constant 10240 : i32
    %mul3A_12 = arith.muli %arg0, %mul3A_11 : i32
    %mul3A_13 = arith.constant 640 : i32
    %mul3A_14 = arith.muli %arg1, %mul3A_13 : i32
    %add3A_15 = arith.addi %mul3A_12, %mul3A_14 : i32
    "tpu.region"() ({
      %run_scoped3A = tpu.sem_alloc : memref<!tpu.dma_semaphore, #tpu.memory_space<semaphore_mem>>
      %dma_start3A = arith.constant 0 : i32
      %dma_start3A_16 = tpu.memref_slice %arg5[%add3A_15, %dma_start3A] : memref<20480x128xf32, #tpu.memory_space<hbm>> -> memref<640x128xf32, #tpu.memory_space<hbm>>
      %dma_start3A_17 = arith.constant 0 : i32
      %dma_start3A_18 = tpu.memref_slice %arg8[%mul3A_10, %dma_start3A_17] : memref<10240x128xf32, #tpu.memory_space<vmem_shared>> -> memref<640x128xf32, #tpu.memory_space<vmem_shared>>
      tpu.enqueue_dma source(%dma_start3A_18 : memref<640x128xf32, #tpu.memory_space<vmem_shared>>) target(%dma_start3A_16 : memref<640x128xf32, #tpu.memory_space<hbm>>) target_semaphore(%run_scoped3A : memref<!tpu.dma_semaphore, #tpu.memory_space<semaphore_mem>>)
      %dma_wait3A = arith.constant 0 : i32
      %dma_wait3A_19 = tpu.memref_slice %arg5[%add3A_15, %dma_wait3A] : memref<20480x128xf32, #tpu.memory_space<hbm>> -> memref<640x128xf32, #tpu.memory_space<hbm>>
      %dma_wait3A_20 = arith.constant 0 : i32
      %dma_wait3A_21 = tpu.memref_slice %arg8[%mul3A_10, %dma_wait3A_20] : memref<10240x128xf32, #tpu.memory_space<vmem_shared>> -> memref<640x128xf32, #tpu.memory_space<vmem_shared>>
      tpu.wait_dma2 semaphore(%run_scoped3A : memref<!tpu.dma_semaphore, #tpu.memory_space<semaphore_mem>>) src(%dma_wait3A_21 : memref<640x128xf32, #tpu.memory_space<vmem_shared>>) dst(%dma_wait3A_19 : memref<640x128xf32, #tpu.memory_space<hbm>>)
      tpu.yield
    }) : () -> ()
    return
  }
}

#map = affine_map<(d0, d1) -> (0, 0, 0, 0)>
#map1 = affine_map<(d0, d1) -> (0, 0)>
module attributes {stable_mosaic.version = 14 : i64} {
  func.func @_msg_body(%arg0: i32, %arg1: i32, %arg2: memref<16x2x79x128xi32, #tpu.memory_space<hbm>>, %arg3: memref<16x2x79x128xi32, #tpu.memory_space<hbm>>, %arg4: memref<10240x128xf32, #tpu.memory_space<hbm>>, %arg5: memref<10240x128xf32, #tpu.memory_space<hbm>>, %arg6: memref<640x128xf32, #tpu.memory_space<hbm>>, %arg7: memref<10240x128xf32, #tpu.memory_space<hbm>>, %arg8: memref<10240x128xf32, #tpu.memory_space<hbm>>, %arg9: memref<79x128xi32, #tpu.memory_space<vmem>>, %arg10: memref<79x128xi32, #tpu.memory_space<vmem>>, %arg11: memref<128x128xf32, #tpu.memory_space<vmem>>, %arg12: memref<10240x128xf32, #tpu.memory_space<vmem_shared>>, %arg13: memref<!tpu.dma_semaphore, #tpu.memory_space<semaphore_mem>>) attributes {dimension_semantics = [#tpu.dimension_semantics<core_parallel>, #tpu.dimension_semantics<subcore_parallel>], iteration_bounds = array<i64: 2, 16>, scalar_prefetch = 0 : i64, scratch_operands = 5 : i64, tpu.core_type = #tpu.core_type<sc_vector_subcore>, window_params = [{transform_indices = #map}, {transform_indices = #map}, {transform_indices = #map1}, {transform_indices = #map1}, {transform_indices = #map1}, {transform_indices = #map1}, {transform_indices = #map1}]} {
    %mul3A = arith.constant 640 : i32
    %mul3A_0 = arith.muli %arg1, %mul3A : i32
    "tpu.region"() ({
      %run_scoped3A = tpu.sem_alloc : memref<!tpu.dma_semaphore, #tpu.memory_space<semaphore_mem>>
      %dma_start3A = arith.constant 0 : i32
      %dma_start3A_8 = tpu.memref_slice %arg12[%mul3A_0, %dma_start3A] : memref<10240x128xf32, #tpu.memory_space<vmem_shared>> -> memref<640x128xf32, #tpu.memory_space<vmem_shared>>
      tpu.enqueue_dma source(%arg6 : memref<640x128xf32, #tpu.memory_space<hbm>>) target(%dma_start3A_8 : memref<640x128xf32, #tpu.memory_space<vmem_shared>>) target_semaphore(%run_scoped3A : memref<!tpu.dma_semaphore, #tpu.memory_space<semaphore_mem>>)
      %dma_wait3A = arith.constant 0 : i32
      %dma_wait3A_9 = tpu.memref_slice %arg12[%mul3A_0, %dma_wait3A] : memref<10240x128xf32, #tpu.memory_space<vmem_shared>> -> memref<640x128xf32, #tpu.memory_space<vmem_shared>>
      tpu.wait_dma2 semaphore(%run_scoped3A : memref<!tpu.dma_semaphore, #tpu.memory_space<semaphore_mem>>) src(%arg6 : memref<640x128xf32, #tpu.memory_space<hbm>>) dst(%dma_wait3A_9 : memref<640x128xf32, #tpu.memory_space<vmem_shared>>)
      tpu.yield
    }) : () -> ()
    %barrier3A = arith.constant 0 : index
    tpu.barrier barrier_id(%barrier3A)
    %eq3A = arith.constant 0 : i32
    %eq3A_1 = arith.cmpi eq, %arg0, %eq3A : i32
    %convert_element_type3A = arith.extui %eq3A_1 : i1 to i32
    %cond3A = arith.constant 0 : i32
    %cond3A_2 = arith.cmpi ne, %convert_element_type3A, %cond3A : i32
    scf.if %cond3A_2 {
      %run_scoped3A = arith.constant 0 : i32
      "tpu.region"() ({
        %run_scoped3A_27 = tpu.sem_alloc : memref<!tpu.dma_semaphore, #tpu.memory_space<semaphore_mem>>
        %dma_start3A = arith.constant 0 : i32
        %dma_start3A_28 = arith.constant 0 : i32
        %dma_start3A_29 = tpu.memref_slice %arg2[%arg1, %run_scoped3A, %dma_start3A, %dma_start3A_28] : memref<16x2x79x128xi32, #tpu.memory_space<hbm>> -> memref<1x1x79x128xi32, #tpu.memory_space<hbm>>
        %dma_start3A_30 = tpu.memref_squeeze %dma_start3A_29 : memref<1x1x79x128xi32, #tpu.memory_space<hbm>> -> memref<79x128xi32, #tpu.memory_space<hbm>>
        %dma_start3A_31 = arith.constant 0 : i32
        %dma_start3A_32 = arith.constant 0 : i32
        %dma_start3A_33 = tpu.memref_slice %arg2[%arg1, %run_scoped3A, %dma_start3A_31, %dma_start3A_32] : memref<16x2x79x128xi32, #tpu.memory_space<hbm>> -> memref<1x1x79x128xi32, #tpu.memory_space<hbm>>
        %dma_start3A_34 = tpu.memref_squeeze %dma_start3A_33 : memref<1x1x79x128xi32, #tpu.memory_space<hbm>> -> memref<79x128xi32, #tpu.memory_space<hbm>>
        tpu.enqueue_dma source(%dma_start3A_34 : memref<79x128xi32, #tpu.memory_space<hbm>>) target(%arg9 : memref<79x128xi32, #tpu.memory_space<vmem>>) target_semaphore(%run_scoped3A_27 : memref<!tpu.dma_semaphore, #tpu.memory_space<semaphore_mem>>)
        %dma_wait3A = arith.constant 0 : i32
        %dma_wait3A_35 = arith.constant 0 : i32
        %dma_wait3A_36 = tpu.memref_slice %arg2[%arg1, %run_scoped3A, %dma_wait3A, %dma_wait3A_35] : memref<16x2x79x128xi32, #tpu.memory_space<hbm>> -> memref<1x1x79x128xi32, #tpu.memory_space<hbm>>
        %dma_wait3A_37 = tpu.memref_squeeze %dma_wait3A_36 : memref<1x1x79x128xi32, #tpu.memory_space<hbm>> -> memref<79x128xi32, #tpu.memory_space<hbm>>
        %dma_wait3A_38 = arith.constant 0 : i32
        %dma_wait3A_39 = arith.constant 0 : i32
        %dma_wait3A_40 = tpu.memref_slice %arg2[%arg1, %run_scoped3A, %dma_wait3A_38, %dma_wait3A_39] : memref<16x2x79x128xi32, #tpu.memory_space<hbm>> -> memref<1x1x79x128xi32, #tpu.memory_space<hbm>>
        %dma_wait3A_41 = tpu.memref_squeeze %dma_wait3A_40 : memref<1x1x79x128xi32, #tpu.memory_space<hbm>> -> memref<79x128xi32, #tpu.memory_space<hbm>>
        tpu.wait_dma2 semaphore(%run_scoped3A_27 : memref<!tpu.dma_semaphore, #tpu.memory_space<semaphore_mem>>) src(%dma_wait3A_41 : memref<79x128xi32, #tpu.memory_space<hbm>>) dst(%arg9 : memref<79x128xi32, #tpu.memory_space<vmem>>)
        tpu.yield
      }) : () -> ()
      %run_scoped3A_8 = arith.constant 0 : i32
      "tpu.region"() ({
        %run_scoped3A_27 = tpu.sem_alloc : memref<!tpu.dma_semaphore, #tpu.memory_space<semaphore_mem>>
        %dma_start3A = arith.constant 0 : i32
        %dma_start3A_28 = arith.constant 0 : i32
        %dma_start3A_29 = tpu.memref_slice %arg3[%arg1, %run_scoped3A_8, %dma_start3A, %dma_start3A_28] : memref<16x2x79x128xi32, #tpu.memory_space<hbm>> -> memref<1x1x79x128xi32, #tpu.memory_space<hbm>>
        %dma_start3A_30 = tpu.memref_squeeze %dma_start3A_29 : memref<1x1x79x128xi32, #tpu.memory_space<hbm>> -> memref<79x128xi32, #tpu.memory_space<hbm>>
        %dma_start3A_31 = arith.constant 0 : i32
        %dma_start3A_32 = arith.constant 0 : i32
        %dma_start3A_33 = tpu.memref_slice %arg3[%arg1, %run_scoped3A_8, %dma_start3A_31, %dma_start3A_32] : memref<16x2x79x128xi32, #tpu.memory_space<hbm>> -> memref<1x1x79x128xi32, #tpu.memory_space<hbm>>
        %dma_start3A_34 = tpu.memref_squeeze %dma_start3A_33 : memref<1x1x79x128xi32, #tpu.memory_space<hbm>> -> memref<79x128xi32, #tpu.memory_space<hbm>>
        tpu.enqueue_dma source(%dma_start3A_34 : memref<79x128xi32, #tpu.memory_space<hbm>>) target(%arg10 : memref<79x128xi32, #tpu.memory_space<vmem>>) target_semaphore(%run_scoped3A_27 : memref<!tpu.dma_semaphore, #tpu.memory_space<semaphore_mem>>)
        %dma_wait3A = arith.constant 0 : i32
        %dma_wait3A_35 = arith.constant 0 : i32
        %dma_wait3A_36 = tpu.memref_slice %arg3[%arg1, %run_scoped3A_8, %dma_wait3A, %dma_wait3A_35] : memref<16x2x79x128xi32, #tpu.memory_space<hbm>> -> memref<1x1x79x128xi32, #tpu.memory_space<hbm>>
        %dma_wait3A_37 = tpu.memref_squeeze %dma_wait3A_36 : memref<1x1x79x128xi32, #tpu.memory_space<hbm>> -> memref<79x128xi32, #tpu.memory_space<hbm>>
        %dma_wait3A_38 = arith.constant 0 : i32
        %dma_wait3A_39 = arith.constant 0 : i32
        %dma_wait3A_40 = tpu.memref_slice %arg3[%arg1, %run_scoped3A_8, %dma_wait3A_38, %dma_wait3A_39] : memref<16x2x79x128xi32, #tpu.memory_space<hbm>> -> memref<1x1x79x128xi32, #tpu.memory_space<hbm>>
        %dma_wait3A_41 = tpu.memref_squeeze %dma_wait3A_40 : memref<1x1x79x128xi32, #tpu.memory_space<hbm>> -> memref<79x128xi32, #tpu.memory_space<hbm>>
        tpu.wait_dma2 semaphore(%run_scoped3A_27 : memref<!tpu.dma_semaphore, #tpu.memory_space<semaphore_mem>>) src(%dma_wait3A_41 : memref<79x128xi32, #tpu.memory_space<hbm>>) dst(%arg10 : memref<79x128xi32, #tpu.memory_space<vmem>>)
        tpu.yield
      }) : () -> ()
      %scan3A = arith.constant 0 : i32
      %scan3A_9 = arith.constant 0 : i32
      %scan3A_10 = arith.constant 79 : i32
      %scan3A_11 = arith.addi %scan3A_9, %scan3A_10 : i32
      %scan3A_12 = arith.constant 1 : i32
      scf.for %scan3A_27 = %scan3A_9 to %scan3A_11 step %scan3A_12  : i32 {
        %dma_start3A = arith.constant 0 : i32
        %dma_start3A_28 = tpu.memref_slice %arg9[%scan3A_27, %dma_start3A] : memref<79x128xi32, #tpu.memory_space<vmem>> -> memref<1x128xi32, #tpu.memory_space<vmem>>
        %dma_start3A_29 = tpu.memref_squeeze %dma_start3A_28 : memref<1x128xi32, #tpu.memory_space<vmem>> -> memref<128xi32, #tpu.memory_space<vmem>>
        %dma_start3A_30 = arith.constant 0 : i32
        %dma_start3A_31 = arith.constant 0 : i32
        %dma_start3A_32 = tpu.memref_slice %arg4[%dma_start3A_30, %dma_start3A_31] : memref<10240x128xf32, #tpu.memory_space<hbm>> -> memref<10240x128xf32, #tpu.memory_space<hbm>>
        tpu.enqueue_indirect_dma source(%dma_start3A_32 : memref<10240x128xf32, #tpu.memory_space<hbm>>) target(%arg11 : memref<128x128xf32, #tpu.memory_space<vmem>>) offsets(%dma_start3A_29 : memref<128xi32, #tpu.memory_space<vmem>>) semaphore(%arg13 : memref<!tpu.dma_semaphore, #tpu.memory_space<semaphore_mem>>)
        %dma_wait3A = arith.constant 0 : i32
        %dma_wait3A_33 = tpu.memref_slice %arg9[%scan3A_27, %dma_wait3A] : memref<79x128xi32, #tpu.memory_space<vmem>> -> memref<1x128xi32, #tpu.memory_space<vmem>>
        %dma_wait3A_34 = tpu.memref_squeeze %dma_wait3A_33 : memref<1x128xi32, #tpu.memory_space<vmem>> -> memref<128xi32, #tpu.memory_space<vmem>>
        %dma_wait3A_35 = arith.constant 0 : i32
        %dma_wait3A_36 = arith.constant 0 : i32
        %dma_wait3A_37 = tpu.memref_slice %arg4[%dma_wait3A_35, %dma_wait3A_36] : memref<10240x128xf32, #tpu.memory_space<hbm>> -> memref<10240x128xf32, #tpu.memory_space<hbm>>
        tpu.wait_indirect_dma semaphore(%arg13 : memref<!tpu.dma_semaphore, #tpu.memory_space<semaphore_mem>>) src(%dma_wait3A_37 : memref<10240x128xf32, #tpu.memory_space<hbm>>) dst(%arg11 : memref<128x128xf32, #tpu.memory_space<vmem>>)
        "tpu.region"() ({
          %run_scoped3A_38 = tpu.sem_alloc : memref<!tpu.dma_semaphore, #tpu.memory_space<semaphore_mem>>
          %dma_start3A_39 = arith.constant 0 : i32
          %dma_start3A_40 = tpu.memref_slice %arg10[%scan3A_27, %dma_start3A_39] : memref<79x128xi32, #tpu.memory_space<vmem>> -> memref<1x128xi32, #tpu.memory_space<vmem>>
          %dma_start3A_41 = tpu.memref_squeeze %dma_start3A_40 : memref<1x128xi32, #tpu.memory_space<vmem>> -> memref<128xi32, #tpu.memory_space<vmem>>
          %dma_start3A_42 = arith.constant 0 : i32
          %dma_start3A_43 = arith.constant 0 : i32
          %dma_start3A_44 = tpu.memref_slice %arg12[%dma_start3A_42, %dma_start3A_43] : memref<10240x128xf32, #tpu.memory_space<vmem_shared>> -> memref<10240x128xf32, #tpu.memory_space<vmem_shared>>
          tpu.enqueue_indirect_dma source(%arg11 : memref<128x128xf32, #tpu.memory_space<vmem>>) target(%dma_start3A_44 : memref<10240x128xf32, #tpu.memory_space<vmem_shared>>) offsets(%dma_start3A_41 : memref<128xi32, #tpu.memory_space<vmem>>) semaphore(%run_scoped3A_38 : memref<!tpu.dma_semaphore, #tpu.memory_space<semaphore_mem>>) {add = true}
          %dma_wait3A_45 = arith.constant 0 : i32
          %dma_wait3A_46 = tpu.memref_slice %arg10[%scan3A_27, %dma_wait3A_45] : memref<79x128xi32, #tpu.memory_space<vmem>> -> memref<1x128xi32, #tpu.memory_space<vmem>>
          %dma_wait3A_47 = tpu.memref_squeeze %dma_wait3A_46 : memref<1x128xi32, #tpu.memory_space<vmem>> -> memref<128xi32, #tpu.memory_space<vmem>>
          %dma_wait3A_48 = arith.constant 0 : i32
          %dma_wait3A_49 = arith.constant 0 : i32
          %dma_wait3A_50 = tpu.memref_slice %arg12[%dma_wait3A_48, %dma_wait3A_49] : memref<10240x128xf32, #tpu.memory_space<vmem_shared>> -> memref<10240x128xf32, #tpu.memory_space<vmem_shared>>
          tpu.wait_indirect_dma semaphore(%run_scoped3A_38 : memref<!tpu.dma_semaphore, #tpu.memory_space<semaphore_mem>>) src(%arg11 : memref<128x128xf32, #tpu.memory_space<vmem>>) dst(%dma_wait3A_50 : memref<10240x128xf32, #tpu.memory_space<vmem_shared>>)
          tpu.yield
        }) : () -> ()
      }
      %scan3A_13 = arith.constant 79 : i32
      %run_scoped3A_14 = arith.constant 1 : i32
      "tpu.region"() ({
        %run_scoped3A_27 = tpu.sem_alloc : memref<!tpu.dma_semaphore, #tpu.memory_space<semaphore_mem>>
        %dma_start3A = arith.constant 0 : i32
        %dma_start3A_28 = arith.constant 0 : i32
        %dma_start3A_29 = tpu.memref_slice %arg2[%arg1, %run_scoped3A_14, %dma_start3A, %dma_start3A_28] : memref<16x2x79x128xi32, #tpu.memory_space<hbm>> -> memref<1x1x79x128xi32, #tpu.memory_space<hbm>>
        %dma_start3A_30 = tpu.memref_squeeze %dma_start3A_29 : memref<1x1x79x128xi32, #tpu.memory_space<hbm>> -> memref<79x128xi32, #tpu.memory_space<hbm>>
        %dma_start3A_31 = arith.constant 0 : i32
        %dma_start3A_32 = arith.constant 0 : i32
        %dma_start3A_33 = tpu.memref_slice %arg2[%arg1, %run_scoped3A_14, %dma_start3A_31, %dma_start3A_32] : memref<16x2x79x128xi32, #tpu.memory_space<hbm>> -> memref<1x1x79x128xi32, #tpu.memory_space<hbm>>
        %dma_start3A_34 = tpu.memref_squeeze %dma_start3A_33 : memref<1x1x79x128xi32, #tpu.memory_space<hbm>> -> memref<79x128xi32, #tpu.memory_space<hbm>>
        tpu.enqueue_dma source(%dma_start3A_34 : memref<79x128xi32, #tpu.memory_space<hbm>>) target(%arg9 : memref<79x128xi32, #tpu.memory_space<vmem>>) target_semaphore(%run_scoped3A_27 : memref<!tpu.dma_semaphore, #tpu.memory_space<semaphore_mem>>)
        %dma_wait3A = arith.constant 0 : i32
        %dma_wait3A_35 = arith.constant 0 : i32
        %dma_wait3A_36 = tpu.memref_slice %arg2[%arg1, %run_scoped3A_14, %dma_wait3A, %dma_wait3A_35] : memref<16x2x79x128xi32, #tpu.memory_space<hbm>> -> memref<1x1x79x128xi32, #tpu.memory_space<hbm>>
        %dma_wait3A_37 = tpu.memref_squeeze %dma_wait3A_36 : memref<1x1x79x128xi32, #tpu.memory_space<hbm>> -> memref<79x128xi32, #tpu.memory_space<hbm>>
        %dma_wait3A_38 = arith.constant 0 : i32
        %dma_wait3A_39 = arith.constant 0 : i32
        %dma_wait3A_40 = tpu.memref_slice %arg2[%arg1, %run_scoped3A_14, %dma_wait3A_38, %dma_wait3A_39] : memref<16x2x79x128xi32, #tpu.memory_space<hbm>> -> memref<1x1x79x128xi32, #tpu.memory_space<hbm>>
        %dma_wait3A_41 = tpu.memref_squeeze %dma_wait3A_40 : memref<1x1x79x128xi32, #tpu.memory_space<hbm>> -> memref<79x128xi32, #tpu.memory_space<hbm>>
        tpu.wait_dma2 semaphore(%run_scoped3A_27 : memref<!tpu.dma_semaphore, #tpu.memory_space<semaphore_mem>>) src(%dma_wait3A_41 : memref<79x128xi32, #tpu.memory_space<hbm>>) dst(%arg9 : memref<79x128xi32, #tpu.memory_space<vmem>>)
        tpu.yield
      }) : () -> ()
      %run_scoped3A_15 = arith.constant 1 : i32
      "tpu.region"() ({
        %run_scoped3A_27 = tpu.sem_alloc : memref<!tpu.dma_semaphore, #tpu.memory_space<semaphore_mem>>
        %dma_start3A = arith.constant 0 : i32
        %dma_start3A_28 = arith.constant 0 : i32
        %dma_start3A_29 = tpu.memref_slice %arg3[%arg1, %run_scoped3A_15, %dma_start3A, %dma_start3A_28] : memref<16x2x79x128xi32, #tpu.memory_space<hbm>> -> memref<1x1x79x128xi32, #tpu.memory_space<hbm>>
        %dma_start3A_30 = tpu.memref_squeeze %dma_start3A_29 : memref<1x1x79x128xi32, #tpu.memory_space<hbm>> -> memref<79x128xi32, #tpu.memory_space<hbm>>
        %dma_start3A_31 = arith.constant 0 : i32
        %dma_start3A_32 = arith.constant 0 : i32
        %dma_start3A_33 = tpu.memref_slice %arg3[%arg1, %run_scoped3A_15, %dma_start3A_31, %dma_start3A_32] : memref<16x2x79x128xi32, #tpu.memory_space<hbm>> -> memref<1x1x79x128xi32, #tpu.memory_space<hbm>>
        %dma_start3A_34 = tpu.memref_squeeze %dma_start3A_33 : memref<1x1x79x128xi32, #tpu.memory_space<hbm>> -> memref<79x128xi32, #tpu.memory_space<hbm>>
        tpu.enqueue_dma source(%dma_start3A_34 : memref<79x128xi32, #tpu.memory_space<hbm>>) target(%arg10 : memref<79x128xi32, #tpu.memory_space<vmem>>) target_semaphore(%run_scoped3A_27 : memref<!tpu.dma_semaphore, #tpu.memory_space<semaphore_mem>>)
        %dma_wait3A = arith.constant 0 : i32
        %dma_wait3A_35 = arith.constant 0 : i32
        %dma_wait3A_36 = tpu.memref_slice %arg3[%arg1, %run_scoped3A_15, %dma_wait3A, %dma_wait3A_35] : memref<16x2x79x128xi32, #tpu.memory_space<hbm>> -> memref<1x1x79x128xi32, #tpu.memory_space<hbm>>
        %dma_wait3A_37 = tpu.memref_squeeze %dma_wait3A_36 : memref<1x1x79x128xi32, #tpu.memory_space<hbm>> -> memref<79x128xi32, #tpu.memory_space<hbm>>
        %dma_wait3A_38 = arith.constant 0 : i32
        %dma_wait3A_39 = arith.constant 0 : i32
        %dma_wait3A_40 = tpu.memref_slice %arg3[%arg1, %run_scoped3A_15, %dma_wait3A_38, %dma_wait3A_39] : memref<16x2x79x128xi32, #tpu.memory_space<hbm>> -> memref<1x1x79x128xi32, #tpu.memory_space<hbm>>
        %dma_wait3A_41 = tpu.memref_squeeze %dma_wait3A_40 : memref<1x1x79x128xi32, #tpu.memory_space<hbm>> -> memref<79x128xi32, #tpu.memory_space<hbm>>
        tpu.wait_dma2 semaphore(%run_scoped3A_27 : memref<!tpu.dma_semaphore, #tpu.memory_space<semaphore_mem>>) src(%dma_wait3A_41 : memref<79x128xi32, #tpu.memory_space<hbm>>) dst(%arg10 : memref<79x128xi32, #tpu.memory_space<vmem>>)
        tpu.yield
      }) : () -> ()
      %scan3A_16 = arith.constant 0 : i32
      %scan3A_17 = arith.constant 0 : i32
      %scan3A_18 = arith.constant 79 : i32
      %scan3A_19 = arith.addi %scan3A_17, %scan3A_18 : i32
      %scan3A_20 = arith.constant 1 : i32
      scf.for %scan3A_27 = %scan3A_17 to %scan3A_19 step %scan3A_20  : i32 {
        %dma_start3A = arith.constant 0 : i32
        %dma_start3A_28 = tpu.memref_slice %arg9[%scan3A_27, %dma_start3A] : memref<79x128xi32, #tpu.memory_space<vmem>> -> memref<1x128xi32, #tpu.memory_space<vmem>>
        %dma_start3A_29 = tpu.memref_squeeze %dma_start3A_28 : memref<1x128xi32, #tpu.memory_space<vmem>> -> memref<128xi32, #tpu.memory_space<vmem>>
        %dma_start3A_30 = arith.constant 0 : i32
        %dma_start3A_31 = arith.constant 0 : i32
        %dma_start3A_32 = tpu.memref_slice %arg4[%dma_start3A_30, %dma_start3A_31] : memref<10240x128xf32, #tpu.memory_space<hbm>> -> memref<10240x128xf32, #tpu.memory_space<hbm>>
        tpu.enqueue_indirect_dma source(%dma_start3A_32 : memref<10240x128xf32, #tpu.memory_space<hbm>>) target(%arg11 : memref<128x128xf32, #tpu.memory_space<vmem>>) offsets(%dma_start3A_29 : memref<128xi32, #tpu.memory_space<vmem>>) semaphore(%arg13 : memref<!tpu.dma_semaphore, #tpu.memory_space<semaphore_mem>>)
        %dma_wait3A = arith.constant 0 : i32
        %dma_wait3A_33 = tpu.memref_slice %arg9[%scan3A_27, %dma_wait3A] : memref<79x128xi32, #tpu.memory_space<vmem>> -> memref<1x128xi32, #tpu.memory_space<vmem>>
        %dma_wait3A_34 = tpu.memref_squeeze %dma_wait3A_33 : memref<1x128xi32, #tpu.memory_space<vmem>> -> memref<128xi32, #tpu.memory_space<vmem>>
        %dma_wait3A_35 = arith.constant 0 : i32
        %dma_wait3A_36 = arith.constant 0 : i32
        %dma_wait3A_37 = tpu.memref_slice %arg4[%dma_wait3A_35, %dma_wait3A_36] : memref<10240x128xf32, #tpu.memory_space<hbm>> -> memref<10240x128xf32, #tpu.memory_space<hbm>>
        tpu.wait_indirect_dma semaphore(%arg13 : memref<!tpu.dma_semaphore, #tpu.memory_space<semaphore_mem>>) src(%dma_wait3A_37 : memref<10240x128xf32, #tpu.memory_space<hbm>>) dst(%arg11 : memref<128x128xf32, #tpu.memory_space<vmem>>)
        "tpu.region"() ({
          %run_scoped3A_38 = tpu.sem_alloc : memref<!tpu.dma_semaphore, #tpu.memory_space<semaphore_mem>>
          %dma_start3A_39 = arith.constant 0 : i32
          %dma_start3A_40 = tpu.memref_slice %arg10[%scan3A_27, %dma_start3A_39] : memref<79x128xi32, #tpu.memory_space<vmem>> -> memref<1x128xi32, #tpu.memory_space<vmem>>
          %dma_start3A_41 = tpu.memref_squeeze %dma_start3A_40 : memref<1x128xi32, #tpu.memory_space<vmem>> -> memref<128xi32, #tpu.memory_space<vmem>>
          %dma_start3A_42 = arith.constant 0 : i32
          %dma_start3A_43 = arith.constant 0 : i32
          %dma_start3A_44 = tpu.memref_slice %arg12[%dma_start3A_42, %dma_start3A_43] : memref<10240x128xf32, #tpu.memory_space<vmem_shared>> -> memref<10240x128xf32, #tpu.memory_space<vmem_shared>>
          tpu.enqueue_indirect_dma source(%arg11 : memref<128x128xf32, #tpu.memory_space<vmem>>) target(%dma_start3A_44 : memref<10240x128xf32, #tpu.memory_space<vmem_shared>>) offsets(%dma_start3A_41 : memref<128xi32, #tpu.memory_space<vmem>>) semaphore(%run_scoped3A_38 : memref<!tpu.dma_semaphore, #tpu.memory_space<semaphore_mem>>) {add = true}
          %dma_wait3A_45 = arith.constant 0 : i32
          %dma_wait3A_46 = tpu.memref_slice %arg10[%scan3A_27, %dma_wait3A_45] : memref<79x128xi32, #tpu.memory_space<vmem>> -> memref<1x128xi32, #tpu.memory_space<vmem>>
          %dma_wait3A_47 = tpu.memref_squeeze %dma_wait3A_46 : memref<1x128xi32, #tpu.memory_space<vmem>> -> memref<128xi32, #tpu.memory_space<vmem>>
          %dma_wait3A_48 = arith.constant 0 : i32
          %dma_wait3A_49 = arith.constant 0 : i32
          %dma_wait3A_50 = tpu.memref_slice %arg12[%dma_wait3A_48, %dma_wait3A_49] : memref<10240x128xf32, #tpu.memory_space<vmem_shared>> -> memref<10240x128xf32, #tpu.memory_space<vmem_shared>>
          tpu.wait_indirect_dma semaphore(%run_scoped3A_38 : memref<!tpu.dma_semaphore, #tpu.memory_space<semaphore_mem>>) src(%arg11 : memref<128x128xf32, #tpu.memory_space<vmem>>) dst(%dma_wait3A_50 : memref<10240x128xf32, #tpu.memory_space<vmem_shared>>)
          tpu.yield
        }) : () -> ()
      }
      %scan3A_21 = arith.constant 79 : i32
      %barrier3A_22 = arith.constant 0 : index
      tpu.barrier barrier_id(%barrier3A_22)
      %mul3A_23 = arith.constant 640 : i32
      %mul3A_24 = arith.muli %arg1, %mul3A_23 : i32
      %mul3A_25 = arith.constant 640 : i32
      %mul3A_26 = arith.muli %arg1, %mul3A_25 : i32
      "tpu.region"() ({
        %run_scoped3A_27 = tpu.sem_alloc : memref<!tpu.dma_semaphore, #tpu.memory_space<semaphore_mem>>
        %dma_start3A = arith.constant 0 : i32
        %dma_start3A_28 = tpu.memref_slice %arg7[%mul3A_26, %dma_start3A] : memref<10240x128xf32, #tpu.memory_space<hbm>> -> memref<640x128xf32, #tpu.memory_space<hbm>>
        %dma_start3A_29 = arith.constant 0 : i32
        %dma_start3A_30 = tpu.memref_slice %arg12[%mul3A_24, %dma_start3A_29] : memref<10240x128xf32, #tpu.memory_space<vmem_shared>> -> memref<640x128xf32, #tpu.memory_space<vmem_shared>>
        tpu.enqueue_dma source(%dma_start3A_30 : memref<640x128xf32, #tpu.memory_space<vmem_shared>>) target(%dma_start3A_28 : memref<640x128xf32, #tpu.memory_space<hbm>>) target_semaphore(%run_scoped3A_27 : memref<!tpu.dma_semaphore, #tpu.memory_space<semaphore_mem>>)
        %dma_wait3A = arith.constant 0 : i32
        %dma_wait3A_31 = tpu.memref_slice %arg7[%mul3A_26, %dma_wait3A] : memref<10240x128xf32, #tpu.memory_space<hbm>> -> memref<640x128xf32, #tpu.memory_space<hbm>>
        %dma_wait3A_32 = arith.constant 0 : i32
        %dma_wait3A_33 = tpu.memref_slice %arg12[%mul3A_24, %dma_wait3A_32] : memref<10240x128xf32, #tpu.memory_space<vmem_shared>> -> memref<640x128xf32, #tpu.memory_space<vmem_shared>>
        tpu.wait_dma2 semaphore(%run_scoped3A_27 : memref<!tpu.dma_semaphore, #tpu.memory_space<semaphore_mem>>) src(%dma_wait3A_33 : memref<640x128xf32, #tpu.memory_space<vmem_shared>>) dst(%dma_wait3A_31 : memref<640x128xf32, #tpu.memory_space<hbm>>)
        tpu.yield
      }) : () -> ()
    } else {
    }
    %eq3A_3 = arith.constant 1 : i32
    %eq3A_4 = arith.cmpi eq, %arg0, %eq3A_3 : i32
    %convert_element_type3A_5 = arith.extui %eq3A_4 : i1 to i32
    %cond3A_6 = arith.constant 0 : i32
    %cond3A_7 = arith.cmpi ne, %convert_element_type3A_5, %cond3A_6 : i32
    scf.if %cond3A_7 {
      %run_scoped3A = arith.constant 0 : i32
      "tpu.region"() ({
        %run_scoped3A_27 = tpu.sem_alloc : memref<!tpu.dma_semaphore, #tpu.memory_space<semaphore_mem>>
        %dma_start3A = arith.constant 0 : i32
        %dma_start3A_28 = arith.constant 0 : i32
        %dma_start3A_29 = tpu.memref_slice %arg2[%arg1, %run_scoped3A, %dma_start3A, %dma_start3A_28] : memref<16x2x79x128xi32, #tpu.memory_space<hbm>> -> memref<1x1x79x128xi32, #tpu.memory_space<hbm>>
        %dma_start3A_30 = tpu.memref_squeeze %dma_start3A_29 : memref<1x1x79x128xi32, #tpu.memory_space<hbm>> -> memref<79x128xi32, #tpu.memory_space<hbm>>
        %dma_start3A_31 = arith.constant 0 : i32
        %dma_start3A_32 = arith.constant 0 : i32
        %dma_start3A_33 = tpu.memref_slice %arg2[%arg1, %run_scoped3A, %dma_start3A_31, %dma_start3A_32] : memref<16x2x79x128xi32, #tpu.memory_space<hbm>> -> memref<1x1x79x128xi32, #tpu.memory_space<hbm>>
        %dma_start3A_34 = tpu.memref_squeeze %dma_start3A_33 : memref<1x1x79x128xi32, #tpu.memory_space<hbm>> -> memref<79x128xi32, #tpu.memory_space<hbm>>
        tpu.enqueue_dma source(%dma_start3A_34 : memref<79x128xi32, #tpu.memory_space<hbm>>) target(%arg9 : memref<79x128xi32, #tpu.memory_space<vmem>>) target_semaphore(%run_scoped3A_27 : memref<!tpu.dma_semaphore, #tpu.memory_space<semaphore_mem>>)
        %dma_wait3A = arith.constant 0 : i32
        %dma_wait3A_35 = arith.constant 0 : i32
        %dma_wait3A_36 = tpu.memref_slice %arg2[%arg1, %run_scoped3A, %dma_wait3A, %dma_wait3A_35] : memref<16x2x79x128xi32, #tpu.memory_space<hbm>> -> memref<1x1x79x128xi32, #tpu.memory_space<hbm>>
        %dma_wait3A_37 = tpu.memref_squeeze %dma_wait3A_36 : memref<1x1x79x128xi32, #tpu.memory_space<hbm>> -> memref<79x128xi32, #tpu.memory_space<hbm>>
        %dma_wait3A_38 = arith.constant 0 : i32
        %dma_wait3A_39 = arith.constant 0 : i32
        %dma_wait3A_40 = tpu.memref_slice %arg2[%arg1, %run_scoped3A, %dma_wait3A_38, %dma_wait3A_39] : memref<16x2x79x128xi32, #tpu.memory_space<hbm>> -> memref<1x1x79x128xi32, #tpu.memory_space<hbm>>
        %dma_wait3A_41 = tpu.memref_squeeze %dma_wait3A_40 : memref<1x1x79x128xi32, #tpu.memory_space<hbm>> -> memref<79x128xi32, #tpu.memory_space<hbm>>
        tpu.wait_dma2 semaphore(%run_scoped3A_27 : memref<!tpu.dma_semaphore, #tpu.memory_space<semaphore_mem>>) src(%dma_wait3A_41 : memref<79x128xi32, #tpu.memory_space<hbm>>) dst(%arg9 : memref<79x128xi32, #tpu.memory_space<vmem>>)
        tpu.yield
      }) : () -> ()
      %run_scoped3A_8 = arith.constant 0 : i32
      "tpu.region"() ({
        %run_scoped3A_27 = tpu.sem_alloc : memref<!tpu.dma_semaphore, #tpu.memory_space<semaphore_mem>>
        %dma_start3A = arith.constant 0 : i32
        %dma_start3A_28 = arith.constant 0 : i32
        %dma_start3A_29 = tpu.memref_slice %arg3[%arg1, %run_scoped3A_8, %dma_start3A, %dma_start3A_28] : memref<16x2x79x128xi32, #tpu.memory_space<hbm>> -> memref<1x1x79x128xi32, #tpu.memory_space<hbm>>
        %dma_start3A_30 = tpu.memref_squeeze %dma_start3A_29 : memref<1x1x79x128xi32, #tpu.memory_space<hbm>> -> memref<79x128xi32, #tpu.memory_space<hbm>>
        %dma_start3A_31 = arith.constant 0 : i32
        %dma_start3A_32 = arith.constant 0 : i32
        %dma_start3A_33 = tpu.memref_slice %arg3[%arg1, %run_scoped3A_8, %dma_start3A_31, %dma_start3A_32] : memref<16x2x79x128xi32, #tpu.memory_space<hbm>> -> memref<1x1x79x128xi32, #tpu.memory_space<hbm>>
        %dma_start3A_34 = tpu.memref_squeeze %dma_start3A_33 : memref<1x1x79x128xi32, #tpu.memory_space<hbm>> -> memref<79x128xi32, #tpu.memory_space<hbm>>
        tpu.enqueue_dma source(%dma_start3A_34 : memref<79x128xi32, #tpu.memory_space<hbm>>) target(%arg10 : memref<79x128xi32, #tpu.memory_space<vmem>>) target_semaphore(%run_scoped3A_27 : memref<!tpu.dma_semaphore, #tpu.memory_space<semaphore_mem>>)
        %dma_wait3A = arith.constant 0 : i32
        %dma_wait3A_35 = arith.constant 0 : i32
        %dma_wait3A_36 = tpu.memref_slice %arg3[%arg1, %run_scoped3A_8, %dma_wait3A, %dma_wait3A_35] : memref<16x2x79x128xi32, #tpu.memory_space<hbm>> -> memref<1x1x79x128xi32, #tpu.memory_space<hbm>>
        %dma_wait3A_37 = tpu.memref_squeeze %dma_wait3A_36 : memref<1x1x79x128xi32, #tpu.memory_space<hbm>> -> memref<79x128xi32, #tpu.memory_space<hbm>>
        %dma_wait3A_38 = arith.constant 0 : i32
        %dma_wait3A_39 = arith.constant 0 : i32
        %dma_wait3A_40 = tpu.memref_slice %arg3[%arg1, %run_scoped3A_8, %dma_wait3A_38, %dma_wait3A_39] : memref<16x2x79x128xi32, #tpu.memory_space<hbm>> -> memref<1x1x79x128xi32, #tpu.memory_space<hbm>>
        %dma_wait3A_41 = tpu.memref_squeeze %dma_wait3A_40 : memref<1x1x79x128xi32, #tpu.memory_space<hbm>> -> memref<79x128xi32, #tpu.memory_space<hbm>>
        tpu.wait_dma2 semaphore(%run_scoped3A_27 : memref<!tpu.dma_semaphore, #tpu.memory_space<semaphore_mem>>) src(%dma_wait3A_41 : memref<79x128xi32, #tpu.memory_space<hbm>>) dst(%arg10 : memref<79x128xi32, #tpu.memory_space<vmem>>)
        tpu.yield
      }) : () -> ()
      %scan3A = arith.constant 0 : i32
      %scan3A_9 = arith.constant 0 : i32
      %scan3A_10 = arith.constant 79 : i32
      %scan3A_11 = arith.addi %scan3A_9, %scan3A_10 : i32
      %scan3A_12 = arith.constant 1 : i32
      scf.for %scan3A_27 = %scan3A_9 to %scan3A_11 step %scan3A_12  : i32 {
        %dma_start3A = arith.constant 0 : i32
        %dma_start3A_28 = tpu.memref_slice %arg9[%scan3A_27, %dma_start3A] : memref<79x128xi32, #tpu.memory_space<vmem>> -> memref<1x128xi32, #tpu.memory_space<vmem>>
        %dma_start3A_29 = tpu.memref_squeeze %dma_start3A_28 : memref<1x128xi32, #tpu.memory_space<vmem>> -> memref<128xi32, #tpu.memory_space<vmem>>
        %dma_start3A_30 = arith.constant 0 : i32
        %dma_start3A_31 = arith.constant 0 : i32
        %dma_start3A_32 = tpu.memref_slice %arg5[%dma_start3A_30, %dma_start3A_31] : memref<10240x128xf32, #tpu.memory_space<hbm>> -> memref<10240x128xf32, #tpu.memory_space<hbm>>
        tpu.enqueue_indirect_dma source(%dma_start3A_32 : memref<10240x128xf32, #tpu.memory_space<hbm>>) target(%arg11 : memref<128x128xf32, #tpu.memory_space<vmem>>) offsets(%dma_start3A_29 : memref<128xi32, #tpu.memory_space<vmem>>) semaphore(%arg13 : memref<!tpu.dma_semaphore, #tpu.memory_space<semaphore_mem>>)
        %dma_wait3A = arith.constant 0 : i32
        %dma_wait3A_33 = tpu.memref_slice %arg9[%scan3A_27, %dma_wait3A] : memref<79x128xi32, #tpu.memory_space<vmem>> -> memref<1x128xi32, #tpu.memory_space<vmem>>
        %dma_wait3A_34 = tpu.memref_squeeze %dma_wait3A_33 : memref<1x128xi32, #tpu.memory_space<vmem>> -> memref<128xi32, #tpu.memory_space<vmem>>
        %dma_wait3A_35 = arith.constant 0 : i32
        %dma_wait3A_36 = arith.constant 0 : i32
        %dma_wait3A_37 = tpu.memref_slice %arg5[%dma_wait3A_35, %dma_wait3A_36] : memref<10240x128xf32, #tpu.memory_space<hbm>> -> memref<10240x128xf32, #tpu.memory_space<hbm>>
        tpu.wait_indirect_dma semaphore(%arg13 : memref<!tpu.dma_semaphore, #tpu.memory_space<semaphore_mem>>) src(%dma_wait3A_37 : memref<10240x128xf32, #tpu.memory_space<hbm>>) dst(%arg11 : memref<128x128xf32, #tpu.memory_space<vmem>>)
        "tpu.region"() ({
          %run_scoped3A_38 = tpu.sem_alloc : memref<!tpu.dma_semaphore, #tpu.memory_space<semaphore_mem>>
          %dma_start3A_39 = arith.constant 0 : i32
          %dma_start3A_40 = tpu.memref_slice %arg10[%scan3A_27, %dma_start3A_39] : memref<79x128xi32, #tpu.memory_space<vmem>> -> memref<1x128xi32, #tpu.memory_space<vmem>>
          %dma_start3A_41 = tpu.memref_squeeze %dma_start3A_40 : memref<1x128xi32, #tpu.memory_space<vmem>> -> memref<128xi32, #tpu.memory_space<vmem>>
          %dma_start3A_42 = arith.constant 0 : i32
          %dma_start3A_43 = arith.constant 0 : i32
          %dma_start3A_44 = tpu.memref_slice %arg12[%dma_start3A_42, %dma_start3A_43] : memref<10240x128xf32, #tpu.memory_space<vmem_shared>> -> memref<10240x128xf32, #tpu.memory_space<vmem_shared>>
          tpu.enqueue_indirect_dma source(%arg11 : memref<128x128xf32, #tpu.memory_space<vmem>>) target(%dma_start3A_44 : memref<10240x128xf32, #tpu.memory_space<vmem_shared>>) offsets(%dma_start3A_41 : memref<128xi32, #tpu.memory_space<vmem>>) semaphore(%run_scoped3A_38 : memref<!tpu.dma_semaphore, #tpu.memory_space<semaphore_mem>>) {add = true}
          %dma_wait3A_45 = arith.constant 0 : i32
          %dma_wait3A_46 = tpu.memref_slice %arg10[%scan3A_27, %dma_wait3A_45] : memref<79x128xi32, #tpu.memory_space<vmem>> -> memref<1x128xi32, #tpu.memory_space<vmem>>
          %dma_wait3A_47 = tpu.memref_squeeze %dma_wait3A_46 : memref<1x128xi32, #tpu.memory_space<vmem>> -> memref<128xi32, #tpu.memory_space<vmem>>
          %dma_wait3A_48 = arith.constant 0 : i32
          %dma_wait3A_49 = arith.constant 0 : i32
          %dma_wait3A_50 = tpu.memref_slice %arg12[%dma_wait3A_48, %dma_wait3A_49] : memref<10240x128xf32, #tpu.memory_space<vmem_shared>> -> memref<10240x128xf32, #tpu.memory_space<vmem_shared>>
          tpu.wait_indirect_dma semaphore(%run_scoped3A_38 : memref<!tpu.dma_semaphore, #tpu.memory_space<semaphore_mem>>) src(%arg11 : memref<128x128xf32, #tpu.memory_space<vmem>>) dst(%dma_wait3A_50 : memref<10240x128xf32, #tpu.memory_space<vmem_shared>>)
          tpu.yield
        }) : () -> ()
      }
      %scan3A_13 = arith.constant 79 : i32
      %run_scoped3A_14 = arith.constant 1 : i32
      "tpu.region"() ({
        %run_scoped3A_27 = tpu.sem_alloc : memref<!tpu.dma_semaphore, #tpu.memory_space<semaphore_mem>>
        %dma_start3A = arith.constant 0 : i32
        %dma_start3A_28 = arith.constant 0 : i32
        %dma_start3A_29 = tpu.memref_slice %arg2[%arg1, %run_scoped3A_14, %dma_start3A, %dma_start3A_28] : memref<16x2x79x128xi32, #tpu.memory_space<hbm>> -> memref<1x1x79x128xi32, #tpu.memory_space<hbm>>
        %dma_start3A_30 = tpu.memref_squeeze %dma_start3A_29 : memref<1x1x79x128xi32, #tpu.memory_space<hbm>> -> memref<79x128xi32, #tpu.memory_space<hbm>>
        %dma_start3A_31 = arith.constant 0 : i32
        %dma_start3A_32 = arith.constant 0 : i32
        %dma_start3A_33 = tpu.memref_slice %arg2[%arg1, %run_scoped3A_14, %dma_start3A_31, %dma_start3A_32] : memref<16x2x79x128xi32, #tpu.memory_space<hbm>> -> memref<1x1x79x128xi32, #tpu.memory_space<hbm>>
        %dma_start3A_34 = tpu.memref_squeeze %dma_start3A_33 : memref<1x1x79x128xi32, #tpu.memory_space<hbm>> -> memref<79x128xi32, #tpu.memory_space<hbm>>
        tpu.enqueue_dma source(%dma_start3A_34 : memref<79x128xi32, #tpu.memory_space<hbm>>) target(%arg9 : memref<79x128xi32, #tpu.memory_space<vmem>>) target_semaphore(%run_scoped3A_27 : memref<!tpu.dma_semaphore, #tpu.memory_space<semaphore_mem>>)
        %dma_wait3A = arith.constant 0 : i32
        %dma_wait3A_35 = arith.constant 0 : i32
        %dma_wait3A_36 = tpu.memref_slice %arg2[%arg1, %run_scoped3A_14, %dma_wait3A, %dma_wait3A_35] : memref<16x2x79x128xi32, #tpu.memory_space<hbm>> -> memref<1x1x79x128xi32, #tpu.memory_space<hbm>>
        %dma_wait3A_37 = tpu.memref_squeeze %dma_wait3A_36 : memref<1x1x79x128xi32, #tpu.memory_space<hbm>> -> memref<79x128xi32, #tpu.memory_space<hbm>>
        %dma_wait3A_38 = arith.constant 0 : i32
        %dma_wait3A_39 = arith.constant 0 : i32
        %dma_wait3A_40 = tpu.memref_slice %arg2[%arg1, %run_scoped3A_14, %dma_wait3A_38, %dma_wait3A_39] : memref<16x2x79x128xi32, #tpu.memory_space<hbm>> -> memref<1x1x79x128xi32, #tpu.memory_space<hbm>>
        %dma_wait3A_41 = tpu.memref_squeeze %dma_wait3A_40 : memref<1x1x79x128xi32, #tpu.memory_space<hbm>> -> memref<79x128xi32, #tpu.memory_space<hbm>>
        tpu.wait_dma2 semaphore(%run_scoped3A_27 : memref<!tpu.dma_semaphore, #tpu.memory_space<semaphore_mem>>) src(%dma_wait3A_41 : memref<79x128xi32, #tpu.memory_space<hbm>>) dst(%arg9 : memref<79x128xi32, #tpu.memory_space<vmem>>)
        tpu.yield
      }) : () -> ()
      %run_scoped3A_15 = arith.constant 1 : i32
      "tpu.region"() ({
        %run_scoped3A_27 = tpu.sem_alloc : memref<!tpu.dma_semaphore, #tpu.memory_space<semaphore_mem>>
        %dma_start3A = arith.constant 0 : i32
        %dma_start3A_28 = arith.constant 0 : i32
        %dma_start3A_29 = tpu.memref_slice %arg3[%arg1, %run_scoped3A_15, %dma_start3A, %dma_start3A_28] : memref<16x2x79x128xi32, #tpu.memory_space<hbm>> -> memref<1x1x79x128xi32, #tpu.memory_space<hbm>>
        %dma_start3A_30 = tpu.memref_squeeze %dma_start3A_29 : memref<1x1x79x128xi32, #tpu.memory_space<hbm>> -> memref<79x128xi32, #tpu.memory_space<hbm>>
        %dma_start3A_31 = arith.constant 0 : i32
        %dma_start3A_32 = arith.constant 0 : i32
        %dma_start3A_33 = tpu.memref_slice %arg3[%arg1, %run_scoped3A_15, %dma_start3A_31, %dma_start3A_32] : memref<16x2x79x128xi32, #tpu.memory_space<hbm>> -> memref<1x1x79x128xi32, #tpu.memory_space<hbm>>
        %dma_start3A_34 = tpu.memref_squeeze %dma_start3A_33 : memref<1x1x79x128xi32, #tpu.memory_space<hbm>> -> memref<79x128xi32, #tpu.memory_space<hbm>>
        tpu.enqueue_dma source(%dma_start3A_34 : memref<79x128xi32, #tpu.memory_space<hbm>>) target(%arg10 : memref<79x128xi32, #tpu.memory_space<vmem>>) target_semaphore(%run_scoped3A_27 : memref<!tpu.dma_semaphore, #tpu.memory_space<semaphore_mem>>)
        %dma_wait3A = arith.constant 0 : i32
        %dma_wait3A_35 = arith.constant 0 : i32
        %dma_wait3A_36 = tpu.memref_slice %arg3[%arg1, %run_scoped3A_15, %dma_wait3A, %dma_wait3A_35] : memref<16x2x79x128xi32, #tpu.memory_space<hbm>> -> memref<1x1x79x128xi32, #tpu.memory_space<hbm>>
        %dma_wait3A_37 = tpu.memref_squeeze %dma_wait3A_36 : memref<1x1x79x128xi32, #tpu.memory_space<hbm>> -> memref<79x128xi32, #tpu.memory_space<hbm>>
        %dma_wait3A_38 = arith.constant 0 : i32
        %dma_wait3A_39 = arith.constant 0 : i32
        %dma_wait3A_40 = tpu.memref_slice %arg3[%arg1, %run_scoped3A_15, %dma_wait3A_38, %dma_wait3A_39] : memref<16x2x79x128xi32, #tpu.memory_space<hbm>> -> memref<1x1x79x128xi32, #tpu.memory_space<hbm>>
        %dma_wait3A_41 = tpu.memref_squeeze %dma_wait3A_40 : memref<1x1x79x128xi32, #tpu.memory_space<hbm>> -> memref<79x128xi32, #tpu.memory_space<hbm>>
        tpu.wait_dma2 semaphore(%run_scoped3A_27 : memref<!tpu.dma_semaphore, #tpu.memory_space<semaphore_mem>>) src(%dma_wait3A_41 : memref<79x128xi32, #tpu.memory_space<hbm>>) dst(%arg10 : memref<79x128xi32, #tpu.memory_space<vmem>>)
        tpu.yield
      }) : () -> ()
      %scan3A_16 = arith.constant 0 : i32
      %scan3A_17 = arith.constant 0 : i32
      %scan3A_18 = arith.constant 79 : i32
      %scan3A_19 = arith.addi %scan3A_17, %scan3A_18 : i32
      %scan3A_20 = arith.constant 1 : i32
      scf.for %scan3A_27 = %scan3A_17 to %scan3A_19 step %scan3A_20  : i32 {
        %dma_start3A = arith.constant 0 : i32
        %dma_start3A_28 = tpu.memref_slice %arg9[%scan3A_27, %dma_start3A] : memref<79x128xi32, #tpu.memory_space<vmem>> -> memref<1x128xi32, #tpu.memory_space<vmem>>
        %dma_start3A_29 = tpu.memref_squeeze %dma_start3A_28 : memref<1x128xi32, #tpu.memory_space<vmem>> -> memref<128xi32, #tpu.memory_space<vmem>>
        %dma_start3A_30 = arith.constant 0 : i32
        %dma_start3A_31 = arith.constant 0 : i32
        %dma_start3A_32 = tpu.memref_slice %arg5[%dma_start3A_30, %dma_start3A_31] : memref<10240x128xf32, #tpu.memory_space<hbm>> -> memref<10240x128xf32, #tpu.memory_space<hbm>>
        tpu.enqueue_indirect_dma source(%dma_start3A_32 : memref<10240x128xf32, #tpu.memory_space<hbm>>) target(%arg11 : memref<128x128xf32, #tpu.memory_space<vmem>>) offsets(%dma_start3A_29 : memref<128xi32, #tpu.memory_space<vmem>>) semaphore(%arg13 : memref<!tpu.dma_semaphore, #tpu.memory_space<semaphore_mem>>)
        %dma_wait3A = arith.constant 0 : i32
        %dma_wait3A_33 = tpu.memref_slice %arg9[%scan3A_27, %dma_wait3A] : memref<79x128xi32, #tpu.memory_space<vmem>> -> memref<1x128xi32, #tpu.memory_space<vmem>>
        %dma_wait3A_34 = tpu.memref_squeeze %dma_wait3A_33 : memref<1x128xi32, #tpu.memory_space<vmem>> -> memref<128xi32, #tpu.memory_space<vmem>>
        %dma_wait3A_35 = arith.constant 0 : i32
        %dma_wait3A_36 = arith.constant 0 : i32
        %dma_wait3A_37 = tpu.memref_slice %arg5[%dma_wait3A_35, %dma_wait3A_36] : memref<10240x128xf32, #tpu.memory_space<hbm>> -> memref<10240x128xf32, #tpu.memory_space<hbm>>
        tpu.wait_indirect_dma semaphore(%arg13 : memref<!tpu.dma_semaphore, #tpu.memory_space<semaphore_mem>>) src(%dma_wait3A_37 : memref<10240x128xf32, #tpu.memory_space<hbm>>) dst(%arg11 : memref<128x128xf32, #tpu.memory_space<vmem>>)
        "tpu.region"() ({
          %run_scoped3A_38 = tpu.sem_alloc : memref<!tpu.dma_semaphore, #tpu.memory_space<semaphore_mem>>
          %dma_start3A_39 = arith.constant 0 : i32
          %dma_start3A_40 = tpu.memref_slice %arg10[%scan3A_27, %dma_start3A_39] : memref<79x128xi32, #tpu.memory_space<vmem>> -> memref<1x128xi32, #tpu.memory_space<vmem>>
          %dma_start3A_41 = tpu.memref_squeeze %dma_start3A_40 : memref<1x128xi32, #tpu.memory_space<vmem>> -> memref<128xi32, #tpu.memory_space<vmem>>
          %dma_start3A_42 = arith.constant 0 : i32
          %dma_start3A_43 = arith.constant 0 : i32
          %dma_start3A_44 = tpu.memref_slice %arg12[%dma_start3A_42, %dma_start3A_43] : memref<10240x128xf32, #tpu.memory_space<vmem_shared>> -> memref<10240x128xf32, #tpu.memory_space<vmem_shared>>
          tpu.enqueue_indirect_dma source(%arg11 : memref<128x128xf32, #tpu.memory_space<vmem>>) target(%dma_start3A_44 : memref<10240x128xf32, #tpu.memory_space<vmem_shared>>) offsets(%dma_start3A_41 : memref<128xi32, #tpu.memory_space<vmem>>) semaphore(%run_scoped3A_38 : memref<!tpu.dma_semaphore, #tpu.memory_space<semaphore_mem>>) {add = true}
          %dma_wait3A_45 = arith.constant 0 : i32
          %dma_wait3A_46 = tpu.memref_slice %arg10[%scan3A_27, %dma_wait3A_45] : memref<79x128xi32, #tpu.memory_space<vmem>> -> memref<1x128xi32, #tpu.memory_space<vmem>>
          %dma_wait3A_47 = tpu.memref_squeeze %dma_wait3A_46 : memref<1x128xi32, #tpu.memory_space<vmem>> -> memref<128xi32, #tpu.memory_space<vmem>>
          %dma_wait3A_48 = arith.constant 0 : i32
          %dma_wait3A_49 = arith.constant 0 : i32
          %dma_wait3A_50 = tpu.memref_slice %arg12[%dma_wait3A_48, %dma_wait3A_49] : memref<10240x128xf32, #tpu.memory_space<vmem_shared>> -> memref<10240x128xf32, #tpu.memory_space<vmem_shared>>
          tpu.wait_indirect_dma semaphore(%run_scoped3A_38 : memref<!tpu.dma_semaphore, #tpu.memory_space<semaphore_mem>>) src(%arg11 : memref<128x128xf32, #tpu.memory_space<vmem>>) dst(%dma_wait3A_50 : memref<10240x128xf32, #tpu.memory_space<vmem_shared>>)
          tpu.yield
        }) : () -> ()
      }
      %scan3A_21 = arith.constant 79 : i32
      %barrier3A_22 = arith.constant 0 : index
      tpu.barrier barrier_id(%barrier3A_22)
      %mul3A_23 = arith.constant 640 : i32
      %mul3A_24 = arith.muli %arg1, %mul3A_23 : i32
      %mul3A_25 = arith.constant 640 : i32
      %mul3A_26 = arith.muli %arg1, %mul3A_25 : i32
      "tpu.region"() ({
        %run_scoped3A_27 = tpu.sem_alloc : memref<!tpu.dma_semaphore, #tpu.memory_space<semaphore_mem>>
        %dma_start3A = arith.constant 0 : i32
        %dma_start3A_28 = tpu.memref_slice %arg8[%mul3A_26, %dma_start3A] : memref<10240x128xf32, #tpu.memory_space<hbm>> -> memref<640x128xf32, #tpu.memory_space<hbm>>
        %dma_start3A_29 = arith.constant 0 : i32
        %dma_start3A_30 = tpu.memref_slice %arg12[%mul3A_24, %dma_start3A_29] : memref<10240x128xf32, #tpu.memory_space<vmem_shared>> -> memref<640x128xf32, #tpu.memory_space<vmem_shared>>
        tpu.enqueue_dma source(%dma_start3A_30 : memref<640x128xf32, #tpu.memory_space<vmem_shared>>) target(%dma_start3A_28 : memref<640x128xf32, #tpu.memory_space<hbm>>) target_semaphore(%run_scoped3A_27 : memref<!tpu.dma_semaphore, #tpu.memory_space<semaphore_mem>>)
        %dma_wait3A = arith.constant 0 : i32
        %dma_wait3A_31 = tpu.memref_slice %arg8[%mul3A_26, %dma_wait3A] : memref<10240x128xf32, #tpu.memory_space<hbm>> -> memref<640x128xf32, #tpu.memory_space<hbm>>
        %dma_wait3A_32 = arith.constant 0 : i32
        %dma_wait3A_33 = tpu.memref_slice %arg12[%mul3A_24, %dma_wait3A_32] : memref<10240x128xf32, #tpu.memory_space<vmem_shared>> -> memref<640x128xf32, #tpu.memory_space<vmem_shared>>
        tpu.wait_dma2 semaphore(%run_scoped3A_27 : memref<!tpu.dma_semaphore, #tpu.memory_space<semaphore_mem>>) src(%dma_wait3A_33 : memref<640x128xf32, #tpu.memory_space<vmem_shared>>) dst(%dma_wait3A_31 : memref<640x128xf32, #tpu.memory_space<hbm>>)
        tpu.yield
      }) : () -> ()
    } else {
    }
    return
  }
}

#map = affine_map<(d0, d1) -> (0, 0, 0, 0)>
#map1 = affine_map<(d0, d1) -> (0, 0)>
module attributes {stable_mosaic.version = 14 : i64} {
  func.func @_msg_body(%arg0: i32, %arg1: i32, %arg2: memref<16x2x79x128xi32, #tpu.memory_space<hbm>>, %arg3: memref<16x2x79x128xi32, #tpu.memory_space<hbm>>, %arg4: memref<10240x128xf32, #tpu.memory_space<hbm>>, %arg5: memref<10240x128xf32, #tpu.memory_space<hbm>>, %arg6: memref<640x128xf32, #tpu.memory_space<hbm>>, %arg7: memref<10240x128xf32, #tpu.memory_space<hbm>>, %arg8: memref<10240x128xf32, #tpu.memory_space<hbm>>, %arg9: memref<79x128xi32, #tpu.memory_space<vmem>>, %arg10: memref<79x128xi32, #tpu.memory_space<vmem>>, %arg11: memref<128x128xf32, #tpu.memory_space<vmem>>, %arg12: memref<10240x128xf32, #tpu.memory_space<vmem_shared>>, %arg13: memref<!tpu.dma_semaphore, #tpu.memory_space<semaphore_mem>>) attributes {dimension_semantics = [#tpu.dimension_semantics<core_parallel>, #tpu.dimension_semantics<subcore_parallel>], iteration_bounds = array<i64: 2, 16>, scalar_prefetch = 0 : i64, scratch_operands = 5 : i64, tpu.core_type = #tpu.core_type<sc_vector_subcore>, window_params = [{transform_indices = #map}, {transform_indices = #map}, {transform_indices = #map1}, {transform_indices = #map1}, {transform_indices = #map1}, {transform_indices = #map1}, {transform_indices = #map1}]} {
    %mul3A = arith.constant 640 : i32
    %mul3A_0 = arith.muli %arg1, %mul3A : i32
    "tpu.region"() ({
      %run_scoped3A = tpu.sem_alloc : memref<!tpu.dma_semaphore, #tpu.memory_space<semaphore_mem>>
      %dma_start3A = arith.constant 0 : i32
      %dma_start3A_8 = tpu.memref_slice %arg12[%mul3A_0, %dma_start3A] : memref<10240x128xf32, #tpu.memory_space<vmem_shared>> -> memref<640x128xf32, #tpu.memory_space<vmem_shared>>
      tpu.enqueue_dma source(%arg6 : memref<640x128xf32, #tpu.memory_space<hbm>>) target(%dma_start3A_8 : memref<640x128xf32, #tpu.memory_space<vmem_shared>>) target_semaphore(%run_scoped3A : memref<!tpu.dma_semaphore, #tpu.memory_space<semaphore_mem>>)
      %dma_wait3A = arith.constant 0 : i32
      %dma_wait3A_9 = tpu.memref_slice %arg12[%mul3A_0, %dma_wait3A] : memref<10240x128xf32, #tpu.memory_space<vmem_shared>> -> memref<640x128xf32, #tpu.memory_space<vmem_shared>>
      tpu.wait_dma2 semaphore(%run_scoped3A : memref<!tpu.dma_semaphore, #tpu.memory_space<semaphore_mem>>) src(%arg6 : memref<640x128xf32, #tpu.memory_space<hbm>>) dst(%dma_wait3A_9 : memref<640x128xf32, #tpu.memory_space<vmem_shared>>)
      tpu.yield
    }) : () -> ()
    %barrier3A = arith.constant 0 : index
    tpu.barrier barrier_id(%barrier3A)
    %eq3A = arith.constant 0 : i32
    %eq3A_1 = arith.cmpi eq, %arg0, %eq3A : i32
    %convert_element_type3A = arith.extui %eq3A_1 : i1 to i32
    %cond3A = arith.constant 0 : i32
    %cond3A_2 = arith.cmpi ne, %convert_element_type3A, %cond3A : i32
    scf.if %cond3A_2 {
      %run_scoped3A = arith.constant 0 : i32
      "tpu.region"() ({
        %run_scoped3A_27 = tpu.sem_alloc : memref<!tpu.dma_semaphore, #tpu.memory_space<semaphore_mem>>
        %dma_start3A = arith.constant 0 : i32
        %dma_start3A_28 = arith.constant 0 : i32
        %dma_start3A_29 = tpu.memref_slice %arg2[%arg1, %run_scoped3A, %dma_start3A, %dma_start3A_28] : memref<16x2x79x128xi32, #tpu.memory_space<hbm>> -> memref<1x1x79x128xi32, #tpu.memory_space<hbm>>
        %dma_start3A_30 = tpu.memref_squeeze %dma_start3A_29 : memref<1x1x79x128xi32, #tpu.memory_space<hbm>> -> memref<79x128xi32, #tpu.memory_space<hbm>>
        %dma_start3A_31 = arith.constant 0 : i32
        %dma_start3A_32 = arith.constant 0 : i32
        %dma_start3A_33 = tpu.memref_slice %arg2[%arg1, %run_scoped3A, %dma_start3A_31, %dma_start3A_32] : memref<16x2x79x128xi32, #tpu.memory_space<hbm>> -> memref<1x1x79x128xi32, #tpu.memory_space<hbm>>
        %dma_start3A_34 = tpu.memref_squeeze %dma_start3A_33 : memref<1x1x79x128xi32, #tpu.memory_space<hbm>> -> memref<79x128xi32, #tpu.memory_space<hbm>>
        tpu.enqueue_dma source(%dma_start3A_34 : memref<79x128xi32, #tpu.memory_space<hbm>>) target(%arg9 : memref<79x128xi32, #tpu.memory_space<vmem>>) target_semaphore(%run_scoped3A_27 : memref<!tpu.dma_semaphore, #tpu.memory_space<semaphore_mem>>)
        %dma_wait3A = arith.constant 0 : i32
        %dma_wait3A_35 = arith.constant 0 : i32
        %dma_wait3A_36 = tpu.memref_slice %arg2[%arg1, %run_scoped3A, %dma_wait3A, %dma_wait3A_35] : memref<16x2x79x128xi32, #tpu.memory_space<hbm>> -> memref<1x1x79x128xi32, #tpu.memory_space<hbm>>
        %dma_wait3A_37 = tpu.memref_squeeze %dma_wait3A_36 : memref<1x1x79x128xi32, #tpu.memory_space<hbm>> -> memref<79x128xi32, #tpu.memory_space<hbm>>
        %dma_wait3A_38 = arith.constant 0 : i32
        %dma_wait3A_39 = arith.constant 0 : i32
        %dma_wait3A_40 = tpu.memref_slice %arg2[%arg1, %run_scoped3A, %dma_wait3A_38, %dma_wait3A_39] : memref<16x2x79x128xi32, #tpu.memory_space<hbm>> -> memref<1x1x79x128xi32, #tpu.memory_space<hbm>>
        %dma_wait3A_41 = tpu.memref_squeeze %dma_wait3A_40 : memref<1x1x79x128xi32, #tpu.memory_space<hbm>> -> memref<79x128xi32, #tpu.memory_space<hbm>>
        tpu.wait_dma2 semaphore(%run_scoped3A_27 : memref<!tpu.dma_semaphore, #tpu.memory_space<semaphore_mem>>) src(%dma_wait3A_41 : memref<79x128xi32, #tpu.memory_space<hbm>>) dst(%arg9 : memref<79x128xi32, #tpu.memory_space<vmem>>)
        tpu.yield
      }) : () -> ()
      %run_scoped3A_8 = arith.constant 0 : i32
      "tpu.region"() ({
        %run_scoped3A_27 = tpu.sem_alloc : memref<!tpu.dma_semaphore, #tpu.memory_space<semaphore_mem>>
        %dma_start3A = arith.constant 0 : i32
        %dma_start3A_28 = arith.constant 0 : i32
        %dma_start3A_29 = tpu.memref_slice %arg3[%arg1, %run_scoped3A_8, %dma_start3A, %dma_start3A_28] : memref<16x2x79x128xi32, #tpu.memory_space<hbm>> -> memref<1x1x79x128xi32, #tpu.memory_space<hbm>>
        %dma_start3A_30 = tpu.memref_squeeze %dma_start3A_29 : memref<1x1x79x128xi32, #tpu.memory_space<hbm>> -> memref<79x128xi32, #tpu.memory_space<hbm>>
        %dma_start3A_31 = arith.constant 0 : i32
        %dma_start3A_32 = arith.constant 0 : i32
        %dma_start3A_33 = tpu.memref_slice %arg3[%arg1, %run_scoped3A_8, %dma_start3A_31, %dma_start3A_32] : memref<16x2x79x128xi32, #tpu.memory_space<hbm>> -> memref<1x1x79x128xi32, #tpu.memory_space<hbm>>
        %dma_start3A_34 = tpu.memref_squeeze %dma_start3A_33 : memref<1x1x79x128xi32, #tpu.memory_space<hbm>> -> memref<79x128xi32, #tpu.memory_space<hbm>>
        tpu.enqueue_dma source(%dma_start3A_34 : memref<79x128xi32, #tpu.memory_space<hbm>>) target(%arg10 : memref<79x128xi32, #tpu.memory_space<vmem>>) target_semaphore(%run_scoped3A_27 : memref<!tpu.dma_semaphore, #tpu.memory_space<semaphore_mem>>)
        %dma_wait3A = arith.constant 0 : i32
        %dma_wait3A_35 = arith.constant 0 : i32
        %dma_wait3A_36 = tpu.memref_slice %arg3[%arg1, %run_scoped3A_8, %dma_wait3A, %dma_wait3A_35] : memref<16x2x79x128xi32, #tpu.memory_space<hbm>> -> memref<1x1x79x128xi32, #tpu.memory_space<hbm>>
        %dma_wait3A_37 = tpu.memref_squeeze %dma_wait3A_36 : memref<1x1x79x128xi32, #tpu.memory_space<hbm>> -> memref<79x128xi32, #tpu.memory_space<hbm>>
        %dma_wait3A_38 = arith.constant 0 : i32
        %dma_wait3A_39 = arith.constant 0 : i32
        %dma_wait3A_40 = tpu.memref_slice %arg3[%arg1, %run_scoped3A_8, %dma_wait3A_38, %dma_wait3A_39] : memref<16x2x79x128xi32, #tpu.memory_space<hbm>> -> memref<1x1x79x128xi32, #tpu.memory_space<hbm>>
        %dma_wait3A_41 = tpu.memref_squeeze %dma_wait3A_40 : memref<1x1x79x128xi32, #tpu.memory_space<hbm>> -> memref<79x128xi32, #tpu.memory_space<hbm>>
        tpu.wait_dma2 semaphore(%run_scoped3A_27 : memref<!tpu.dma_semaphore, #tpu.memory_space<semaphore_mem>>) src(%dma_wait3A_41 : memref<79x128xi32, #tpu.memory_space<hbm>>) dst(%arg10 : memref<79x128xi32, #tpu.memory_space<vmem>>)
        tpu.yield
      }) : () -> ()
      %scan3A = arith.constant 0 : i32
      %scan3A_9 = arith.constant 0 : i32
      %scan3A_10 = arith.constant 79 : i32
      %scan3A_11 = arith.addi %scan3A_9, %scan3A_10 : i32
      %scan3A_12 = arith.constant 1 : i32
      scf.for %scan3A_27 = %scan3A_9 to %scan3A_11 step %scan3A_12  : i32 {
        %dma_start3A = arith.constant 0 : i32
        %dma_start3A_28 = tpu.memref_slice %arg9[%scan3A_27, %dma_start3A] : memref<79x128xi32, #tpu.memory_space<vmem>> -> memref<1x128xi32, #tpu.memory_space<vmem>>
        %dma_start3A_29 = tpu.memref_squeeze %dma_start3A_28 : memref<1x128xi32, #tpu.memory_space<vmem>> -> memref<128xi32, #tpu.memory_space<vmem>>
        %dma_start3A_30 = arith.constant 0 : i32
        %dma_start3A_31 = arith.constant 0 : i32
        %dma_start3A_32 = tpu.memref_slice %arg4[%dma_start3A_30, %dma_start3A_31] : memref<10240x128xf32, #tpu.memory_space<hbm>> -> memref<10240x128xf32, #tpu.memory_space<hbm>>
        tpu.enqueue_indirect_dma source(%dma_start3A_32 : memref<10240x128xf32, #tpu.memory_space<hbm>>) target(%arg11 : memref<128x128xf32, #tpu.memory_space<vmem>>) offsets(%dma_start3A_29 : memref<128xi32, #tpu.memory_space<vmem>>) semaphore(%arg13 : memref<!tpu.dma_semaphore, #tpu.memory_space<semaphore_mem>>)
        %dma_wait3A = arith.constant 0 : i32
        %dma_wait3A_33 = tpu.memref_slice %arg9[%scan3A_27, %dma_wait3A] : memref<79x128xi32, #tpu.memory_space<vmem>> -> memref<1x128xi32, #tpu.memory_space<vmem>>
        %dma_wait3A_34 = tpu.memref_squeeze %dma_wait3A_33 : memref<1x128xi32, #tpu.memory_space<vmem>> -> memref<128xi32, #tpu.memory_space<vmem>>
        %dma_wait3A_35 = arith.constant 0 : i32
        %dma_wait3A_36 = arith.constant 0 : i32
        %dma_wait3A_37 = tpu.memref_slice %arg4[%dma_wait3A_35, %dma_wait3A_36] : memref<10240x128xf32, #tpu.memory_space<hbm>> -> memref<10240x128xf32, #tpu.memory_space<hbm>>
        tpu.wait_indirect_dma semaphore(%arg13 : memref<!tpu.dma_semaphore, #tpu.memory_space<semaphore_mem>>) src(%dma_wait3A_37 : memref<10240x128xf32, #tpu.memory_space<hbm>>) dst(%arg11 : memref<128x128xf32, #tpu.memory_space<vmem>>)
        "tpu.region"() ({
          %run_scoped3A_38 = tpu.sem_alloc : memref<!tpu.dma_semaphore, #tpu.memory_space<semaphore_mem>>
          %dma_start3A_39 = arith.constant 0 : i32
          %dma_start3A_40 = tpu.memref_slice %arg10[%scan3A_27, %dma_start3A_39] : memref<79x128xi32, #tpu.memory_space<vmem>> -> memref<1x128xi32, #tpu.memory_space<vmem>>
          %dma_start3A_41 = tpu.memref_squeeze %dma_start3A_40 : memref<1x128xi32, #tpu.memory_space<vmem>> -> memref<128xi32, #tpu.memory_space<vmem>>
          %dma_start3A_42 = arith.constant 0 : i32
          %dma_start3A_43 = arith.constant 0 : i32
          %dma_start3A_44 = tpu.memref_slice %arg12[%dma_start3A_42, %dma_start3A_43] : memref<10240x128xf32, #tpu.memory_space<vmem_shared>> -> memref<10240x128xf32, #tpu.memory_space<vmem_shared>>
          tpu.enqueue_indirect_dma source(%arg11 : memref<128x128xf32, #tpu.memory_space<vmem>>) target(%dma_start3A_44 : memref<10240x128xf32, #tpu.memory_space<vmem_shared>>) offsets(%dma_start3A_41 : memref<128xi32, #tpu.memory_space<vmem>>) semaphore(%run_scoped3A_38 : memref<!tpu.dma_semaphore, #tpu.memory_space<semaphore_mem>>) {add = true}
          %dma_wait3A_45 = arith.constant 0 : i32
          %dma_wait3A_46 = tpu.memref_slice %arg10[%scan3A_27, %dma_wait3A_45] : memref<79x128xi32, #tpu.memory_space<vmem>> -> memref<1x128xi32, #tpu.memory_space<vmem>>
          %dma_wait3A_47 = tpu.memref_squeeze %dma_wait3A_46 : memref<1x128xi32, #tpu.memory_space<vmem>> -> memref<128xi32, #tpu.memory_space<vmem>>
          %dma_wait3A_48 = arith.constant 0 : i32
          %dma_wait3A_49 = arith.constant 0 : i32
          %dma_wait3A_50 = tpu.memref_slice %arg12[%dma_wait3A_48, %dma_wait3A_49] : memref<10240x128xf32, #tpu.memory_space<vmem_shared>> -> memref<10240x128xf32, #tpu.memory_space<vmem_shared>>
          tpu.wait_indirect_dma semaphore(%run_scoped3A_38 : memref<!tpu.dma_semaphore, #tpu.memory_space<semaphore_mem>>) src(%arg11 : memref<128x128xf32, #tpu.memory_space<vmem>>) dst(%dma_wait3A_50 : memref<10240x128xf32, #tpu.memory_space<vmem_shared>>)
          tpu.yield
        }) : () -> ()
      }
      %scan3A_13 = arith.constant 79 : i32
      %run_scoped3A_14 = arith.constant 1 : i32
      "tpu.region"() ({
        %run_scoped3A_27 = tpu.sem_alloc : memref<!tpu.dma_semaphore, #tpu.memory_space<semaphore_mem>>
        %dma_start3A = arith.constant 0 : i32
        %dma_start3A_28 = arith.constant 0 : i32
        %dma_start3A_29 = tpu.memref_slice %arg2[%arg1, %run_scoped3A_14, %dma_start3A, %dma_start3A_28] : memref<16x2x79x128xi32, #tpu.memory_space<hbm>> -> memref<1x1x79x128xi32, #tpu.memory_space<hbm>>
        %dma_start3A_30 = tpu.memref_squeeze %dma_start3A_29 : memref<1x1x79x128xi32, #tpu.memory_space<hbm>> -> memref<79x128xi32, #tpu.memory_space<hbm>>
        %dma_start3A_31 = arith.constant 0 : i32
        %dma_start3A_32 = arith.constant 0 : i32
        %dma_start3A_33 = tpu.memref_slice %arg2[%arg1, %run_scoped3A_14, %dma_start3A_31, %dma_start3A_32] : memref<16x2x79x128xi32, #tpu.memory_space<hbm>> -> memref<1x1x79x128xi32, #tpu.memory_space<hbm>>
        %dma_start3A_34 = tpu.memref_squeeze %dma_start3A_33 : memref<1x1x79x128xi32, #tpu.memory_space<hbm>> -> memref<79x128xi32, #tpu.memory_space<hbm>>
        tpu.enqueue_dma source(%dma_start3A_34 : memref<79x128xi32, #tpu.memory_space<hbm>>) target(%arg9 : memref<79x128xi32, #tpu.memory_space<vmem>>) target_semaphore(%run_scoped3A_27 : memref<!tpu.dma_semaphore, #tpu.memory_space<semaphore_mem>>)
        %dma_wait3A = arith.constant 0 : i32
        %dma_wait3A_35 = arith.constant 0 : i32
        %dma_wait3A_36 = tpu.memref_slice %arg2[%arg1, %run_scoped3A_14, %dma_wait3A, %dma_wait3A_35] : memref<16x2x79x128xi32, #tpu.memory_space<hbm>> -> memref<1x1x79x128xi32, #tpu.memory_space<hbm>>
        %dma_wait3A_37 = tpu.memref_squeeze %dma_wait3A_36 : memref<1x1x79x128xi32, #tpu.memory_space<hbm>> -> memref<79x128xi32, #tpu.memory_space<hbm>>
        %dma_wait3A_38 = arith.constant 0 : i32
        %dma_wait3A_39 = arith.constant 0 : i32
        %dma_wait3A_40 = tpu.memref_slice %arg2[%arg1, %run_scoped3A_14, %dma_wait3A_38, %dma_wait3A_39] : memref<16x2x79x128xi32, #tpu.memory_space<hbm>> -> memref<1x1x79x128xi32, #tpu.memory_space<hbm>>
        %dma_wait3A_41 = tpu.memref_squeeze %dma_wait3A_40 : memref<1x1x79x128xi32, #tpu.memory_space<hbm>> -> memref<79x128xi32, #tpu.memory_space<hbm>>
        tpu.wait_dma2 semaphore(%run_scoped3A_27 : memref<!tpu.dma_semaphore, #tpu.memory_space<semaphore_mem>>) src(%dma_wait3A_41 : memref<79x128xi32, #tpu.memory_space<hbm>>) dst(%arg9 : memref<79x128xi32, #tpu.memory_space<vmem>>)
        tpu.yield
      }) : () -> ()
      %run_scoped3A_15 = arith.constant 1 : i32
      "tpu.region"() ({
        %run_scoped3A_27 = tpu.sem_alloc : memref<!tpu.dma_semaphore, #tpu.memory_space<semaphore_mem>>
        %dma_start3A = arith.constant 0 : i32
        %dma_start3A_28 = arith.constant 0 : i32
        %dma_start3A_29 = tpu.memref_slice %arg3[%arg1, %run_scoped3A_15, %dma_start3A, %dma_start3A_28] : memref<16x2x79x128xi32, #tpu.memory_space<hbm>> -> memref<1x1x79x128xi32, #tpu.memory_space<hbm>>
        %dma_start3A_30 = tpu.memref_squeeze %dma_start3A_29 : memref<1x1x79x128xi32, #tpu.memory_space<hbm>> -> memref<79x128xi32, #tpu.memory_space<hbm>>
        %dma_start3A_31 = arith.constant 0 : i32
        %dma_start3A_32 = arith.constant 0 : i32
        %dma_start3A_33 = tpu.memref_slice %arg3[%arg1, %run_scoped3A_15, %dma_start3A_31, %dma_start3A_32] : memref<16x2x79x128xi32, #tpu.memory_space<hbm>> -> memref<1x1x79x128xi32, #tpu.memory_space<hbm>>
        %dma_start3A_34 = tpu.memref_squeeze %dma_start3A_33 : memref<1x1x79x128xi32, #tpu.memory_space<hbm>> -> memref<79x128xi32, #tpu.memory_space<hbm>>
        tpu.enqueue_dma source(%dma_start3A_34 : memref<79x128xi32, #tpu.memory_space<hbm>>) target(%arg10 : memref<79x128xi32, #tpu.memory_space<vmem>>) target_semaphore(%run_scoped3A_27 : memref<!tpu.dma_semaphore, #tpu.memory_space<semaphore_mem>>)
        %dma_wait3A = arith.constant 0 : i32
        %dma_wait3A_35 = arith.constant 0 : i32
        %dma_wait3A_36 = tpu.memref_slice %arg3[%arg1, %run_scoped3A_15, %dma_wait3A, %dma_wait3A_35] : memref<16x2x79x128xi32, #tpu.memory_space<hbm>> -> memref<1x1x79x128xi32, #tpu.memory_space<hbm>>
        %dma_wait3A_37 = tpu.memref_squeeze %dma_wait3A_36 : memref<1x1x79x128xi32, #tpu.memory_space<hbm>> -> memref<79x128xi32, #tpu.memory_space<hbm>>
        %dma_wait3A_38 = arith.constant 0 : i32
        %dma_wait3A_39 = arith.constant 0 : i32
        %dma_wait3A_40 = tpu.memref_slice %arg3[%arg1, %run_scoped3A_15, %dma_wait3A_38, %dma_wait3A_39] : memref<16x2x79x128xi32, #tpu.memory_space<hbm>> -> memref<1x1x79x128xi32, #tpu.memory_space<hbm>>
        %dma_wait3A_41 = tpu.memref_squeeze %dma_wait3A_40 : memref<1x1x79x128xi32, #tpu.memory_space<hbm>> -> memref<79x128xi32, #tpu.memory_space<hbm>>
        tpu.wait_dma2 semaphore(%run_scoped3A_27 : memref<!tpu.dma_semaphore, #tpu.memory_space<semaphore_mem>>) src(%dma_wait3A_41 : memref<79x128xi32, #tpu.memory_space<hbm>>) dst(%arg10 : memref<79x128xi32, #tpu.memory_space<vmem>>)
        tpu.yield
      }) : () -> ()
      %scan3A_16 = arith.constant 0 : i32
      %scan3A_17 = arith.constant 0 : i32
      %scan3A_18 = arith.constant 79 : i32
      %scan3A_19 = arith.addi %scan3A_17, %scan3A_18 : i32
      %scan3A_20 = arith.constant 1 : i32
      scf.for %scan3A_27 = %scan3A_17 to %scan3A_19 step %scan3A_20  : i32 {
        %dma_start3A = arith.constant 0 : i32
        %dma_start3A_28 = tpu.memref_slice %arg9[%scan3A_27, %dma_start3A] : memref<79x128xi32, #tpu.memory_space<vmem>> -> memref<1x128xi32, #tpu.memory_space<vmem>>
        %dma_start3A_29 = tpu.memref_squeeze %dma_start3A_28 : memref<1x128xi32, #tpu.memory_space<vmem>> -> memref<128xi32, #tpu.memory_space<vmem>>
        %dma_start3A_30 = arith.constant 0 : i32
        %dma_start3A_31 = arith.constant 0 : i32
        %dma_start3A_32 = tpu.memref_slice %arg4[%dma_start3A_30, %dma_start3A_31] : memref<10240x128xf32, #tpu.memory_space<hbm>> -> memref<10240x128xf32, #tpu.memory_space<hbm>>
        tpu.enqueue_indirect_dma source(%dma_start3A_32 : memref<10240x128xf32, #tpu.memory_space<hbm>>) target(%arg11 : memref<128x128xf32, #tpu.memory_space<vmem>>) offsets(%dma_start3A_29 : memref<128xi32, #tpu.memory_space<vmem>>) semaphore(%arg13 : memref<!tpu.dma_semaphore, #tpu.memory_space<semaphore_mem>>)
        %dma_wait3A = arith.constant 0 : i32
        %dma_wait3A_33 = tpu.memref_slice %arg9[%scan3A_27, %dma_wait3A] : memref<79x128xi32, #tpu.memory_space<vmem>> -> memref<1x128xi32, #tpu.memory_space<vmem>>
        %dma_wait3A_34 = tpu.memref_squeeze %dma_wait3A_33 : memref<1x128xi32, #tpu.memory_space<vmem>> -> memref<128xi32, #tpu.memory_space<vmem>>
        %dma_wait3A_35 = arith.constant 0 : i32
        %dma_wait3A_36 = arith.constant 0 : i32
        %dma_wait3A_37 = tpu.memref_slice %arg4[%dma_wait3A_35, %dma_wait3A_36] : memref<10240x128xf32, #tpu.memory_space<hbm>> -> memref<10240x128xf32, #tpu.memory_space<hbm>>
        tpu.wait_indirect_dma semaphore(%arg13 : memref<!tpu.dma_semaphore, #tpu.memory_space<semaphore_mem>>) src(%dma_wait3A_37 : memref<10240x128xf32, #tpu.memory_space<hbm>>) dst(%arg11 : memref<128x128xf32, #tpu.memory_space<vmem>>)
        "tpu.region"() ({
          %run_scoped3A_38 = tpu.sem_alloc : memref<!tpu.dma_semaphore, #tpu.memory_space<semaphore_mem>>
          %dma_start3A_39 = arith.constant 0 : i32
          %dma_start3A_40 = tpu.memref_slice %arg10[%scan3A_27, %dma_start3A_39] : memref<79x128xi32, #tpu.memory_space<vmem>> -> memref<1x128xi32, #tpu.memory_space<vmem>>
          %dma_start3A_41 = tpu.memref_squeeze %dma_start3A_40 : memref<1x128xi32, #tpu.memory_space<vmem>> -> memref<128xi32, #tpu.memory_space<vmem>>
          %dma_start3A_42 = arith.constant 0 : i32
          %dma_start3A_43 = arith.constant 0 : i32
          %dma_start3A_44 = tpu.memref_slice %arg12[%dma_start3A_42, %dma_start3A_43] : memref<10240x128xf32, #tpu.memory_space<vmem_shared>> -> memref<10240x128xf32, #tpu.memory_space<vmem_shared>>
          tpu.enqueue_indirect_dma source(%arg11 : memref<128x128xf32, #tpu.memory_space<vmem>>) target(%dma_start3A_44 : memref<10240x128xf32, #tpu.memory_space<vmem_shared>>) offsets(%dma_start3A_41 : memref<128xi32, #tpu.memory_space<vmem>>) semaphore(%run_scoped3A_38 : memref<!tpu.dma_semaphore, #tpu.memory_space<semaphore_mem>>) {add = true}
          %dma_wait3A_45 = arith.constant 0 : i32
          %dma_wait3A_46 = tpu.memref_slice %arg10[%scan3A_27, %dma_wait3A_45] : memref<79x128xi32, #tpu.memory_space<vmem>> -> memref<1x128xi32, #tpu.memory_space<vmem>>
          %dma_wait3A_47 = tpu.memref_squeeze %dma_wait3A_46 : memref<1x128xi32, #tpu.memory_space<vmem>> -> memref<128xi32, #tpu.memory_space<vmem>>
          %dma_wait3A_48 = arith.constant 0 : i32
          %dma_wait3A_49 = arith.constant 0 : i32
          %dma_wait3A_50 = tpu.memref_slice %arg12[%dma_wait3A_48, %dma_wait3A_49] : memref<10240x128xf32, #tpu.memory_space<vmem_shared>> -> memref<10240x128xf32, #tpu.memory_space<vmem_shared>>
          tpu.wait_indirect_dma semaphore(%run_scoped3A_38 : memref<!tpu.dma_semaphore, #tpu.memory_space<semaphore_mem>>) src(%arg11 : memref<128x128xf32, #tpu.memory_space<vmem>>) dst(%dma_wait3A_50 : memref<10240x128xf32, #tpu.memory_space<vmem_shared>>)
          tpu.yield
        }) : () -> ()
      }
      %scan3A_21 = arith.constant 79 : i32
      %barrier3A_22 = arith.constant 0 : index
      tpu.barrier barrier_id(%barrier3A_22)
      %mul3A_23 = arith.constant 640 : i32
      %mul3A_24 = arith.muli %arg1, %mul3A_23 : i32
      %mul3A_25 = arith.constant 640 : i32
      %mul3A_26 = arith.muli %arg1, %mul3A_25 : i32
      "tpu.region"() ({
        %run_scoped3A_27 = tpu.sem_alloc : memref<!tpu.dma_semaphore, #tpu.memory_space<semaphore_mem>>
        %dma_start3A = arith.constant 0 : i32
        %dma_start3A_28 = tpu.memref_slice %arg7[%mul3A_26, %dma_start3A] : memref<10240x128xf32, #tpu.memory_space<hbm>> -> memref<640x128xf32, #tpu.memory_space<hbm>>
        %dma_start3A_29 = arith.constant 0 : i32
        %dma_start3A_30 = tpu.memref_slice %arg12[%mul3A_24, %dma_start3A_29] : memref<10240x128xf32, #tpu.memory_space<vmem_shared>> -> memref<640x128xf32, #tpu.memory_space<vmem_shared>>
        tpu.enqueue_dma source(%dma_start3A_30 : memref<640x128xf32, #tpu.memory_space<vmem_shared>>) target(%dma_start3A_28 : memref<640x128xf32, #tpu.memory_space<hbm>>) target_semaphore(%run_scoped3A_27 : memref<!tpu.dma_semaphore, #tpu.memory_space<semaphore_mem>>)
        %dma_wait3A = arith.constant 0 : i32
        %dma_wait3A_31 = tpu.memref_slice %arg7[%mul3A_26, %dma_wait3A] : memref<10240x128xf32, #tpu.memory_space<hbm>> -> memref<640x128xf32, #tpu.memory_space<hbm>>
        %dma_wait3A_32 = arith.constant 0 : i32
        %dma_wait3A_33 = tpu.memref_slice %arg12[%mul3A_24, %dma_wait3A_32] : memref<10240x128xf32, #tpu.memory_space<vmem_shared>> -> memref<640x128xf32, #tpu.memory_space<vmem_shared>>
        tpu.wait_dma2 semaphore(%run_scoped3A_27 : memref<!tpu.dma_semaphore, #tpu.memory_space<semaphore_mem>>) src(%dma_wait3A_33 : memref<640x128xf32, #tpu.memory_space<vmem_shared>>) dst(%dma_wait3A_31 : memref<640x128xf32, #tpu.memory_space<hbm>>)
        tpu.yield
      }) : () -> ()
    } else {
    }
    %eq3A_3 = arith.constant 1 : i32
    %eq3A_4 = arith.cmpi eq, %arg0, %eq3A_3 : i32
    %convert_element_type3A_5 = arith.extui %eq3A_4 : i1 to i32
    %cond3A_6 = arith.constant 0 : i32
    %cond3A_7 = arith.cmpi ne, %convert_element_type3A_5, %cond3A_6 : i32
    scf.if %cond3A_7 {
      %run_scoped3A = arith.constant 0 : i32
      "tpu.region"() ({
        %run_scoped3A_27 = tpu.sem_alloc : memref<!tpu.dma_semaphore, #tpu.memory_space<semaphore_mem>>
        %dma_start3A = arith.constant 0 : i32
        %dma_start3A_28 = arith.constant 0 : i32
        %dma_start3A_29 = tpu.memref_slice %arg2[%arg1, %run_scoped3A, %dma_start3A, %dma_start3A_28] : memref<16x2x79x128xi32, #tpu.memory_space<hbm>> -> memref<1x1x79x128xi32, #tpu.memory_space<hbm>>
        %dma_start3A_30 = tpu.memref_squeeze %dma_start3A_29 : memref<1x1x79x128xi32, #tpu.memory_space<hbm>> -> memref<79x128xi32, #tpu.memory_space<hbm>>
        %dma_start3A_31 = arith.constant 0 : i32
        %dma_start3A_32 = arith.constant 0 : i32
        %dma_start3A_33 = tpu.memref_slice %arg2[%arg1, %run_scoped3A, %dma_start3A_31, %dma_start3A_32] : memref<16x2x79x128xi32, #tpu.memory_space<hbm>> -> memref<1x1x79x128xi32, #tpu.memory_space<hbm>>
        %dma_start3A_34 = tpu.memref_squeeze %dma_start3A_33 : memref<1x1x79x128xi32, #tpu.memory_space<hbm>> -> memref<79x128xi32, #tpu.memory_space<hbm>>
        tpu.enqueue_dma source(%dma_start3A_34 : memref<79x128xi32, #tpu.memory_space<hbm>>) target(%arg9 : memref<79x128xi32, #tpu.memory_space<vmem>>) target_semaphore(%run_scoped3A_27 : memref<!tpu.dma_semaphore, #tpu.memory_space<semaphore_mem>>)
        %dma_wait3A = arith.constant 0 : i32
        %dma_wait3A_35 = arith.constant 0 : i32
        %dma_wait3A_36 = tpu.memref_slice %arg2[%arg1, %run_scoped3A, %dma_wait3A, %dma_wait3A_35] : memref<16x2x79x128xi32, #tpu.memory_space<hbm>> -> memref<1x1x79x128xi32, #tpu.memory_space<hbm>>
        %dma_wait3A_37 = tpu.memref_squeeze %dma_wait3A_36 : memref<1x1x79x128xi32, #tpu.memory_space<hbm>> -> memref<79x128xi32, #tpu.memory_space<hbm>>
        %dma_wait3A_38 = arith.constant 0 : i32
        %dma_wait3A_39 = arith.constant 0 : i32
        %dma_wait3A_40 = tpu.memref_slice %arg2[%arg1, %run_scoped3A, %dma_wait3A_38, %dma_wait3A_39] : memref<16x2x79x128xi32, #tpu.memory_space<hbm>> -> memref<1x1x79x128xi32, #tpu.memory_space<hbm>>
        %dma_wait3A_41 = tpu.memref_squeeze %dma_wait3A_40 : memref<1x1x79x128xi32, #tpu.memory_space<hbm>> -> memref<79x128xi32, #tpu.memory_space<hbm>>
        tpu.wait_dma2 semaphore(%run_scoped3A_27 : memref<!tpu.dma_semaphore, #tpu.memory_space<semaphore_mem>>) src(%dma_wait3A_41 : memref<79x128xi32, #tpu.memory_space<hbm>>) dst(%arg9 : memref<79x128xi32, #tpu.memory_space<vmem>>)
        tpu.yield
      }) : () -> ()
      %run_scoped3A_8 = arith.constant 0 : i32
      "tpu.region"() ({
        %run_scoped3A_27 = tpu.sem_alloc : memref<!tpu.dma_semaphore, #tpu.memory_space<semaphore_mem>>
        %dma_start3A = arith.constant 0 : i32
        %dma_start3A_28 = arith.constant 0 : i32
        %dma_start3A_29 = tpu.memref_slice %arg3[%arg1, %run_scoped3A_8, %dma_start3A, %dma_start3A_28] : memref<16x2x79x128xi32, #tpu.memory_space<hbm>> -> memref<1x1x79x128xi32, #tpu.memory_space<hbm>>
        %dma_start3A_30 = tpu.memref_squeeze %dma_start3A_29 : memref<1x1x79x128xi32, #tpu.memory_space<hbm>> -> memref<79x128xi32, #tpu.memory_space<hbm>>
        %dma_start3A_31 = arith.constant 0 : i32
        %dma_start3A_32 = arith.constant 0 : i32
        %dma_start3A_33 = tpu.memref_slice %arg3[%arg1, %run_scoped3A_8, %dma_start3A_31, %dma_start3A_32] : memref<16x2x79x128xi32, #tpu.memory_space<hbm>> -> memref<1x1x79x128xi32, #tpu.memory_space<hbm>>
        %dma_start3A_34 = tpu.memref_squeeze %dma_start3A_33 : memref<1x1x79x128xi32, #tpu.memory_space<hbm>> -> memref<79x128xi32, #tpu.memory_space<hbm>>
        tpu.enqueue_dma source(%dma_start3A_34 : memref<79x128xi32, #tpu.memory_space<hbm>>) target(%arg10 : memref<79x128xi32, #tpu.memory_space<vmem>>) target_semaphore(%run_scoped3A_27 : memref<!tpu.dma_semaphore, #tpu.memory_space<semaphore_mem>>)
        %dma_wait3A = arith.constant 0 : i32
        %dma_wait3A_35 = arith.constant 0 : i32
        %dma_wait3A_36 = tpu.memref_slice %arg3[%arg1, %run_scoped3A_8, %dma_wait3A, %dma_wait3A_35] : memref<16x2x79x128xi32, #tpu.memory_space<hbm>> -> memref<1x1x79x128xi32, #tpu.memory_space<hbm>>
        %dma_wait3A_37 = tpu.memref_squeeze %dma_wait3A_36 : memref<1x1x79x128xi32, #tpu.memory_space<hbm>> -> memref<79x128xi32, #tpu.memory_space<hbm>>
        %dma_wait3A_38 = arith.constant 0 : i32
        %dma_wait3A_39 = arith.constant 0 : i32
        %dma_wait3A_40 = tpu.memref_slice %arg3[%arg1, %run_scoped3A_8, %dma_wait3A_38, %dma_wait3A_39] : memref<16x2x79x128xi32, #tpu.memory_space<hbm>> -> memref<1x1x79x128xi32, #tpu.memory_space<hbm>>
        %dma_wait3A_41 = tpu.memref_squeeze %dma_wait3A_40 : memref<1x1x79x128xi32, #tpu.memory_space<hbm>> -> memref<79x128xi32, #tpu.memory_space<hbm>>
        tpu.wait_dma2 semaphore(%run_scoped3A_27 : memref<!tpu.dma_semaphore, #tpu.memory_space<semaphore_mem>>) src(%dma_wait3A_41 : memref<79x128xi32, #tpu.memory_space<hbm>>) dst(%arg10 : memref<79x128xi32, #tpu.memory_space<vmem>>)
        tpu.yield
      }) : () -> ()
      %scan3A = arith.constant 0 : i32
      %scan3A_9 = arith.constant 0 : i32
      %scan3A_10 = arith.constant 79 : i32
      %scan3A_11 = arith.addi %scan3A_9, %scan3A_10 : i32
      %scan3A_12 = arith.constant 1 : i32
      scf.for %scan3A_27 = %scan3A_9 to %scan3A_11 step %scan3A_12  : i32 {
        %dma_start3A = arith.constant 0 : i32
        %dma_start3A_28 = tpu.memref_slice %arg9[%scan3A_27, %dma_start3A] : memref<79x128xi32, #tpu.memory_space<vmem>> -> memref<1x128xi32, #tpu.memory_space<vmem>>
        %dma_start3A_29 = tpu.memref_squeeze %dma_start3A_28 : memref<1x128xi32, #tpu.memory_space<vmem>> -> memref<128xi32, #tpu.memory_space<vmem>>
        %dma_start3A_30 = arith.constant 0 : i32
        %dma_start3A_31 = arith.constant 0 : i32
        %dma_start3A_32 = tpu.memref_slice %arg5[%dma_start3A_30, %dma_start3A_31] : memref<10240x128xf32, #tpu.memory_space<hbm>> -> memref<10240x128xf32, #tpu.memory_space<hbm>>
        tpu.enqueue_indirect_dma source(%dma_start3A_32 : memref<10240x128xf32, #tpu.memory_space<hbm>>) target(%arg11 : memref<128x128xf32, #tpu.memory_space<vmem>>) offsets(%dma_start3A_29 : memref<128xi32, #tpu.memory_space<vmem>>) semaphore(%arg13 : memref<!tpu.dma_semaphore, #tpu.memory_space<semaphore_mem>>)
        %dma_wait3A = arith.constant 0 : i32
        %dma_wait3A_33 = tpu.memref_slice %arg9[%scan3A_27, %dma_wait3A] : memref<79x128xi32, #tpu.memory_space<vmem>> -> memref<1x128xi32, #tpu.memory_space<vmem>>
        %dma_wait3A_34 = tpu.memref_squeeze %dma_wait3A_33 : memref<1x128xi32, #tpu.memory_space<vmem>> -> memref<128xi32, #tpu.memory_space<vmem>>
        %dma_wait3A_35 = arith.constant 0 : i32
        %dma_wait3A_36 = arith.constant 0 : i32
        %dma_wait3A_37 = tpu.memref_slice %arg5[%dma_wait3A_35, %dma_wait3A_36] : memref<10240x128xf32, #tpu.memory_space<hbm>> -> memref<10240x128xf32, #tpu.memory_space<hbm>>
        tpu.wait_indirect_dma semaphore(%arg13 : memref<!tpu.dma_semaphore, #tpu.memory_space<semaphore_mem>>) src(%dma_wait3A_37 : memref<10240x128xf32, #tpu.memory_space<hbm>>) dst(%arg11 : memref<128x128xf32, #tpu.memory_space<vmem>>)
        "tpu.region"() ({
          %run_scoped3A_38 = tpu.sem_alloc : memref<!tpu.dma_semaphore, #tpu.memory_space<semaphore_mem>>
          %dma_start3A_39 = arith.constant 0 : i32
          %dma_start3A_40 = tpu.memref_slice %arg10[%scan3A_27, %dma_start3A_39] : memref<79x128xi32, #tpu.memory_space<vmem>> -> memref<1x128xi32, #tpu.memory_space<vmem>>
          %dma_start3A_41 = tpu.memref_squeeze %dma_start3A_40 : memref<1x128xi32, #tpu.memory_space<vmem>> -> memref<128xi32, #tpu.memory_space<vmem>>
          %dma_start3A_42 = arith.constant 0 : i32
          %dma_start3A_43 = arith.constant 0 : i32
          %dma_start3A_44 = tpu.memref_slice %arg12[%dma_start3A_42, %dma_start3A_43] : memref<10240x128xf32, #tpu.memory_space<vmem_shared>> -> memref<10240x128xf32, #tpu.memory_space<vmem_shared>>
          tpu.enqueue_indirect_dma source(%arg11 : memref<128x128xf32, #tpu.memory_space<vmem>>) target(%dma_start3A_44 : memref<10240x128xf32, #tpu.memory_space<vmem_shared>>) offsets(%dma_start3A_41 : memref<128xi32, #tpu.memory_space<vmem>>) semaphore(%run_scoped3A_38 : memref<!tpu.dma_semaphore, #tpu.memory_space<semaphore_mem>>) {add = true}
          %dma_wait3A_45 = arith.constant 0 : i32
          %dma_wait3A_46 = tpu.memref_slice %arg10[%scan3A_27, %dma_wait3A_45] : memref<79x128xi32, #tpu.memory_space<vmem>> -> memref<1x128xi32, #tpu.memory_space<vmem>>
          %dma_wait3A_47 = tpu.memref_squeeze %dma_wait3A_46 : memref<1x128xi32, #tpu.memory_space<vmem>> -> memref<128xi32, #tpu.memory_space<vmem>>
          %dma_wait3A_48 = arith.constant 0 : i32
          %dma_wait3A_49 = arith.constant 0 : i32
          %dma_wait3A_50 = tpu.memref_slice %arg12[%dma_wait3A_48, %dma_wait3A_49] : memref<10240x128xf32, #tpu.memory_space<vmem_shared>> -> memref<10240x128xf32, #tpu.memory_space<vmem_shared>>
          tpu.wait_indirect_dma semaphore(%run_scoped3A_38 : memref<!tpu.dma_semaphore, #tpu.memory_space<semaphore_mem>>) src(%arg11 : memref<128x128xf32, #tpu.memory_space<vmem>>) dst(%dma_wait3A_50 : memref<10240x128xf32, #tpu.memory_space<vmem_shared>>)
          tpu.yield
        }) : () -> ()
      }
      %scan3A_13 = arith.constant 79 : i32
      %run_scoped3A_14 = arith.constant 1 : i32
      "tpu.region"() ({
        %run_scoped3A_27 = tpu.sem_alloc : memref<!tpu.dma_semaphore, #tpu.memory_space<semaphore_mem>>
        %dma_start3A = arith.constant 0 : i32
        %dma_start3A_28 = arith.constant 0 : i32
        %dma_start3A_29 = tpu.memref_slice %arg2[%arg1, %run_scoped3A_14, %dma_start3A, %dma_start3A_28] : memref<16x2x79x128xi32, #tpu.memory_space<hbm>> -> memref<1x1x79x128xi32, #tpu.memory_space<hbm>>
        %dma_start3A_30 = tpu.memref_squeeze %dma_start3A_29 : memref<1x1x79x128xi32, #tpu.memory_space<hbm>> -> memref<79x128xi32, #tpu.memory_space<hbm>>
        %dma_start3A_31 = arith.constant 0 : i32
        %dma_start3A_32 = arith.constant 0 : i32
        %dma_start3A_33 = tpu.memref_slice %arg2[%arg1, %run_scoped3A_14, %dma_start3A_31, %dma_start3A_32] : memref<16x2x79x128xi32, #tpu.memory_space<hbm>> -> memref<1x1x79x128xi32, #tpu.memory_space<hbm>>
        %dma_start3A_34 = tpu.memref_squeeze %dma_start3A_33 : memref<1x1x79x128xi32, #tpu.memory_space<hbm>> -> memref<79x128xi32, #tpu.memory_space<hbm>>
        tpu.enqueue_dma source(%dma_start3A_34 : memref<79x128xi32, #tpu.memory_space<hbm>>) target(%arg9 : memref<79x128xi32, #tpu.memory_space<vmem>>) target_semaphore(%run_scoped3A_27 : memref<!tpu.dma_semaphore, #tpu.memory_space<semaphore_mem>>)
        %dma_wait3A = arith.constant 0 : i32
        %dma_wait3A_35 = arith.constant 0 : i32
        %dma_wait3A_36 = tpu.memref_slice %arg2[%arg1, %run_scoped3A_14, %dma_wait3A, %dma_wait3A_35] : memref<16x2x79x128xi32, #tpu.memory_space<hbm>> -> memref<1x1x79x128xi32, #tpu.memory_space<hbm>>
        %dma_wait3A_37 = tpu.memref_squeeze %dma_wait3A_36 : memref<1x1x79x128xi32, #tpu.memory_space<hbm>> -> memref<79x128xi32, #tpu.memory_space<hbm>>
        %dma_wait3A_38 = arith.constant 0 : i32
        %dma_wait3A_39 = arith.constant 0 : i32
        %dma_wait3A_40 = tpu.memref_slice %arg2[%arg1, %run_scoped3A_14, %dma_wait3A_38, %dma_wait3A_39] : memref<16x2x79x128xi32, #tpu.memory_space<hbm>> -> memref<1x1x79x128xi32, #tpu.memory_space<hbm>>
        %dma_wait3A_41 = tpu.memref_squeeze %dma_wait3A_40 : memref<1x1x79x128xi32, #tpu.memory_space<hbm>> -> memref<79x128xi32, #tpu.memory_space<hbm>>
        tpu.wait_dma2 semaphore(%run_scoped3A_27 : memref<!tpu.dma_semaphore, #tpu.memory_space<semaphore_mem>>) src(%dma_wait3A_41 : memref<79x128xi32, #tpu.memory_space<hbm>>) dst(%arg9 : memref<79x128xi32, #tpu.memory_space<vmem>>)
        tpu.yield
      }) : () -> ()
      %run_scoped3A_15 = arith.constant 1 : i32
      "tpu.region"() ({
        %run_scoped3A_27 = tpu.sem_alloc : memref<!tpu.dma_semaphore, #tpu.memory_space<semaphore_mem>>
        %dma_start3A = arith.constant 0 : i32
        %dma_start3A_28 = arith.constant 0 : i32
        %dma_start3A_29 = tpu.memref_slice %arg3[%arg1, %run_scoped3A_15, %dma_start3A, %dma_start3A_28] : memref<16x2x79x128xi32, #tpu.memory_space<hbm>> -> memref<1x1x79x128xi32, #tpu.memory_space<hbm>>
        %dma_start3A_30 = tpu.memref_squeeze %dma_start3A_29 : memref<1x1x79x128xi32, #tpu.memory_space<hbm>> -> memref<79x128xi32, #tpu.memory_space<hbm>>
        %dma_start3A_31 = arith.constant 0 : i32
        %dma_start3A_32 = arith.constant 0 : i32
        %dma_start3A_33 = tpu.memref_slice %arg3[%arg1, %run_scoped3A_15, %dma_start3A_31, %dma_start3A_32] : memref<16x2x79x128xi32, #tpu.memory_space<hbm>> -> memref<1x1x79x128xi32, #tpu.memory_space<hbm>>
        %dma_start3A_34 = tpu.memref_squeeze %dma_start3A_33 : memref<1x1x79x128xi32, #tpu.memory_space<hbm>> -> memref<79x128xi32, #tpu.memory_space<hbm>>
        tpu.enqueue_dma source(%dma_start3A_34 : memref<79x128xi32, #tpu.memory_space<hbm>>) target(%arg10 : memref<79x128xi32, #tpu.memory_space<vmem>>) target_semaphore(%run_scoped3A_27 : memref<!tpu.dma_semaphore, #tpu.memory_space<semaphore_mem>>)
        %dma_wait3A = arith.constant 0 : i32
        %dma_wait3A_35 = arith.constant 0 : i32
        %dma_wait3A_36 = tpu.memref_slice %arg3[%arg1, %run_scoped3A_15, %dma_wait3A, %dma_wait3A_35] : memref<16x2x79x128xi32, #tpu.memory_space<hbm>> -> memref<1x1x79x128xi32, #tpu.memory_space<hbm>>
        %dma_wait3A_37 = tpu.memref_squeeze %dma_wait3A_36 : memref<1x1x79x128xi32, #tpu.memory_space<hbm>> -> memref<79x128xi32, #tpu.memory_space<hbm>>
        %dma_wait3A_38 = arith.constant 0 : i32
        %dma_wait3A_39 = arith.constant 0 : i32
        %dma_wait3A_40 = tpu.memref_slice %arg3[%arg1, %run_scoped3A_15, %dma_wait3A_38, %dma_wait3A_39] : memref<16x2x79x128xi32, #tpu.memory_space<hbm>> -> memref<1x1x79x128xi32, #tpu.memory_space<hbm>>
        %dma_wait3A_41 = tpu.memref_squeeze %dma_wait3A_40 : memref<1x1x79x128xi32, #tpu.memory_space<hbm>> -> memref<79x128xi32, #tpu.memory_space<hbm>>
        tpu.wait_dma2 semaphore(%run_scoped3A_27 : memref<!tpu.dma_semaphore, #tpu.memory_space<semaphore_mem>>) src(%dma_wait3A_41 : memref<79x128xi32, #tpu.memory_space<hbm>>) dst(%arg10 : memref<79x128xi32, #tpu.memory_space<vmem>>)
        tpu.yield
      }) : () -> ()
      %scan3A_16 = arith.constant 0 : i32
      %scan3A_17 = arith.constant 0 : i32
      %scan3A_18 = arith.constant 79 : i32
      %scan3A_19 = arith.addi %scan3A_17, %scan3A_18 : i32
      %scan3A_20 = arith.constant 1 : i32
      scf.for %scan3A_27 = %scan3A_17 to %scan3A_19 step %scan3A_20  : i32 {
        %dma_start3A = arith.constant 0 : i32
        %dma_start3A_28 = tpu.memref_slice %arg9[%scan3A_27, %dma_start3A] : memref<79x128xi32, #tpu.memory_space<vmem>> -> memref<1x128xi32, #tpu.memory_space<vmem>>
        %dma_start3A_29 = tpu.memref_squeeze %dma_start3A_28 : memref<1x128xi32, #tpu.memory_space<vmem>> -> memref<128xi32, #tpu.memory_space<vmem>>
        %dma_start3A_30 = arith.constant 0 : i32
        %dma_start3A_31 = arith.constant 0 : i32
        %dma_start3A_32 = tpu.memref_slice %arg5[%dma_start3A_30, %dma_start3A_31] : memref<10240x128xf32, #tpu.memory_space<hbm>> -> memref<10240x128xf32, #tpu.memory_space<hbm>>
        tpu.enqueue_indirect_dma source(%dma_start3A_32 : memref<10240x128xf32, #tpu.memory_space<hbm>>) target(%arg11 : memref<128x128xf32, #tpu.memory_space<vmem>>) offsets(%dma_start3A_29 : memref<128xi32, #tpu.memory_space<vmem>>) semaphore(%arg13 : memref<!tpu.dma_semaphore, #tpu.memory_space<semaphore_mem>>)
        %dma_wait3A = arith.constant 0 : i32
        %dma_wait3A_33 = tpu.memref_slice %arg9[%scan3A_27, %dma_wait3A] : memref<79x128xi32, #tpu.memory_space<vmem>> -> memref<1x128xi32, #tpu.memory_space<vmem>>
        %dma_wait3A_34 = tpu.memref_squeeze %dma_wait3A_33 : memref<1x128xi32, #tpu.memory_space<vmem>> -> memref<128xi32, #tpu.memory_space<vmem>>
        %dma_wait3A_35 = arith.constant 0 : i32
        %dma_wait3A_36 = arith.constant 0 : i32
        %dma_wait3A_37 = tpu.memref_slice %arg5[%dma_wait3A_35, %dma_wait3A_36] : memref<10240x128xf32, #tpu.memory_space<hbm>> -> memref<10240x128xf32, #tpu.memory_space<hbm>>
        tpu.wait_indirect_dma semaphore(%arg13 : memref<!tpu.dma_semaphore, #tpu.memory_space<semaphore_mem>>) src(%dma_wait3A_37 : memref<10240x128xf32, #tpu.memory_space<hbm>>) dst(%arg11 : memref<128x128xf32, #tpu.memory_space<vmem>>)
        "tpu.region"() ({
          %run_scoped3A_38 = tpu.sem_alloc : memref<!tpu.dma_semaphore, #tpu.memory_space<semaphore_mem>>
          %dma_start3A_39 = arith.constant 0 : i32
          %dma_start3A_40 = tpu.memref_slice %arg10[%scan3A_27, %dma_start3A_39] : memref<79x128xi32, #tpu.memory_space<vmem>> -> memref<1x128xi32, #tpu.memory_space<vmem>>
          %dma_start3A_41 = tpu.memref_squeeze %dma_start3A_40 : memref<1x128xi32, #tpu.memory_space<vmem>> -> memref<128xi32, #tpu.memory_space<vmem>>
          %dma_start3A_42 = arith.constant 0 : i32
          %dma_start3A_43 = arith.constant 0 : i32
          %dma_start3A_44 = tpu.memref_slice %arg12[%dma_start3A_42, %dma_start3A_43] : memref<10240x128xf32, #tpu.memory_space<vmem_shared>> -> memref<10240x128xf32, #tpu.memory_space<vmem_shared>>
          tpu.enqueue_indirect_dma source(%arg11 : memref<128x128xf32, #tpu.memory_space<vmem>>) target(%dma_start3A_44 : memref<10240x128xf32, #tpu.memory_space<vmem_shared>>) offsets(%dma_start3A_41 : memref<128xi32, #tpu.memory_space<vmem>>) semaphore(%run_scoped3A_38 : memref<!tpu.dma_semaphore, #tpu.memory_space<semaphore_mem>>) {add = true}
          %dma_wait3A_45 = arith.constant 0 : i32
          %dma_wait3A_46 = tpu.memref_slice %arg10[%scan3A_27, %dma_wait3A_45] : memref<79x128xi32, #tpu.memory_space<vmem>> -> memref<1x128xi32, #tpu.memory_space<vmem>>
          %dma_wait3A_47 = tpu.memref_squeeze %dma_wait3A_46 : memref<1x128xi32, #tpu.memory_space<vmem>> -> memref<128xi32, #tpu.memory_space<vmem>>
          %dma_wait3A_48 = arith.constant 0 : i32
          %dma_wait3A_49 = arith.constant 0 : i32
          %dma_wait3A_50 = tpu.memref_slice %arg12[%dma_wait3A_48, %dma_wait3A_49] : memref<10240x128xf32, #tpu.memory_space<vmem_shared>> -> memref<10240x128xf32, #tpu.memory_space<vmem_shared>>
          tpu.wait_indirect_dma semaphore(%run_scoped3A_38 : memref<!tpu.dma_semaphore, #tpu.memory_space<semaphore_mem>>) src(%arg11 : memref<128x128xf32, #tpu.memory_space<vmem>>) dst(%dma_wait3A_50 : memref<10240x128xf32, #tpu.memory_space<vmem_shared>>)
          tpu.yield
        }) : () -> ()
      }
      %scan3A_21 = arith.constant 79 : i32
      %barrier3A_22 = arith.constant 0 : index
      tpu.barrier barrier_id(%barrier3A_22)
      %mul3A_23 = arith.constant 640 : i32
      %mul3A_24 = arith.muli %arg1, %mul3A_23 : i32
      %mul3A_25 = arith.constant 640 : i32
      %mul3A_26 = arith.muli %arg1, %mul3A_25 : i32
      "tpu.region"() ({
        %run_scoped3A_27 = tpu.sem_alloc : memref<!tpu.dma_semaphore, #tpu.memory_space<semaphore_mem>>
        %dma_start3A = arith.constant 0 : i32
        %dma_start3A_28 = tpu.memref_slice %arg8[%mul3A_26, %dma_start3A] : memref<10240x128xf32, #tpu.memory_space<hbm>> -> memref<640x128xf32, #tpu.memory_space<hbm>>
        %dma_start3A_29 = arith.constant 0 : i32
        %dma_start3A_30 = tpu.memref_slice %arg12[%mul3A_24, %dma_start3A_29] : memref<10240x128xf32, #tpu.memory_space<vmem_shared>> -> memref<640x128xf32, #tpu.memory_space<vmem_shared>>
        tpu.enqueue_dma source(%dma_start3A_30 : memref<640x128xf32, #tpu.memory_space<vmem_shared>>) target(%dma_start3A_28 : memref<640x128xf32, #tpu.memory_space<hbm>>) target_semaphore(%run_scoped3A_27 : memref<!tpu.dma_semaphore, #tpu.memory_space<semaphore_mem>>)
        %dma_wait3A = arith.constant 0 : i32
        %dma_wait3A_31 = tpu.memref_slice %arg8[%mul3A_26, %dma_wait3A] : memref<10240x128xf32, #tpu.memory_space<hbm>> -> memref<640x128xf32, #tpu.memory_space<hbm>>
        %dma_wait3A_32 = arith.constant 0 : i32
        %dma_wait3A_33 = tpu.memref_slice %arg12[%mul3A_24, %dma_wait3A_32] : memref<10240x128xf32, #tpu.memory_space<vmem_shared>> -> memref<640x128xf32, #tpu.memory_space<vmem_shared>>
        tpu.wait_dma2 semaphore(%run_scoped3A_27 : memref<!tpu.dma_semaphore, #tpu.memory_space<semaphore_mem>>) src(%dma_wait3A_33 : memref<640x128xf32, #tpu.memory_space<vmem_shared>>) dst(%dma_wait3A_31 : memref<640x128xf32, #tpu.memory_space<hbm>>)
        tpu.yield
      }) : () -> ()
    } else {
    }
    return
  }
}

module attributes {stable_mosaic.version = 14 : i64} {
  func.func @_tc_mid_body(%arg0: i32, %arg1: memref<1024x128xf32, #tpu.memory_space<vmem>>, %arg2: memref<1024x128xf32, #tpu.memory_space<vmem>>, %arg3: memref<1024x128xf32, #tpu.memory_space<vmem>>, %arg4: memref<1024x128xf32, #tpu.memory_space<vmem>>, %arg5: memref<2x1024x128xf32, #tpu.memory_space<vmem>>, %arg6: memref<256x256xf32, #tpu.memory_space<vmem>>, %arg7: memref<1x256xf32, #tpu.memory_space<vmem>>, %arg8: memref<1024x128xf32, #tpu.memory_space<vmem>>, %arg9: memref<1024x128xf32, #tpu.memory_space<vmem>>) attributes {dimension_semantics = [#tpu.dimension_semantics<arbitrary>], iteration_bounds = array<i64: 10>, scalar_prefetch = 0 : i64, scratch_operands = 0 : i64, tpu.core_type = #tpu.core_type<tc>, window_params = [{transform_indices = @transform_0, window_bounds = array<i64: 1024, 128>}, {transform_indices = @transform_1, window_bounds = array<i64: 1024, 128>}, {transform_indices = @transform_2, window_bounds = array<i64: 1024, 128>}, {transform_indices = @transform_3, window_bounds = array<i64: 1024, 128>}, {transform_indices = @transform_4, window_bounds = array<i64: 2, 1024, 128>}, {pipeline_mode = #tpu.pipeline_mode<synchronous>, transform_indices = @transform_5, window_bounds = array<i64: 256, 256>}, {pipeline_mode = #tpu.pipeline_mode<synchronous>, transform_indices = @transform_6, window_bounds = array<i64: 1, 256>}, {transform_indices = @transform_7, window_bounds = array<i64: 1024, 128>}, {transform_indices = @transform_8, window_bounds = array<i64: 1024, 128>}]} {
    %get3A = arith.constant 0 : index
    %get3A_0 = arith.constant 0 : index
    %get3A_1 = arith.constant 0 : index
    %get3A_2 = vector.load %arg5[%get3A, %get3A_0, %get3A_1] : memref<2x1024x128xf32, #tpu.memory_space<vmem>>, vector<1x1024x1xf32>
    %get3A_3 = vector.shape_cast %get3A_2 : vector<1x1024x1xf32> to vector<1024x1xf32>
    %get3A_4 = arith.constant 1 : index
    %get3A_5 = arith.constant 0 : index
    %get3A_6 = arith.constant 0 : index
    %get3A_7 = vector.load %arg5[%get3A_4, %get3A_5, %get3A_6] : memref<2x1024x128xf32, #tpu.memory_space<vmem>>, vector<1x1024x1xf32>
    %get3A_8 = vector.shape_cast %get3A_7 : vector<1x1024x1xf32> to vector<1024x1xf32>
    %add3A = arith.addf %get3A_3, %get3A_8 : vector<1024x1xf32>
    %add3A_9 = arith.constant 1.000000e+00 : f32
    %add3A_10 = vector.broadcast %add3A_9 : f32 to vector<1024x1xf32>
    %add3A_11 = arith.addf %add3A, %add3A_10 : vector<1024x1xf32>
    %rsqrt3A = math.rsqrt %add3A_11 : vector<1024x1xf32>
    %get3A_12 = arith.constant 0 : index
    %get3A_13 = arith.constant 0 : index
    %get3A_14 = vector.load %arg1[%get3A_12, %get3A_13] : memref<1024x128xf32, #tpu.memory_space<vmem>>, vector<1024x128xf32>
    %get3A_15 = arith.constant 0 : index
    %get3A_16 = arith.constant 0 : index
    %get3A_17 = vector.load %arg3[%get3A_15, %get3A_16] : memref<1024x128xf32, #tpu.memory_space<vmem>>, vector<1024x128xf32>
    %add3A_18 = arith.addf %get3A_14, %get3A_17 : vector<1024x128xf32>
    %get3A_19 = arith.constant 0 : index
    %get3A_20 = arith.constant 0 : index
    %get3A_21 = vector.load %arg2[%get3A_19, %get3A_20] : memref<1024x128xf32, #tpu.memory_space<vmem>>, vector<1024x128xf32>
    %get3A_22 = arith.constant 0 : index
    %get3A_23 = arith.constant 0 : index
    %get3A_24 = vector.load %arg4[%get3A_22, %get3A_23] : memref<1024x128xf32, #tpu.memory_space<vmem>>, vector<1024x128xf32>
    %add3A_25 = arith.addf %get3A_21, %get3A_24 : vector<1024x128xf32>
    %concatenate3A = tpu.concatenate %add3A_18, %add3A_25 in 1 : vector<1024x128xf32>, vector<1024x128xf32> -> vector<1024x256xf32>
    %mul3A = vector.broadcast %rsqrt3A : vector<1024x1xf32> to vector<1024x256xf32>
    %mul3A_26 = arith.mulf %concatenate3A, %mul3A : vector<1024x256xf32>
    %get3A_27 = arith.constant 0 : index
    %get3A_28 = arith.constant 0 : index
    %get3A_29 = vector.load %arg7[%get3A_27, %get3A_28] : memref<1x256xf32, #tpu.memory_space<vmem>>, vector<1x256xf32>
    %add3A_30 = vector.broadcast %get3A_29 : vector<1x256xf32> to vector<1024x256xf32>
    %add3A_31 = arith.addf %mul3A_26, %add3A_30 : vector<1024x256xf32>
    %max3A = arith.constant 0.000000e+00 : f32
    %max3A_32 = vector.broadcast %max3A : f32 to vector<1024x256xf32>
    %max3A_33 = arith.maximumf %add3A_31, %max3A_32 : vector<1024x256xf32>
    %get3A_34 = arith.constant 0 : index
    %get3A_35 = arith.constant 0 : index
    %get3A_36 = vector.load %arg6[%get3A_34, %get3A_35] : memref<256x256xf32, #tpu.memory_space<vmem>>, vector<256x256xf32>
    %dot_general3A = arith.constant dense<0.000000e+00> : vector<1024x256xf32>
    %dot_general3A_37 = tpu.matmul %max3A_33, %get3A_36, %dot_general3A {dimension_numbers = #tpu.dot_dimension_numbers<[1], [0], [0], [1], [0, 0, 1, 1], [], []>, transpose_lhs_hint = false} : vector<1024x256xf32>, vector<256x256xf32>, vector<1024x256xf32> -> vector<1024x256xf32>
    %mul3A_38 = vector.broadcast %rsqrt3A : vector<1024x1xf32> to vector<1024x256xf32>
    %mul3A_39 = arith.mulf %dot_general3A_37, %mul3A_38 : vector<1024x256xf32>
    %slice3A = vector.extract_strided_slice %mul3A_39 {offsets = [0, 0], sizes = [1024, 128], strides = [1, 1]} : vector<1024x256xf32> to vector<1024x128xf32>
    %swap3A = arith.constant 0 : index
    %swap3A_40 = arith.constant 0 : index
    %swap3A_41 = vector.load %arg8[%swap3A, %swap3A_40] : memref<1024x128xf32, #tpu.memory_space<vmem>>, vector<1024x128xf32>
    tpu.vector_store %arg8[%swap3A, %swap3A_40], %slice3A {strides = array<i32>} : memref<1024x128xf32, #tpu.memory_space<vmem>>, vector<1024x128xf32>,
    %slice3A_42 = vector.extract_strided_slice %mul3A_39 {offsets = [0, 128], sizes = [1024, 128], strides = [1, 1]} : vector<1024x256xf32> to vector<1024x128xf32>
    %swap3A_43 = arith.constant 0 : index
    %swap3A_44 = arith.constant 0 : index
    %swap3A_45 = vector.load %arg9[%swap3A_43, %swap3A_44] : memref<1024x128xf32, #tpu.memory_space<vmem>>, vector<1024x128xf32>
    tpu.vector_store %arg9[%swap3A_43, %swap3A_44], %slice3A_42 {strides = array<i32>} : memref<1024x128xf32, #tpu.memory_space<vmem>>, vector<1024x128xf32>,
    return
  }
  func.func @transform_0(%arg0: i32) -> (i32, i32) {
    %c0_i32 = arith.constant 0 : i32
    %c0_i32_0 = arith.constant 0 : i32
    return %arg0, %c0_i32 : i32, i32
  }
  func.func @transform_1(%arg0: i32) -> (i32, i32) {
    %c0_i32 = arith.constant 0 : i32
    %c0_i32_0 = arith.constant 0 : i32
    return %arg0, %c0_i32 : i32, i32
  }
  func.func @transform_2(%arg0: i32) -> (i32, i32) {
    %c0_i32 = arith.constant 0 : i32
    %c0_i32_0 = arith.constant 0 : i32
    return %arg0, %c0_i32 : i32, i32
  }
  func.func @transform_3(%arg0: i32) -> (i32, i32) {
    %c0_i32 = arith.constant 0 : i32
    %c0_i32_0 = arith.constant 0 : i32
    return %arg0, %c0_i32 : i32, i32
  }
  func.func @transform_4(%arg0: i32) -> (i32, i32, i32) {
    %c0_i32 = arith.constant 0 : i32
    %c0_i32_0 = arith.constant 0 : i32
    %c0_i32_1 = arith.constant 0 : i32
    return %c0_i32, %arg0, %c0_i32_0 : i32, i32, i32
  }
  func.func @transform_5(%arg0: i32) -> (i32, i32) {
    %c0_i32 = arith.constant 0 : i32
    %c0_i32_0 = arith.constant 0 : i32
    %c0_i32_1 = arith.constant 0 : i32
    return %c0_i32, %c0_i32_0 : i32, i32
  }
  func.func @transform_6(%arg0: i32) -> (i32, i32) {
    %c0_i32 = arith.constant 0 : i32
    %c0_i32_0 = arith.constant 0 : i32
    %c0_i32_1 = arith.constant 0 : i32
    return %c0_i32, %c0_i32_0 : i32, i32
  }
  func.func @transform_7(%arg0: i32) -> (i32, i32) {
    %c0_i32 = arith.constant 0 : i32
    %c0_i32_0 = arith.constant 0 : i32
    return %arg0, %c0_i32 : i32, i32
  }
  func.func @transform_8(%arg0: i32) -> (i32, i32) {
    %c0_i32 = arith.constant 0 : i32
    %c0_i32_0 = arith.constant 0 : i32
    return %arg0, %c0_i32 : i32, i32
  }
}

module attributes {stable_mosaic.version = 14 : i64} {
  func.func @_tc_first_body(%arg0: i32, %arg1: memref<1024x128xf32, #tpu.memory_space<vmem>>, %arg2: memref<128x256xf32, #tpu.memory_space<vmem>>, %arg3: memref<2x1024x128xf32, #tpu.memory_space<vmem>>, %arg4: memref<1024x128xf32, #tpu.memory_space<vmem>>, %arg5: memref<1024x128xf32, #tpu.memory_space<vmem>>) attributes {dimension_semantics = [#tpu.dimension_semantics<arbitrary>], iteration_bounds = array<i64: 10>, scalar_prefetch = 0 : i64, scratch_operands = 0 : i64, tpu.core_type = #tpu.core_type<tc>, window_params = [{transform_indices = @transform_0, window_bounds = array<i64: 1024, 128>}, {pipeline_mode = #tpu.pipeline_mode<synchronous>, transform_indices = @transform_1, window_bounds = array<i64: 128, 256>}, {transform_indices = @transform_2, window_bounds = array<i64: 2, 1024, 128>}, {transform_indices = @transform_3, window_bounds = array<i64: 1024, 128>}, {transform_indices = @transform_4, window_bounds = array<i64: 1024, 128>}]} {
    %get3A = arith.constant 0 : index
    %get3A_0 = arith.constant 0 : index
    %get3A_1 = arith.constant 0 : index
    %get3A_2 = vector.load %arg3[%get3A, %get3A_0, %get3A_1] : memref<2x1024x128xf32, #tpu.memory_space<vmem>>, vector<1x1024x1xf32>
    %get3A_3 = vector.shape_cast %get3A_2 : vector<1x1024x1xf32> to vector<1024x1xf32>
    %get3A_4 = arith.constant 1 : index
    %get3A_5 = arith.constant 0 : index
    %get3A_6 = arith.constant 0 : index
    %get3A_7 = vector.load %arg3[%get3A_4, %get3A_5, %get3A_6] : memref<2x1024x128xf32, #tpu.memory_space<vmem>>, vector<1x1024x1xf32>
    %get3A_8 = vector.shape_cast %get3A_7 : vector<1x1024x1xf32> to vector<1024x1xf32>
    %add3A = arith.addf %get3A_3, %get3A_8 : vector<1024x1xf32>
    %add3A_9 = arith.constant 1.000000e+00 : f32
    %add3A_10 = vector.broadcast %add3A_9 : f32 to vector<1024x1xf32>
    %add3A_11 = arith.addf %add3A, %add3A_10 : vector<1024x1xf32>
    %rsqrt3A = math.rsqrt %add3A_11 : vector<1024x1xf32>
    %get3A_12 = arith.constant 0 : index
    %get3A_13 = arith.constant 0 : index
    %get3A_14 = vector.load %arg1[%get3A_12, %get3A_13] : memref<1024x128xf32, #tpu.memory_space<vmem>>, vector<1024x128xf32>
    %get3A_15 = arith.constant 0 : index
    %get3A_16 = arith.constant 0 : index
    %get3A_17 = vector.load %arg2[%get3A_15, %get3A_16] : memref<128x256xf32, #tpu.memory_space<vmem>>, vector<128x256xf32>
    %dot_general3A = arith.constant dense<0.000000e+00> : vector<1024x256xf32>
    %dot_general3A_18 = tpu.matmul %get3A_14, %get3A_17, %dot_general3A {dimension_numbers = #tpu.dot_dimension_numbers<[1], [0], [0], [1], [0, 0, 1, 1], [], []>, transpose_lhs_hint = false} : vector<1024x128xf32>, vector<128x256xf32>, vector<1024x256xf32> -> vector<1024x256xf32>
    %mul3A = vector.broadcast %rsqrt3A : vector<1024x1xf32> to vector<1024x256xf32>
    %mul3A_19 = arith.mulf %dot_general3A_18, %mul3A : vector<1024x256xf32>
    %slice3A = vector.extract_strided_slice %mul3A_19 {offsets = [0, 0], sizes = [1024, 128], strides = [1, 1]} : vector<1024x256xf32> to vector<1024x128xf32>
    %swap3A = arith.constant 0 : index
    %swap3A_20 = arith.constant 0 : index
    %swap3A_21 = vector.load %arg4[%swap3A, %swap3A_20] : memref<1024x128xf32, #tpu.memory_space<vmem>>, vector<1024x128xf32>
    tpu.vector_store %arg4[%swap3A, %swap3A_20], %slice3A {strides = array<i32>} : memref<1024x128xf32, #tpu.memory_space<vmem>>, vector<1024x128xf32>,
    %slice3A_22 = vector.extract_strided_slice %mul3A_19 {offsets = [0, 128], sizes = [1024, 128], strides = [1, 1]} : vector<1024x256xf32> to vector<1024x128xf32>
    %swap3A_23 = arith.constant 0 : index
    %swap3A_24 = arith.constant 0 : index
    %swap3A_25 = vector.load %arg5[%swap3A_23, %swap3A_24] : memref<1024x128xf32, #tpu.memory_space<vmem>>, vector<1024x128xf32>
    tpu.vector_store %arg5[%swap3A_23, %swap3A_24], %slice3A_22 {strides = array<i32>} : memref<1024x128xf32, #tpu.memory_space<vmem>>, vector<1024x128xf32>,
    return
  }
  func.func @transform_0(%arg0: i32) -> (i32, i32) {
    %c0_i32 = arith.constant 0 : i32
    %c0_i32_0 = arith.constant 0 : i32
    return %arg0, %c0_i32 : i32, i32
  }
  func.func @transform_1(%arg0: i32) -> (i32, i32) {
    %c0_i32 = arith.constant 0 : i32
    %c0_i32_0 = arith.constant 0 : i32
    %c0_i32_1 = arith.constant 0 : i32
    return %c0_i32, %c0_i32_0 : i32, i32
  }
  func.func @transform_2(%arg0: i32) -> (i32, i32, i32) {
    %c0_i32 = arith.constant 0 : i32
    %c0_i32_0 = arith.constant 0 : i32
    %c0_i32_1 = arith.constant 0 : i32
    return %c0_i32, %arg0, %c0_i32_0 : i32, i32, i32
  }
  func.func @transform_3(%arg0: i32) -> (i32, i32) {
    %c0_i32 = arith.constant 0 : i32
    %c0_i32_0 = arith.constant 0 : i32
    return %arg0, %c0_i32 : i32, i32
  }
  func.func @transform_4(%arg0: i32) -> (i32, i32) {
    %c0_i32 = arith.constant 0 : i32
    %c0_i32_0 = arith.constant 0 : i32
    return %arg0, %c0_i32 : i32, i32
  }
}

module attributes {stable_mosaic.version = 14 : i64} {
  func.func @_tc_last_body(%arg0: i32, %arg1: memref<1024x128xf32, #tpu.memory_space<vmem>>, %arg2: memref<1024x128xf32, #tpu.memory_space<vmem>>, %arg3: memref<1024x128xf32, #tpu.memory_space<vmem>>, %arg4: memref<1024x128xf32, #tpu.memory_space<vmem>>, %arg5: memref<2x1024x128xf32, #tpu.memory_space<vmem>>, %arg6: memref<1x256xf32, #tpu.memory_space<vmem>>, %arg7: memref<1024x256xf32, #tpu.memory_space<vmem>>) attributes {dimension_semantics = [#tpu.dimension_semantics<arbitrary>], iteration_bounds = array<i64: 10>, scalar_prefetch = 0 : i64, scratch_operands = 0 : i64, tpu.core_type = #tpu.core_type<tc>, window_params = [{transform_indices = @transform_0, window_bounds = array<i64: 1024, 128>}, {transform_indices = @transform_1, window_bounds = array<i64: 1024, 128>}, {transform_indices = @transform_2, window_bounds = array<i64: 1024, 128>}, {transform_indices = @transform_3, window_bounds = array<i64: 1024, 128>}, {transform_indices = @transform_4, window_bounds = array<i64: 2, 1024, 128>}, {pipeline_mode = #tpu.pipeline_mode<synchronous>, transform_indices = @transform_5, window_bounds = array<i64: 1, 256>}, {transform_indices = @transform_6, window_bounds = array<i64: 1024, 256>}]} {
    %get3A = arith.constant 0 : index
    %get3A_0 = arith.constant 0 : index
    %get3A_1 = arith.constant 0 : index
    %get3A_2 = vector.load %arg5[%get3A, %get3A_0, %get3A_1] : memref<2x1024x128xf32, #tpu.memory_space<vmem>>, vector<1x1024x1xf32>
    %get3A_3 = vector.shape_cast %get3A_2 : vector<1x1024x1xf32> to vector<1024x1xf32>
    %get3A_4 = arith.constant 1 : index
    %get3A_5 = arith.constant 0 : index
    %get3A_6 = arith.constant 0 : index
    %get3A_7 = vector.load %arg5[%get3A_4, %get3A_5, %get3A_6] : memref<2x1024x128xf32, #tpu.memory_space<vmem>>, vector<1x1024x1xf32>
    %get3A_8 = vector.shape_cast %get3A_7 : vector<1x1024x1xf32> to vector<1024x1xf32>
    %add3A = arith.addf %get3A_3, %get3A_8 : vector<1024x1xf32>
    %add3A_9 = arith.constant 1.000000e+00 : f32
    %add3A_10 = vector.broadcast %add3A_9 : f32 to vector<1024x1xf32>
    %add3A_11 = arith.addf %add3A, %add3A_10 : vector<1024x1xf32>
    %rsqrt3A = math.rsqrt %add3A_11 : vector<1024x1xf32>
    %get3A_12 = arith.constant 0 : index
    %get3A_13 = arith.constant 0 : index
    %get3A_14 = vector.load %arg1[%get3A_12, %get3A_13] : memref<1024x128xf32, #tpu.memory_space<vmem>>, vector<1024x128xf32>
    %get3A_15 = arith.constant 0 : index
    %get3A_16 = arith.constant 0 : index
    %get3A_17 = vector.load %arg3[%get3A_15, %get3A_16] : memref<1024x128xf32, #tpu.memory_space<vmem>>, vector<1024x128xf32>
    %add3A_18 = arith.addf %get3A_14, %get3A_17 : vector<1024x128xf32>
    %get3A_19 = arith.constant 0 : index
    %get3A_20 = arith.constant 0 : index
    %get3A_21 = vector.load %arg2[%get3A_19, %get3A_20] : memref<1024x128xf32, #tpu.memory_space<vmem>>, vector<1024x128xf32>
    %get3A_22 = arith.constant 0 : index
    %get3A_23 = arith.constant 0 : index
    %get3A_24 = vector.load %arg4[%get3A_22, %get3A_23] : memref<1024x128xf32, #tpu.memory_space<vmem>>, vector<1024x128xf32>
    %add3A_25 = arith.addf %get3A_21, %get3A_24 : vector<1024x128xf32>
    %concatenate3A = tpu.concatenate %add3A_18, %add3A_25 in 1 : vector<1024x128xf32>, vector<1024x128xf32> -> vector<1024x256xf32>
    %mul3A = vector.broadcast %rsqrt3A : vector<1024x1xf32> to vector<1024x256xf32>
    %mul3A_26 = arith.mulf %concatenate3A, %mul3A : vector<1024x256xf32>
    %get3A_27 = arith.constant 0 : index
    %get3A_28 = arith.constant 0 : index
    %get3A_29 = vector.load %arg6[%get3A_27, %get3A_28] : memref<1x256xf32, #tpu.memory_space<vmem>>, vector<1x256xf32>
    %add3A_30 = vector.broadcast %get3A_29 : vector<1x256xf32> to vector<1024x256xf32>
    %add3A_31 = arith.addf %mul3A_26, %add3A_30 : vector<1024x256xf32>
    %swap3A = arith.constant 0 : index
    %swap3A_32 = arith.constant 0 : index
    %swap3A_33 = vector.load %arg7[%swap3A, %swap3A_32] : memref<1024x256xf32, #tpu.memory_space<vmem>>, vector<1024x256xf32>
    tpu.vector_store %arg7[%swap3A, %swap3A_32], %add3A_31 {strides = array<i32>} : memref<1024x256xf32, #tpu.memory_space<vmem>>, vector<1024x256xf32>,
    return
  }
  func.func @transform_0(%arg0: i32) -> (i32, i32) {
    %c0_i32 = arith.constant 0 : i32
    %c0_i32_0 = arith.constant 0 : i32
    return %arg0, %c0_i32 : i32, i32
  }
  func.func @transform_1(%arg0: i32) -> (i32, i32) {
    %c0_i32 = arith.constant 0 : i32
    %c0_i32_0 = arith.constant 0 : i32
    return %arg0, %c0_i32 : i32, i32
  }
  func.func @transform_2(%arg0: i32) -> (i32, i32) {
    %c0_i32 = arith.constant 0 : i32
    %c0_i32_0 = arith.constant 0 : i32
    return %arg0, %c0_i32 : i32, i32
  }
  func.func @transform_3(%arg0: i32) -> (i32, i32) {
    %c0_i32 = arith.constant 0 : i32
    %c0_i32_0 = arith.constant 0 : i32
    return %arg0, %c0_i32 : i32, i32
  }
  func.func @transform_4(%arg0: i32) -> (i32, i32, i32) {
    %c0_i32 = arith.constant 0 : i32
    %c0_i32_0 = arith.constant 0 : i32
    %c0_i32_1 = arith.constant 0 : i32
    return %c0_i32, %arg0, %c0_i32_0 : i32, i32, i32
  }
  func.func @transform_5(%arg0: i32) -> (i32, i32) {
    %c0_i32 = arith.constant 0 : i32
    %c0_i32_0 = arith.constant 0 : i32
    %c0_i32_1 = arith.constant 0 : i32
    return %c0_i32, %c0_i32_0 : i32, i32
  }
  func.func @transform_6(%arg0: i32) -> (i32, i32) {
    %c0_i32 = arith.constant 0 : i32
    %c0_i32_0 = arith.constant 0 : i32
    return %arg0, %c0_i32 : i32, i32
  }
}

</mosaic_0001>

<sc_bundles>
// kernel: kernel.10.cloned.1.call-start
scs
__scs_entry_jumppad:
0x0: {  	(pc) =	sbr.rel $0x88, $3  }
0x1: {  	(tag) =	ssettag $0x0;
	lr =	simm.s32 $0x1  }
0x2: {  	[smem:$0x3F99] =	sst lr;
	_ =	strace $0xD0000000  }
0x3: {  	_ = 	snop  }
0x4: {  	_ = 	snop  }
0x5: {  	_ = 	snop  }
0x6: {  	_ = 	snop  }
0x7: {  	_ = 	snop  }
__scs_overlays_trampoline_lowered:
0x8: {  	[smem:$0x3FA8] =	sst s0  }
0x9: {  	[smem:$0x3FA9] =	sst s1  }
0xa: {  	[smem:$0x3FAA] =	sst s2  }
0xb: {  	[smem:$0x3FAB] =	sst s3  }
0xc: {  	[smem:$0x3FAC] =	sst s4  }
0xd: {  	[smem:$0x3FAD] =	sst s5  }
0xe: {  	[smem:$0x3FAE] =	sst s6  }
0xf: {  	[smem:$0x3FAF] =	sst s7  }
0x10: {  	[smem:$0x3FB0] =	sst s8  }
0x11: {  	[smem:$0x3FB1] =	sst s9;
	s0 =	simm.s32 @!p0 $0x0  }
0x12: {  	s1 =	sld [smem:$0x3F97];
	s0 =	simm.s32 @p0 $0x1  }
0x13: {  	[smem:$0x3FB2] =	sst s0;
	s0 =	simm.s32 @!p1 $0x0  }
0x14: {  	s2 =	sld [smem:$0x3F96];
	s0 =	simm.s32 @p1 $0x1  }
0x15: {  	[smem:$0x3FB3] =	sst s0;
	s0 =	simm.s32 @!p2 $0x0  }
0x16: {  	s3 =	sld [smem:$0x3FDB];
	s0 =	simm.s32 @p2 $0x1  }
0x17: {  	s4 =	simm.s32 $0x1BF5;
	[smem:$0x3FB5] =	sst s0  }
0x18: {  	s0 =	sld [smem:$0x3F98];
	_ =	swait.ge [sflag:s4], $0x0  }
0x19: {  	s7 =	sld [smem:$0x3F99]  }
0x1a: {  	s8 =	sadd.s32 $0xFFFFE003, lr  }
0x1b: {  	s9 =	sadd.s32 $0xFFFFFEF7, lr;
	s5 =	simm.s32 $0xFFFFFFFF;
	p2 =	slt.u32 s8, $0xFFFFF086  }
0x1c: {  	p1 =	slt.u32 s9, $0xF7A;
	s5 =	simm.s32 @!p2 $0x0  }
0x1d: {  	s5 =	simm.s32 @p1 $0x1;
	p0 =	seq.s32 s7, s2  }
0x1e: {  	s7 =	smul.u32 @!p0 $0xF7A, s2;
	p2 =	seq.s32 @!p0 s5, $0x0  }
0x1f: {  	s9 =	smul.u32 $0xF7A, s1;
	s8 =	simm.s32 @!p0 $0x1BF5;
	p2 =	por !p2, p0  }
0x20: {  	[sflag:s8] =	ssyncset.s32 @!p0 $0xFFFFF086;
	s6 =	sadd.s32 @!p0 s3, s7;
	s7 =	simm.s32 @!p0 $0x108  }
0x21: {  	s3 =	sadd.s32 s3, s9;
	s6 =	sadd.s32 @!p0 $0x88, s6;
	s7 =	simm.s32 @p2 $0x1082  }
0x22: {  	[simem:s7], [sflag:s8] =	dma.local @!p0 [hbm:s6], $0xF7A  }
0x23: {  	s9 =	sor.u32 $0xD0000000, s2;
	s6 =	simm.s32 $0x108;
	_ =	swait.ge @!p0 [sflag:s8], $0x0  }
0x24: {  	s3 =	sadd.s32 $0x88, s3;
	s6 =	simm.s32 @!p1 $0x1082;
	[sflag:s4] =	ssyncset.s32 $0xFFFFF086  }
0x25: {  	[simem:s6], [sflag:s4] =	dma.local [hbm:s3], $0xF7A  }
0x26: {  	[smem:$0x3F99] =	sst s1;
	(tag) =	ssettag s2;
	_ =	strace s9  }
0x27: {  	s1 =	sld [smem:$0x3FA9]  }
0x28: {  	s2 =	sld [smem:$0x3FAA]  }
0x29: {  	s4 =	sld [smem:$0x3FAC]  }
0x2a: {  	p0 =	seq.s32 s5, $0x0;
	s5 =	sld [smem:$0x3FAD]  }
0x2b: {  	s6 =	sld [smem:$0x3FAE]  }
0x2c: {  	s7 =	sld [smem:$0x3FAF]  }
0x2d: {  	s3 =	simm.s32 $0x108;
	s8 =	sld [smem:$0x3FB0]  }
0x2e: {  	s3 =	simm.s32 @!p0 $0x1082;
	s9 =	sld [smem:$0x3FB1]  }
0x2f: {  	lr =	sadd.s32 s0, s3;
	s0 =	sld [smem:$0x3FA8]  }
0x30: {  	s3 =	sld [smem:$0x3FAB]  }
0x31: {  	[smem:$0x3FB4] =	sst s10  }
0x32: {  	s10 =	sld [smem:$0x3FB2];
	_ =	sdelay $0x3  }
0x33: {  	p0 =	seq.s32 s10, $0x1;
	s10 =	sld [smem:$0x3FB4];
	_ =	sdelay $0x3  }
0x34: {  	[smem:$0x3FB4] =	sst s10  }
0x35: {  	s10 =	sld [smem:$0x3FB3];
	_ =	sdelay $0x3  }
0x36: {  	p1 =	seq.s32 s10, $0x1;
	s10 =	sld [smem:$0x3FB4];
	_ =	sdelay $0x3  }
0x37: {  	[smem:$0x3FB4] =	sst s10  }
0x38: {  	s10 =	sld [smem:$0x3FB5]  }
0x39: {  	_ = 	snop;
	(pc) =	sbr.ind lr, $3  }
0x3a: {  	_ = 	snop  }
0x3b: {  	_ = 	snop  }
0x3c: {  	p2 =	seq.s32 s10, $0x1;
	s10 =	sld [smem:$0x3FB4]  }
0x3d: {  	_ =	shalt  }
0x3e: {  	_ =	shalt  }
0x3f: {  	_ =	shalt  }
0x40: {  	_ =	shalt  }
0x41: {  	_ =	shalt  }
0x42: {  	_ =	shalt  }
0x43: {  	_ =	shalt  }
0x44: {  	_ =	shalt  }
0x45: {  	_ =	shalt  }
0x46: {  	_ =	shalt  }
0x47: {  	_ =	shalt  }
0x48: {  	_ =	shalt  }
0x49: {  	_ =	shalt  }
0x4a: {  	_ =	shalt  }
0x4b: {  	_ =	shalt  }
0x4c: {  	_ =	shalt  }
0x4d: {  	_ =	shalt  }
0x4e: {  	_ =	shalt  }
0x4f: {  	_ =	shalt  }
0x50: {  	_ =	shalt  }
0x51: {  	_ =	shalt  }
0x52: {  	_ =	shalt  }
0x53: {  	_ =	shalt  }
0x54: {  	_ =	shalt  }
0x55: {  	_ =	shalt  }
0x56: {  	_ =	shalt  }
0x57: {  	_ =	shalt  }
0x58: {  	_ =	shalt  }
0x59: {  	_ =	shalt  }
0x5a: {  	_ =	shalt  }
0x5b: {  	_ =	shalt  }
0x5c: {  	_ =	shalt  }
0x5d: {  	_ =	shalt  }
0x5e: {  	_ =	shalt  }
0x5f: {  	_ =	shalt  }
0x60: {  	_ =	shalt  }
0x61: {  	_ =	shalt  }
0x62: {  	_ =	shalt  }
0x63: {  	_ =	shalt  }
0x64: {  	_ =	shalt  }
0x65: {  	_ =	shalt  }
0x66: {  	_ =	shalt  }
0x67: {  	_ =	shalt  }
0x68: {  	_ =	shalt  }
0x69: {  	_ =	shalt  }
0x6a: {  	_ =	shalt  }
0x6b: {  	_ =	shalt  }
0x6c: {  	_ =	shalt  }
0x6d: {  	_ =	shalt  }
0x6e: {  	_ =	shalt  }
0x6f: {  	_ =	shalt  }
0x70: {  	_ =	shalt  }
0x71: {  	_ =	shalt  }
0x72: {  	_ =	shalt  }
0x73: {  	_ =	shalt  }
0x74: {  	_ =	shalt  }
0x75: {  	_ =	shalt  }
0x76: {  	_ =	shalt  }
0x77: {  	_ =	shalt  }
0x78: {  	_ =	shalt  }
0x79: {  	_ =	shalt  }
0x7a: {  	_ =	shalt  }
0x7b: {  	_ =	shalt  }
0x7c: {  	_ =	shalt  }
0x7d: {  	_ =	shalt  }
0x7e: {  	_ =	shalt  }
0x7f: {  	_ =	shalt  }
0x80: {  	_ =	shalt  }
0x81: {  	_ =	shalt  }
0x82: {  	_ =	shalt  }
0x83: {  	_ =	shalt  }
0x84: {  	_ =	shalt  }
0x85: {  	_ =	shalt  }
0x86: {  	_ =	shalt  }
0x87: {  	_ =	shalt  }
.Lfunc_end0:
.L_simem_size_0:
called_computation_lowered:
.L_overlay_start_0:
0x88: {  	s2 =	sld [smem:$0x3FD9]  }
0x89: {  	s3 =	sld [smem:$0x3FFE];
	_ =	sdelay $0x1  }
0x8a: {  	s1 =	srdreg.scid  }
0x8b: {  	s0 =	sand.u32 $0x1, s1  }
0x8c: {  	s17 =	sshll.u32 s0, $0xA;
	s2 =	sadd.s32 s3, s2  }
0x8d: {  	s2 =	sadd.s32 s2, s17  }
0x8e: {  	[smem:$0x3FC0] =	sst s2  }
0x8f: {  	_ = 	snop  }
0x90: {  	s2 =	sld [smem:$0x3FD0];
	(tm) =	ssettm $0x1  }
0x91: {  	s18 =	sld [smem:$0x3FFB];
	_ =	sdelay $0x3  }
0x92: {  	_ =	strace s18  }
0x93: {  	s3 =	sld [smem:$0x3FFC];
	_ =	sdelay $0x3  }
0x94: {  	_ =	strace s3  }
0x95: {  	s3 =	sld [smem:$0x3FFD];
	_ =	sdelay $0x3  }
0x96: {  	_ =	strace s3  }
0x97: {  	_ =	strace $0x8FFFFFFF  }
0x98: {  	s19 =	sld [smem:$0x3FDB];
	_ =	sdelay $0x1  }
0x99: {  	s4 =	simm.s32 $_scs_section_size  }
0x9a: {  	s5 =	simm.s32 $_size__tile_overlayer_lowered;
	s6 =	simm.s32 $_tile_overlayer_lowered  }
0x9b: {  	s22 =	simm.s32 $0x1BFF;
	s21 =	sshll.u32 s6, $0x1;
	s3 =	sadd.s32 s4, s19  }
0x9c: {  	s7 =	simm.s32 $0x0;
	s20 =	sshll.u32 s5, $0x1;
	s5 =	sadd.s32 s21, s3  }
0x9d: {  	[timem:s7], [sflag:s22] =	dma.local [hbm:s5], s20  }
0x9e: {  	_ =	swait.ge [sflag:s22], s20  }
0x9f: {  	s4 =	ssub.s32 $0x0, s20;
	[sflag:s22] =	ssyncset.done $0x0  }
0xa0: {  	[sflag:s22] =	ssyncadd.s32 s4;
	_ =	sdelay $0x1  }
0xa1: {  	s23 =	simm.s32 $0x1B8B  }
0xa2: {  	_ =	swait.ge [sflag:s23], $0x1  }
0xa3: {  	[sflag:s23] =	ssyncset.done $0x0  }
0xa4: {  	s25 =	simm.s32 $0x1B8E;
	s24 =	sld [smem:$0x3FFE];
	[sflag:s23] =	ssyncadd.s32 $0xFFFFFFFF  }
0xa5: {  	s26 =	simm.s32 $execute0_lowered;
	[smem:$0x3FD2] =	sst s25  }
0xa6: {  	s5 =	sshll.u32 s26, $0x1;
	_ =	strace $0x80000046;
	[dreg:$0x1] =	wrdreg $0xFFFFFFFF  }
0xa7: {  	s28 =	simm.s32 $_size_execute0_lowered;
	s3 =	sadd.s32 s3, s5;
	[dreg:$0x0] =	wrdreg $0x0  }
0xa8: {  	s5 =	sshll.u32 s28, $0x1;
	[dreg:$0x2] =	wrdreg s3  }
0xa9: {  	[dreg:$0x3] =	wrdreg s5  }
0xaa: {  	[dreg:$0x4] =	wrdreg $0xC0  }
0xab: {  	_ =	task [dreg:s7], $0x5FFFF  }
0xac: {  	[dreg:$0x1] =	wrdreg $0xFFFFFFFF  }
0xad: {  	[dreg:$0x0] =	wrdreg $0x60  }
0xae: {  	[dreg:$0x2] =	wrdreg s2  }
0xaf: {  	[dreg:$0x3] =	wrdreg s24  }
0xb0: {  	[dreg:$0x4] =	wrdreg $0x68000  }
0xb1: {  	[dreg:$0x5] =	wrdreg $0x9  }
0xb2: {  	_ =	task.clear_ibuf [dreg:s7], $0x6FFFF;
	_ =	strace $0x90000046  }
0xb3: {  	s29 =	simm.s32 $0x9;
	_ =	strace $0x80000048  }
0xb4: {  	_ =	swait.ge [sflag:s29], $0x1  }
0xb5: {  	[sflag:s29] =	ssyncadd.s32 $0xFFFFFFFF  }
0xb6: {  	_ =	strace $0x90000048  }
0xb7: {  	_ =	sfence  }
0xb8: {  	s30 =	sld [smem:$0x0];
	_ =	sdelay $0x2  }
0xb9: {  	s31 =	sshll.u32 s1, $0xD;
	s1 =	sshrl.u32 s1, $0x2  }
0xba: {  	s3 =	sand.u32 $0x4000, s31;
	s1 =	sadd.s32 s1, s30  }
0xbb: {  	s0 =	sor.u32 s3, s0;
	s1 =	sshll.u32 s1, $0x11  }
0xbc: {  	s0 =	sor.u32 s1, s0  }
0xbd: {  	s0 =	sadd.s32 $0x8F2B, s0  }
0xbe: {  	[sflag:s0] =	ssyncadd.remote.s32 $0x1  }
0xbf: {  	_ =	sfence.sel $0xFFFF  }
0xc0: {  	[dreg:$0x0] =	wrdreg $0xFFFFFFFF;
	(pc) =	sbr.abs _section_cstart, $3  }
0xc1: {  	[dreg:$0x1] =	wrdreg $0xFFFFFFFF  }
0xc2: {  	_ =	task.clear_ibuf [dreg:s7], $0x2FFFF;
	_ =	strace $0x9FFFFFFF  }
0xc3: {  	(tm) =	ssettm $0x7FFFFFFF  }
tec
execute0_lowered:
.L_overlay_start_1:
0x0: {  	(tag) =	ssettag $0x1  }
0x1: {  	s7 =	rddreg [dreg:$0x0]  }
0x2: {  	s6 =	rddreg [dreg:$0x1]  }
0x3: {  	s2 =	rddreg [dreg:$0x2]  }
0x4: {  	s0 =	rddreg [dreg:$0x3];
	s4 =	srdreg.scid  }
0x5: {  	s1 =	stileid.u32;
	s3 =	simm.s32 $0x0;
	s12 =	simm.s32 $0x2800  }
0x6: {  	s13 =	simm.s32 $0x80;
	s14 =	simm.s32 $0x0;
	s8 =	sand.u32 $0x1, s4  }
0x7: {  	s9 =	smul.u32 $0x2800, s1;
	[smem:$0x7FF] =	sst s3;
	s4 =	sadd.s32 $0x4A00, s6  }
0x8: {  	s5 =	sadd.s32 $0x5200, s6;
	s26 =	smul.u32 $0x50000, s1;
	s31 =	sshll.u32 s1, $0x6  }
0x9: {  	s10 =	smul.u32 $0x28000, s8;
	s11 =	sshll.u32 s8, $0x4;
	s28 =	ssub.s32 $0x2, s8  }
0xa: {  	_ =	strace $0x80000047;
	s29 =	sor.u32 s1, s11;
	s30 =	sshrl.u32 s28, $0x1  }
0xb: {  	s9 =	sadd.s32 s9, s10;
	s10 =	sshrl.u32 s26, $0x2;
	s8 =	smul.u32 $0x500, s29  }
0xc: {  	s11 =	ssub.s32 s28, s30;
	s9 =	sadd.s32 s9, s6;
	s10 =	sadd.s32 s10, s2  }
0xd: {  	s6 =	sor.u32 $0x1C01, s31;
	s7 =	sadd.s32 s7, s8;
	s8 =	sadd.s32 $0x7A00, s9  }
0xe: {  	s9 =	smax.u32 s11, $0x1;
	s10 =	sshrl.u32 s10, $0x3;
	s11 =	simm.s32 $0x1  }
.LBB2_1:
0xf: {  	[spmem:s10], [sflag:s6] =	dma.local [hbm:s5], $0x2800  }
0x10: {  	_ =	swait.ge [sflag:s11], $0x2800  }
0x11: {  	[sflag:s11] =	ssyncset.done $0x0  }
0x12: {  	[sflag:s11] =	ssyncadd.s32 $0xFFFFD800  }
0x13: {  	[tilespmem:s12], [sflag:$0x1] =	stream.linear.gather [hbm4b:s4+s3], $0x4000, $0x38;
	[tilespmem:$0x1A800] =	vst v63  }
0x14: {  	_ =	swait.ge [sflag:s11], $0x4000  }
0x15: {  	[sflag:s11] =	ssyncset.done $0x0  }
0x16: {  	[sflag:s11] =	ssyncadd.s32 $0xFFFFC000  }
0x17: {  	[tilespmem:s3], [sflag:$0x1] =	stream.linear.gather [hbm4b:s7+s3], $0x2780, $0x38;
	[tilespmem:$0x1A800] =	vst v63  }
0x18: {  	_ =	swait.ge [sflag:s11], $0x2780  }
0x19: {  	[sflag:s11] =	ssyncset.done $0x0  }
0x1a: {  	[sflag:s11] =	ssyncadd.s32 $0xFFFFD880  }
0x1b: {  	s15 =	simm.s32 $0x0;
	[bflag:$0x0] =	sbarrier.arrive $0xFFFF  }
0x1c: {  	[spmem:s2] =	stream.indirect.scatter.add.f32 [tilespmem:s12], [sflag:$0x1], $0x80, s15, s13, $0xb8;
	[tilespmem:$0x1A800] =	vst v63  }
0x1d: {  	_ =	swait.ge [sflag:s11], $0x4000  }
0x1e: {  	s15 =	simm.s32 $0x200;
	[sflag:s11] =	ssyncset.done $0x0  }
.LBB2_2:
0x1f: {  	s16 =	sshra.s32 s15, $0x2;
	[sflag:s11] =	ssyncadd.s32 $0xFFFFC000;
	p0 =	sne.s32 s15, $0x9C00  }
0x20: {  	[spmem:s2] =	stream.indirect.scatter.add.f32 [tilespmem:s12], [sflag:$0x1], $0x80, s16, s13, $0xb8;
	[tilespmem:$0x1A800] =	vst v63  }
.Ltmp0:
0x21: {  	_ = 	snop;
	(pc) =	sbr.rel @p0 .LBB2_2-.Ltmp0, $4  }
0x22: {  	_ = 	snop  }
0x23: {  	s15 =	sadd.s32 $0x200, s15  }
0x24: {  	_ =	swait.ge [sflag:s11], $0x4000  }
0x25: {  	[sflag:s11] =	ssyncset.done $0x0  }
0x26: {  	s14 =	sadd.s32 $0x1, s14  }
0x27: {  	[sflag:s11] =	ssyncadd.s32 $0xFFFFC000;
	p0 =	sne.s32 s14, s9  }
.Ltmp1:
0x28: {  	[bflag:$0x0] =	sbarrier.arrive $0xFFFF;
	(pc) =	sbr.rel @p0 .LBB2_1-.Ltmp1, $4  }
0x29: {  	[hbm:s8], [sflag:s6] =	dma.local [spmem:s10], $0x2800  }
0x2a: {  	_ =	swait.ge [sflag:s11], $0x2800  }
0x2b: {  	[sflag:s11] =	ssyncset.done $0x0  }
0x2c: {  	[sflag:s11] =	ssyncadd.s32 $0xFFFFD800  }
0x2d: {  	_ =	sfence.sel $0x180000  }
0x2e: {  	[bflag:$0x0] =	sbarrier.arrive $0xFFFF  }
0x2f: {  	p0 =	sne.s32 s1, $0x0;
	_ =	strace $0x90000047  }
0x30: {  	s0 =	sadd.s32 @!p0 $0x100000, s0;
	[bflag:$0x2] =	sbarrier.arrive $0xFFFF  }
0x31: {  	[sflag:s0] =	ssyncadd.tile.s32 @!p0 $0x1;
	_ =	shalt  }
.Lfunc_end2:
_tile_overlayer_lowered:
.L_overlay_start_2:
0x32: {  	(tag) =	ssettag $0x2  }
0x33: {  	s0 =	rddreg [dreg:$0x0];
	s2 =	stileid.u32  }
0x34: {  	s1 =	rddreg [dreg:$0x1];
	p0 =	sne.s32 s2, $0x0  }
0x35: {  	s3 =	rddreg [dreg:$0x2];
	[bflag:$0x3] =	sbarrier.arrive $0xFFFF;
	s2 =	simm.s32 @!p0 $0x1C01  }
0x36: {  	[timem:s3], [sflag:s2] =	dma.local @!p0 [hbm:s0], s1  }
0x37: {  	s0 =	simm.s32 @!p0 $0x1  }
0x38: {  	_ =	swait.ge @!p0 [sflag:s0], s1  }
0x39: {  	s1 =	ssub.s32 @!p0 $0x0, s1;
	[sflag:s0] =	ssyncset.done @!p0 $0x0  }
0x3a: {  	[sflag:s0] =	ssyncadd.s32 @!p0 s1  }
0x3b: {  	[bflag:$0x3] =	sbarrier.arrive $0xFFFF  }
0x3c: {  	_ =	shalt  }

// kernel: kernel.13.cloned.1.call-start
scs
__scs_entry_jumppad:
0x0: {  	(pc) =	sbr.rel $0x88, $3  }
0x1: {  	(tag) =	ssettag $0x0;
	lr =	simm.s32 $0x1  }
0x2: {  	[smem:$0x3F99] =	sst lr;
	_ =	strace $0xD0000000  }
0x3: {  	_ = 	snop  }
0x4: {  	_ = 	snop  }
0x5: {  	_ = 	snop  }
0x6: {  	_ = 	snop  }
0x7: {  	_ = 	snop  }
__scs_overlays_trampoline_lowered:
0x8: {  	[smem:$0x3FA8] =	sst s0  }
0x9: {  	[smem:$0x3FA9] =	sst s1  }
0xa: {  	[smem:$0x3FAA] =	sst s2  }
0xb: {  	[smem:$0x3FAB] =	sst s3  }
0xc: {  	[smem:$0x3FAC] =	sst s4  }
0xd: {  	[smem:$0x3FAD] =	sst s5  }
0xe: {  	[smem:$0x3FAE] =	sst s6  }
0xf: {  	[smem:$0x3FAF] =	sst s7  }
0x10: {  	[smem:$0x3FB0] =	sst s8  }
0x11: {  	[smem:$0x3FB1] =	sst s9;
	s0 =	simm.s32 @!p0 $0x0  }
0x12: {  	s1 =	sld [smem:$0x3F97];
	s0 =	simm.s32 @p0 $0x1  }
0x13: {  	[smem:$0x3FB2] =	sst s0;
	s0 =	simm.s32 @!p1 $0x0  }
0x14: {  	s2 =	sld [smem:$0x3F96];
	s0 =	simm.s32 @p1 $0x1  }
0x15: {  	[smem:$0x3FB3] =	sst s0;
	s0 =	simm.s32 @!p2 $0x0  }
0x16: {  	s3 =	sld [smem:$0x3FDB];
	s0 =	simm.s32 @p2 $0x1  }
0x17: {  	s4 =	simm.s32 $0x1BF5;
	[smem:$0x3FB5] =	sst s0  }
0x18: {  	s0 =	sld [smem:$0x3F98];
	_ =	swait.ge [sflag:s4], $0x0  }
0x19: {  	s7 =	sld [smem:$0x3F99]  }
0x1a: {  	s8 =	sadd.s32 $0xFFFFE003, lr  }
0x1b: {  	s9 =	sadd.s32 $0xFFFFFEF7, lr;
	s5 =	simm.s32 $0xFFFFFFFF;
	p2 =	slt.u32 s8, $0xFFFFF086  }
0x1c: {  	p1 =	slt.u32 s9, $0xF7A;
	s5 =	simm.s32 @!p2 $0x0  }
0x1d: {  	s5 =	simm.s32 @p1 $0x1;
	p0 =	seq.s32 s7, s2  }
0x1e: {  	s7 =	smul.u32 @!p0 $0xF7A, s2;
	p2 =	seq.s32 @!p0 s5, $0x0  }
0x1f: {  	s9 =	smul.u32 $0xF7A, s1;
	s8 =	simm.s32 @!p0 $0x1BF5;
	p2 =	por !p2, p0  }
0x20: {  	[sflag:s8] =	ssyncset.s32 @!p0 $0xFFFFF086;
	s6 =	sadd.s32 @!p0 s3, s7;
	s7 =	simm.s32 @!p0 $0x108  }
0x21: {  	s3 =	sadd.s32 s3, s9;
	s6 =	sadd.s32 @!p0 $0x88, s6;
	s7 =	simm.s32 @p2 $0x1082  }
0x22: {  	[simem:s7], [sflag:s8] =	dma.local @!p0 [hbm:s6], $0xF7A  }
0x23: {  	s9 =	sor.u32 $0xD0000000, s2;
	s6 =	simm.s32 $0x108;
	_ =	swait.ge @!p0 [sflag:s8], $0x0  }
0x24: {  	s3 =	sadd.s32 $0x88, s3;
	s6 =	simm.s32 @!p1 $0x1082;
	[sflag:s4] =	ssyncset.s32 $0xFFFFF086  }
0x25: {  	[simem:s6], [sflag:s4] =	dma.local [hbm:s3], $0xF7A  }
0x26: {  	[smem:$0x3F99] =	sst s1;
	(tag) =	ssettag s2;
	_ =	strace s9  }
0x27: {  	s1 =	sld [smem:$0x3FA9]  }
0x28: {  	s2 =	sld [smem:$0x3FAA]  }
0x29: {  	s4 =	sld [smem:$0x3FAC]  }
0x2a: {  	p0 =	seq.s32 s5, $0x0;
	s5 =	sld [smem:$0x3FAD]  }
0x2b: {  	s6 =	sld [smem:$0x3FAE]  }
0x2c: {  	s7 =	sld [smem:$0x3FAF]  }
0x2d: {  	s3 =	simm.s32 $0x108;
	s8 =	sld [smem:$0x3FB0]  }
0x2e: {  	s3 =	simm.s32 @!p0 $0x1082;
	s9 =	sld [smem:$0x3FB1]  }
0x2f: {  	lr =	sadd.s32 s0, s3;
	s0 =	sld [smem:$0x3FA8]  }
0x30: {  	s3 =	sld [smem:$0x3FAB]  }
0x31: {  	[smem:$0x3FB4] =	sst s10  }
0x32: {  	s10 =	sld [smem:$0x3FB2];
	_ =	sdelay $0x3  }
0x33: {  	p0 =	seq.s32 s10, $0x1;
	s10 =	sld [smem:$0x3FB4];
	_ =	sdelay $0x3  }
0x34: {  	[smem:$0x3FB4] =	sst s10  }
0x35: {  	s10 =	sld [smem:$0x3FB3];
	_ =	sdelay $0x3  }
0x36: {  	p1 =	seq.s32 s10, $0x1;
	s10 =	sld [smem:$0x3FB4];
	_ =	sdelay $0x3  }
0x37: {  	[smem:$0x3FB4] =	sst s10  }
0x38: {  	s10 =	sld [smem:$0x3FB5]  }
0x39: {  	_ = 	snop;
	(pc) =	sbr.ind lr, $3  }
0x3a: {  	_ = 	snop  }
0x3b: {  	_ = 	snop  }
0x3c: {  	p2 =	seq.s32 s10, $0x1;
	s10 =	sld [smem:$0x3FB4]  }
0x3d: {  	_ =	shalt  }
0x3e: {  	_ =	shalt  }
0x3f: {  	_ =	shalt  }
0x40: {  	_ =	shalt  }
0x41: {  	_ =	shalt  }
0x42: {  	_ =	shalt  }
0x43: {  	_ =	shalt  }
0x44: {  	_ =	shalt  }
0x45: {  	_ =	shalt  }
0x46: {  	_ =	shalt  }
0x47: {  	_ =	shalt  }
0x48: {  	_ =	shalt  }
0x49: {  	_ =	shalt  }
0x4a: {  	_ =	shalt  }
0x4b: {  	_ =	shalt  }
0x4c: {  	_ =	shalt  }
0x4d: {  	_ =	shalt  }
0x4e: {  	_ =	shalt  }
0x4f: {  	_ =	shalt  }
0x50: {  	_ =	shalt  }
0x51: {  	_ =	shalt  }
0x52: {  	_ =	shalt  }
0x53: {  	_ =	shalt  }
0x54: {  	_ =	shalt  }
0x55: {  	_ =	shalt  }
0x56: {  	_ =	shalt  }
0x57: {  	_ =	shalt  }
0x58: {  	_ =	shalt  }
0x59: {  	_ =	shalt  }
0x5a: {  	_ =	shalt  }
0x5b: {  	_ =	shalt  }
0x5c: {  	_ =	shalt  }
0x5d: {  	_ =	shalt  }
0x5e: {  	_ =	shalt  }
0x5f: {  	_ =	shalt  }
0x60: {  	_ =	shalt  }
0x61: {  	_ =	shalt  }
0x62: {  	_ =	shalt  }
0x63: {  	_ =	shalt  }
0x64: {  	_ =	shalt  }
0x65: {  	_ =	shalt  }
0x66: {  	_ =	shalt  }
0x67: {  	_ =	shalt  }
0x68: {  	_ =	shalt  }
0x69: {  	_ =	shalt  }
0x6a: {  	_ =	shalt  }
0x6b: {  	_ =	shalt  }
0x6c: {  	_ =	shalt  }
0x6d: {  	_ =	shalt  }
0x6e: {  	_ =	shalt  }
0x6f: {  	_ =	shalt  }
0x70: {  	_ =	shalt  }
0x71: {  	_ =	shalt  }
0x72: {  	_ =	shalt  }
0x73: {  	_ =	shalt  }
0x74: {  	_ =	shalt  }
0x75: {  	_ =	shalt  }
0x76: {  	_ =	shalt  }
0x77: {  	_ =	shalt  }
0x78: {  	_ =	shalt  }
0x79: {  	_ =	shalt  }
0x7a: {  	_ =	shalt  }
0x7b: {  	_ =	shalt  }
0x7c: {  	_ =	shalt  }
0x7d: {  	_ =	shalt  }
0x7e: {  	_ =	shalt  }
0x7f: {  	_ =	shalt  }
0x80: {  	_ =	shalt  }
0x81: {  	_ =	shalt  }
0x82: {  	_ =	shalt  }
0x83: {  	_ =	shalt  }
0x84: {  	_ =	shalt  }
0x85: {  	_ =	shalt  }
0x86: {  	_ =	shalt  }
0x87: {  	_ =	shalt  }
.Lfunc_end0:
.L_simem_size_0:
called_computation.1_lowered:
.L_overlay_start_0:
0x88: {  	s2 =	sld [smem:$0x3FD9]  }
0x89: {  	s3 =	sld [smem:$0x3FFE];
	_ =	sdelay $0x1  }
0x8a: {  	s1 =	srdreg.scid  }
0x8b: {  	s0 =	sand.u32 $0x1, s1  }
0x8c: {  	s17 =	sshll.u32 s0, $0xA;
	s2 =	sadd.s32 s3, s2  }
0x8d: {  	s2 =	sadd.s32 s2, s17  }
0x8e: {  	[smem:$0x3FC0] =	sst s2  }
0x8f: {  	_ = 	snop  }
0x90: {  	s2 =	sld [smem:$0x3FD0];
	(tm) =	ssettm $0x1  }
0x91: {  	s18 =	sld [smem:$0x3FFB];
	_ =	sdelay $0x3  }
0x92: {  	_ =	strace s18  }
0x93: {  	s3 =	sld [smem:$0x3FFC];
	_ =	sdelay $0x3  }
0x94: {  	_ =	strace s3  }
0x95: {  	s3 =	sld [smem:$0x3FFD];
	_ =	sdelay $0x3  }
0x96: {  	_ =	strace s3  }
0x97: {  	_ =	strace $0x8FFFFFFF  }
0x98: {  	s19 =	sld [smem:$0x3FDB];
	_ =	sdelay $0x1  }
0x99: {  	s4 =	simm.s32 $_scs_section_size  }
0x9a: {  	s5 =	simm.s32 $_size__tile_overlayer_lowered;
	s6 =	simm.s32 $_tile_overlayer_lowered  }
0x9b: {  	s22 =	simm.s32 $0x1BFF;
	s21 =	sshll.u32 s6, $0x1;
	s3 =	sadd.s32 s4, s19  }
0x9c: {  	s7 =	simm.s32 $0x0;
	s20 =	sshll.u32 s5, $0x1;
	s5 =	sadd.s32 s21, s3  }
0x9d: {  	[timem:s7], [sflag:s22] =	dma.local [hbm:s5], s20  }
0x9e: {  	_ =	swait.ge [sflag:s22], s20  }
0x9f: {  	s4 =	ssub.s32 $0x0, s20;
	[sflag:s22] =	ssyncset.done $0x0  }
0xa0: {  	[sflag:s22] =	ssyncadd.s32 s4;
	_ =	sdelay $0x1  }
0xa1: {  	s23 =	simm.s32 $0x1B8B  }
0xa2: {  	_ =	swait.ge [sflag:s23], $0x1  }
0xa3: {  	[sflag:s23] =	ssyncset.done $0x0  }
0xa4: {  	s25 =	simm.s32 $0x1B8E;
	s24 =	sld [smem:$0x3FFE];
	[sflag:s23] =	ssyncadd.s32 $0xFFFFFFFF  }
0xa5: {  	s26 =	simm.s32 $execute0_lowered;
	[smem:$0x3FD2] =	sst s25  }
0xa6: {  	s5 =	sshll.u32 s26, $0x1;
	_ =	strace $0x80000049;
	[dreg:$0x1] =	wrdreg $0xFFFFFFFF  }
0xa7: {  	s28 =	simm.s32 $_size_execute0_lowered;
	s3 =	sadd.s32 s3, s5;
	[dreg:$0x0] =	wrdreg $0x0  }
0xa8: {  	s5 =	sshll.u32 s28, $0x1;
	[dreg:$0x2] =	wrdreg s3  }
0xa9: {  	[dreg:$0x3] =	wrdreg s5  }
0xaa: {  	[dreg:$0x4] =	wrdreg $0xC0  }
0xab: {  	_ =	task [dreg:s7], $0x5FFFF  }
0xac: {  	[dreg:$0x1] =	wrdreg $0xFFFFFFFF  }
0xad: {  	[dreg:$0x0] =	wrdreg $0x60  }
0xae: {  	[dreg:$0x2] =	wrdreg s24  }
0xaf: {  	[dreg:$0x3] =	wrdreg s2  }
0xb0: {  	[dreg:$0x4] =	wrdreg $0x90000  }
0xb1: {  	[dreg:$0x5] =	wrdreg $0x9  }
0xb2: {  	_ =	task.clear_ibuf [dreg:s7], $0x6FFFF;
	_ =	strace $0x90000049  }
0xb3: {  	s29 =	simm.s32 $0x9;
	_ =	strace $0x8000004B  }
0xb4: {  	_ =	swait.ge [sflag:s29], $0x1  }
0xb5: {  	[sflag:s29] =	ssyncadd.s32 $0xFFFFFFFF  }
0xb6: {  	_ =	strace $0x9000004B  }
0xb7: {  	_ =	sfence  }
0xb8: {  	s30 =	sld [smem:$0x0];
	_ =	sdelay $0x2  }
0xb9: {  	s31 =	sshll.u32 s1, $0xD;
	s1 =	sshrl.u32 s1, $0x2  }
0xba: {  	s3 =	sand.u32 $0x4000, s31;
	s1 =	sadd.s32 s1, s30  }
0xbb: {  	s0 =	sor.u32 s3, s0;
	s1 =	sshll.u32 s1, $0x11  }
0xbc: {  	s0 =	sor.u32 s1, s0  }
0xbd: {  	s0 =	sadd.s32 $0x8F2B, s0  }
0xbe: {  	[sflag:s0] =	ssyncadd.remote.s32 $0x1  }
0xbf: {  	_ =	sfence.sel $0xFFFF  }
0xc0: {  	[dreg:$0x0] =	wrdreg $0xFFFFFFFF;
	(pc) =	sbr.abs _section_cstart, $3  }
0xc1: {  	[dreg:$0x1] =	wrdreg $0xFFFFFFFF  }
0xc2: {  	_ =	task.clear_ibuf [dreg:s7], $0x2FFFF;
	_ =	strace $0x9FFFFFFF  }
0xc3: {  	(tm) =	ssettm $0x7FFFFFFF  }
tec
execute0_lowered:
.L_overlay_start_1:
0x0: {  	(tag) =	ssettag $0x1  }
0x1: {  	s8 =	rddreg [dreg:$0x0]  }
0x2: {  	s1 =	rddreg [dreg:$0x1]  }
0x3: {  	s2 =	rddreg [dreg:$0x2]  }
0x4: {  	s0 =	rddreg [dreg:$0x3];
	s3 =	simm.s32 $0x0;
	s7 =	srdreg.scid  }
0x5: {  	s4 =	stileid.u32;
	s18 =	simm.s32 $0x2800;
	s19 =	simm.s32 $0x80  }
0x6: {  	s20 =	simm.s32 $0x5000;
	s21 =	simm.s32 $0x1;
	s22 =	simm.s32 $0x0  }
0x7: {  	[smem:$0x7FF] =	sst s3;
	s12 =	sadd.s32 $0x61A00, s8;
	s13 =	sadd.s32 $0x57A00, s8  }
0x8: {  	s5 =	sadd.s32 $0x6BA00, s8;
	s6 =	sadd.s32 $0x5200, s8;
	s10 =	sand.u32 $0x1, s7  }
0x9: {  	s7 =	sadd.s32 $0x93A00, s8;
	s11 =	smul.u32 $0x50000, s4;
	s8 =	sadd.s32 $0xBBA00, s8  }
0xa: {  	s15 =	smul.u32 $0x5000, s4;
	s29 =	sshll.u32 s4, $0x6;
	s9 =	ssub.s32 $0x2, s10  }
0xb: {  	_ =	strace $0x8000004A;
	p0 =	seq.s32 s10, $0x1;
	s14 =	sshrl.u32 s9, $0x1  }
.Ltmp0:
0xc: {  	s28 =	sshrl.u32 s11, $0x2;
	s30 =	sshrl.u32 s15, $0x3;
	(pc) =	sbr.rel .LBB2_1-.Ltmp0, $4  }
0xd: {  	s16 =	ssub.s32 s9, s14;
	s17 =	sadd.s32 s28, s2;
	s9 =	sor.u32 $0x1C02, s29  }
0xe: {  	s10 =	sadd.s32 s12, s30;
	s31 =	sadd.s32 $0x500, s30;
	s11 =	sadd.s32 s13, s30  }
0xf: {  	s14 =	smul.u32 $0x2800, s4;
	s12 =	sadd.s32 s12, s31;
	s13 =	sadd.s32 s13, s31  }
0x10: {  	s15 =	smax.u32 s16, $0x1;
	s16 =	sshrl.u32 s17, $0x3;
	s17 =	simm.s32 $0x2  }
.LBB2_11:
0x11: {  	s23 =	sshra.s32 s23, $0x2;
	[sflag:s17] =	ssyncadd.s32 $0xFFFFC000  }
0x12: {  	[tilespmem:s20], [sflag:$0x1] =	stream.indirect.gather [hbm4b:s5+s19], $0x80, s23, s19, $0xb8;
	[tilespmem:$0x1D000] =	vst v63  }
0x13: {  	_ =	swait.ge [sflag:s21], $0x4000  }
0x14: {  	[sflag:s21] =	ssyncset.done $0x0  }
0x15: {  	s23 =	sadd.s32 $0x2800, s23;
	[sflag:s21] =	ssyncadd.s32 $0xFFFFC000  }
0x16: {  	[spmem:s2] =	stream.indirect.scatter.add.f32 [tilespmem:s20], [sflag:$0x2], $0x80, s23, s19, $0xb8;
	[tilespmem:$0x1D000] =	vst v63  }
0x17: {  	_ =	swait.ge [sflag:s17], $0x4000  }
0x18: {  	[sflag:s17] =	ssyncset.done $0x0  }
0x19: {  	s23 =	smov.u32 s8;
	[sflag:s17] =	ssyncadd.s32 $0xFFFFC000  }
.LBB2_12:
0x1a: {  	s22 =	sadd.s32 $0x1, s22  }
0x1b: {  	p1 =	sne.s32 s22, s15  }
.Ltmp1:
0x1c: {  	s23 =	sadd.s32 s23, s14;
	[bflag:$0x0] =	sbarrier.arrive $0xFFFF;
	(pc) =	sbr.rel @!p1 .LBB2_13-.Ltmp1, $4  }
0x1d: {  	[hbm:s23], [sflag:s9] =	dma.local [spmem:s16], $0x2800  }
0x1e: {  	_ =	swait.ge [sflag:s17], $0x2800  }
0x1f: {  	[sflag:s17] =	ssyncset.done $0x0  }
0x20: {  	[sflag:s17] =	ssyncadd.s32 $0xFFFFD800  }
.LBB2_1:
0x21: {  	[spmem:s16], [sflag:s9] =	dma.local [hbm:s6], $0x2800  }
0x22: {  	_ =	swait.ge [sflag:s17], $0x2800  }
0x23: {  	[sflag:s17] =	ssyncset.done $0x0  }
0x24: {  	[sflag:s17] =	ssyncadd.s32 $0xFFFFD800  }
0x25: {  	[bflag:$0x0] =	sbarrier.arrive $0xFFFF  }
0x26: {  	[tilespmem:s3], [sflag:$0x2] =	stream.linear.gather [hbm4b:s10+s3], $0x2780, $0x38;
	[tilespmem:$0x1D000] =	vst v63  }
0x27: {  	_ =	swait.ge [sflag:s17], $0x2780  }
0x28: {  	[sflag:s17] =	ssyncset.done $0x0  }
.Ltmp2:
0x29: {  	[sflag:s17] =	ssyncadd.s32 $0xFFFFD880;
	(pc) =	sbr.rel @!p0 .LBB2_2-.Ltmp2, $4  }
0x2a: {  	[tilespmem:s18], [sflag:$0x2] =	stream.linear.gather [hbm4b:s11+s3], $0x2780, $0x38;
	[tilespmem:$0x1D000] =	vst v63  }
0x2b: {  	_ =	swait.ge [sflag:s17], $0x2780  }
0x2c: {  	[sflag:s17] =	ssyncset.done $0x0  }
0x2d: {  	s23 =	simm.s32 $0x0;
	[sflag:s17] =	ssyncadd.s32 $0xFFFFD880  }
0x2e: {  	[tilespmem:s20], [sflag:$0x1] =	stream.indirect.gather [hbm4b:s5+s19], $0x80, s23, s19, $0xb8;
	[tilespmem:$0x1D000] =	vst v63  }
0x2f: {  	_ =	swait.ge [sflag:s21], $0x4000  }
0x30: {  	[sflag:s21] =	ssyncset.done $0x0  }
0x31: {  	s31 =	simm.s32 $0x2800;
	[sflag:s21] =	ssyncadd.s32 $0xFFFFC000  }
0x32: {  	[spmem:s2] =	stream.indirect.scatter.add.f32 [tilespmem:s20], [sflag:$0x2], $0x80, s31, s19, $0xb8;
	[tilespmem:$0x1D000] =	vst v63  }
0x33: {  	_ =	swait.ge [sflag:s17], $0x4000  }
0x34: {  	s23 =	simm.s32 $0x200;
	s24 =	simm.s32 $0x400;
	[sflag:s17] =	ssyncset.done $0x0  }
.LBB2_8:
0x35: {  	s25 =	sshra.s32 s23, $0x2  }
0x36: {  	[sflag:s17] =	ssyncadd.s32 $0xFFFFC000;
	s23 =	smov.u32 s24;
	s26 =	sadd.s32 $0x200, s24  }
0x37: {  	[tilespmem:s20], [sflag:$0x1] =	stream.indirect.gather [hbm4b:s5+s19], $0x80, s25, s19, $0xb8;
	[tilespmem:$0x1D000] =	vst v63  }
0x38: {  	p1 =	sne.s32 s24, $0x9C00;
	_ =	swait.ge [sflag:s21], $0x4000  }
.Ltmp3:
0x39: {  	[sflag:s21] =	ssyncset.done $0x0;
	(pc) =	sbr.rel @p1 .LBB2_8-.Ltmp3, $4  }
0x3a: {  	s24 =	sadd.s32 $0x2800, s25;
	[sflag:s21] =	ssyncadd.s32 $0xFFFFC000  }
0x3b: {  	[spmem:s2] =	stream.indirect.scatter.add.f32 [tilespmem:s20], [sflag:$0x2], $0x80, s24, s19, $0xb8;
	[tilespmem:$0x1D000] =	vst v63  }
0x3c: {  	_ =	swait.ge [sflag:s17], $0x4000  }
0x3d: {  	s24 =	smov.u32 s26;
	[sflag:s17] =	ssyncset.done $0x0  }
0x3e: {  	s23 =	sshra.s32 s23, $0x2;
	[sflag:s17] =	ssyncadd.s32 $0xFFFFC000  }
0x3f: {  	[tilespmem:s20], [sflag:$0x1] =	stream.indirect.gather [hbm4b:s5+s19], $0x80, s23, s19, $0xb8;
	[tilespmem:$0x1D000] =	vst v63  }
0x40: {  	_ =	swait.ge [sflag:s21], $0x4000  }
0x41: {  	[sflag:s21] =	ssyncset.done $0x0  }
0x42: {  	s23 =	sadd.s32 $0x2800, s23;
	[sflag:s21] =	ssyncadd.s32 $0xFFFFC000  }
0x43: {  	[spmem:s2] =	stream.indirect.scatter.add.f32 [tilespmem:s20], [sflag:$0x2], $0x80, s23, s19, $0xb8;
	[tilespmem:$0x1D000] =	vst v63  }
0x44: {  	_ =	swait.ge [sflag:s17], $0x4000  }
0x45: {  	[sflag:s17] =	ssyncset.done $0x0  }
0x46: {  	s29 =	simm.s32 $0x0;
	[sflag:s17] =	ssyncadd.s32 $0xFFFFC000  }
0x47: {  	[tilespmem:s29], [sflag:$0x2] =	stream.linear.gather [hbm4b:s12+s29], $0x2780, $0x38;
	[tilespmem:$0x1D000] =	vst v63  }
0x48: {  	_ =	swait.ge [sflag:s17], $0x2780  }
0x49: {  	[sflag:s17] =	ssyncset.done $0x0  }
0x4a: {  	[sflag:s17] =	ssyncadd.s32 $0xFFFFD880  }
0x4b: {  	[tilespmem:s18], [sflag:$0x2] =	stream.linear.gather [hbm4b:s13+s29], $0x2780, $0x38;
	[tilespmem:$0x1D000] =	vst v63  }
0x4c: {  	_ =	swait.ge [sflag:s17], $0x2780  }
0x4d: {  	[sflag:s17] =	ssyncset.done $0x0  }
0x4e: {  	s30 =	simm.s32 $0x0;
	[sflag:s17] =	ssyncadd.s32 $0xFFFFD880  }
0x4f: {  	[tilespmem:s20], [sflag:$0x1] =	stream.indirect.gather [hbm4b:s5+s19], $0x80, s30, s19, $0xb8;
	[tilespmem:$0x1D000] =	vst v63  }
0x50: {  	_ =	swait.ge [sflag:s21], $0x4000  }
0x51: {  	[sflag:s21] =	ssyncset.done $0x0  }
0x52: {  	s31 =	simm.s32 $0x2800;
	[sflag:s21] =	ssyncadd.s32 $0xFFFFC000  }
0x53: {  	[spmem:s2] =	stream.indirect.scatter.add.f32 [tilespmem:s20], [sflag:$0x2], $0x80, s31, s19, $0xb8;
	[tilespmem:$0x1D000] =	vst v63  }
0x54: {  	_ =	swait.ge [sflag:s17], $0x4000  }
0x55: {  	s24 =	simm.s32 $0x400;
	s23 =	simm.s32 $0x200;
	[sflag:s17] =	ssyncset.done $0x0  }
.LBB2_10:
0x56: {  	s25 =	sshra.s32 s23, $0x2  }
0x57: {  	[sflag:s17] =	ssyncadd.s32 $0xFFFFC000;
	s23 =	smov.u32 s24;
	s26 =	sadd.s32 $0x200, s24  }
0x58: {  	[tilespmem:s20], [sflag:$0x1] =	stream.indirect.gather [hbm4b:s5+s19], $0x80, s25, s19, $0xb8;
	[tilespmem:$0x1D000] =	vst v63  }
0x59: {  	p1 =	sne.s32 s24, $0x9C00;
	_ =	swait.ge [sflag:s21], $0x4000  }
.Ltmp4:
0x5a: {  	[sflag:s21] =	ssyncset.done $0x0;
	(pc) =	sbr.rel @p1 .LBB2_10-.Ltmp4, $4  }
0x5b: {  	s24 =	sadd.s32 $0x2800, s25;
	[sflag:s21] =	ssyncadd.s32 $0xFFFFC000  }
0x5c: {  	[spmem:s2] =	stream.indirect.scatter.add.f32 [tilespmem:s20], [sflag:$0x2], $0x80, s24, s19, $0xb8;
	[tilespmem:$0x1D000] =	vst v63  }
0x5d: {  	_ =	swait.ge [sflag:s17], $0x4000  }
0x5e: {  	s24 =	smov.u32 s26;
	[sflag:s17] =	ssyncset.done $0x0  }
.Ltmp5:
0x5f: {  	_ = 	snop;
	(pc) =	sbr.rel .LBB2_11-.Ltmp5, $1  }
0x60: {  	_ =	sdelay $0x3  }
.LBB2_2:
0x61: {  	[tilespmem:s20], [sflag:$0x1] =	stream.indirect.gather [hbm4b:s1+s19], $0x80, s23, s19, $0xb8;
	[tilespmem:$0x1D000] =	vst v63  }
0x62: {  	_ =	swait.ge [sflag:s21], $0x4000  }
0x63: {  	[sflag:s21] =	ssyncset.done $0x0  }
0x64: {  	s31 =	simm.s32 $0x2800;
	[sflag:s21] =	ssyncadd.s32 $0xFFFFC000  }
0x65: {  	[spmem:s2] =	stream.indirect.scatter.add.f32 [tilespmem:s20], [sflag:$0x2], $0x80, s31, s19, $0xb8;
	[tilespmem:$0x1D000] =	vst v63  }
0x66: {  	_ =	swait.ge [sflag:s17], $0x4000  }
0x67: {  	s23 =	simm.s32 $0x200;
	s24 =	simm.s32 $0x400;
	[sflag:s17] =	ssyncset.done $0x0  }
.LBB2_3:
0x68: {  	s25 =	sshra.s32 s23, $0x2  }
0x69: {  	[sflag:s17] =	ssyncadd.s32 $0xFFFFC000;
	s23 =	smov.u32 s24;
	s26 =	sadd.s32 $0x200, s24  }
0x6a: {  	[tilespmem:s20], [sflag:$0x1] =	stream.indirect.gather [hbm4b:s1+s19], $0x80, s25, s19, $0xb8;
	[tilespmem:$0x1D000] =	vst v63  }
0x6b: {  	p1 =	sne.s32 s24, $0x9C00;
	_ =	swait.ge [sflag:s21], $0x4000  }
.Ltmp6:
0x6c: {  	[sflag:s21] =	ssyncset.done $0x0;
	(pc) =	sbr.rel @p1 .LBB2_3-.Ltmp6, $4  }
0x6d: {  	s24 =	sadd.s32 $0x2800, s25;
	[sflag:s21] =	ssyncadd.s32 $0xFFFFC000  }
0x6e: {  	[spmem:s2] =	stream.indirect.scatter.add.f32 [tilespmem:s20], [sflag:$0x2], $0x80, s24, s19, $0xb8;
	[tilespmem:$0x1D000] =	vst v63  }
0x6f: {  	_ =	swait.ge [sflag:s17], $0x4000  }
0x70: {  	s24 =	smov.u32 s26;
	[sflag:s17] =	ssyncset.done $0x0  }
0x71: {  	s23 =	sshra.s32 s23, $0x2;
	[sflag:s17] =	ssyncadd.s32 $0xFFFFC000  }
0x72: {  	[tilespmem:s20], [sflag:$0x1] =	stream.indirect.gather [hbm4b:s1+s19], $0x80, s23, s19, $0xb8;
	[tilespmem:$0x1D000] =	vst v63  }
0x73: {  	_ =	swait.ge [sflag:s21], $0x4000  }
0x74: {  	[sflag:s21] =	ssyncset.done $0x0  }
0x75: {  	s23 =	sadd.s32 $0x2800, s23;
	[sflag:s21] =	ssyncadd.s32 $0xFFFFC000  }
0x76: {  	[spmem:s2] =	stream.indirect.scatter.add.f32 [tilespmem:s20], [sflag:$0x2], $0x80, s23, s19, $0xb8;
	[tilespmem:$0x1D000] =	vst v63  }
0x77: {  	_ =	swait.ge [sflag:s17], $0x4000  }
0x78: {  	[sflag:s17] =	ssyncset.done $0x0  }
0x79: {  	s29 =	simm.s32 $0x0;
	[sflag:s17] =	ssyncadd.s32 $0xFFFFC000  }
0x7a: {  	[tilespmem:s29], [sflag:$0x2] =	stream.linear.gather [hbm4b:s12+s29], $0x2780, $0x38;
	[tilespmem:$0x1D000] =	vst v63  }
0x7b: {  	_ =	swait.ge [sflag:s17], $0x2780  }
0x7c: {  	[sflag:s17] =	ssyncset.done $0x0  }
0x7d: {  	[sflag:s17] =	ssyncadd.s32 $0xFFFFD880  }
0x7e: {  	[tilespmem:s18], [sflag:$0x2] =	stream.linear.gather [hbm4b:s13+s29], $0x2780, $0x38;
	[tilespmem:$0x1D000] =	vst v63  }
0x7f: {  	_ =	swait.ge [sflag:s17], $0x2780  }
0x80: {  	[sflag:s17] =	ssyncset.done $0x0  }
0x81: {  	s30 =	simm.s32 $0x0;
	[sflag:s17] =	ssyncadd.s32 $0xFFFFD880  }
0x82: {  	[tilespmem:s20], [sflag:$0x1] =	stream.indirect.gather [hbm4b:s1+s19], $0x80, s30, s19, $0xb8;
	[tilespmem:$0x1D000] =	vst v63  }
0x83: {  	_ =	swait.ge [sflag:s21], $0x4000  }
0x84: {  	[sflag:s21] =	ssyncset.done $0x0  }
0x85: {  	s31 =	simm.s32 $0x2800;
	[sflag:s21] =	ssyncadd.s32 $0xFFFFC000  }
0x86: {  	[spmem:s2] =	stream.indirect.scatter.add.f32 [tilespmem:s20], [sflag:$0x2], $0x80, s31, s19, $0xb8;
	[tilespmem:$0x1D000] =	vst v63  }
0x87: {  	_ =	swait.ge [sflag:s17], $0x4000  }
0x88: {  	s24 =	simm.s32 $0x400;
	s23 =	simm.s32 $0x200;
	[sflag:s17] =	ssyncset.done $0x0  }
.LBB2_5:
0x89: {  	s25 =	sshra.s32 s23, $0x2  }
0x8a: {  	[sflag:s17] =	ssyncadd.s32 $0xFFFFC000;
	s23 =	smov.u32 s24;
	s26 =	sadd.s32 $0x200, s24  }
0x8b: {  	[tilespmem:s20], [sflag:$0x1] =	stream.indirect.gather [hbm4b:s1+s19], $0x80, s25, s19, $0xb8;
	[tilespmem:$0x1D000] =	vst v63  }
0x8c: {  	p1 =	seq.s32 s24, $0x9C00;
	_ =	swait.ge [sflag:s21], $0x4000  }
.Ltmp7:
0x8d: {  	[sflag:s21] =	ssyncset.done $0x0;
	(pc) =	sbr.rel @!p1 .LBB2_5-.Ltmp7, $4  }
0x8e: {  	s24 =	sadd.s32 $0x2800, s25;
	[sflag:s21] =	ssyncadd.s32 $0xFFFFC000  }
0x8f: {  	[spmem:s2] =	stream.indirect.scatter.add.f32 [tilespmem:s20], [sflag:$0x2], $0x80, s24, s19, $0xb8;
	[tilespmem:$0x1D000] =	vst v63  }
0x90: {  	_ =	swait.ge [sflag:s17], $0x4000  }
0x91: {  	s24 =	smov.u32 s26;
	[sflag:s17] =	ssyncset.done $0x0  }
0x92: {  	s23 =	sshra.s32 s23, $0x2;
	[sflag:s17] =	ssyncadd.s32 $0xFFFFC000  }
0x93: {  	[tilespmem:s20], [sflag:$0x1] =	stream.indirect.gather [hbm4b:s1+s19], $0x80, s23, s19, $0xb8;
	[tilespmem:$0x1D000] =	vst v63  }
0x94: {  	_ =	swait.ge [sflag:s21], $0x4000  }
0x95: {  	[sflag:s21] =	ssyncset.done $0x0  }
.Ltmp8:
0x96: {  	s23 =	sadd.s32 $0x2800, s23;
	[sflag:s21] =	ssyncadd.s32 $0xFFFFC000;
	(pc) =	sbr.rel .LBB2_12-.Ltmp8, $4  }
0x97: {  	[spmem:s2] =	stream.indirect.scatter.add.f32 [tilespmem:s20], [sflag:$0x2], $0x80, s23, s19, $0xb8;
	[tilespmem:$0x1D000] =	vst v63  }
0x98: {  	_ =	swait.ge [sflag:s17], $0x4000  }
0x99: {  	[sflag:s17] =	ssyncset.done $0x0  }
0x9a: {  	s23 =	smov.u32 s7;
	[sflag:s17] =	ssyncadd.s32 $0xFFFFC000  }
.LBB2_13:
0x9b: {  	_ =	sfence.sel $0x180000  }
0x9c: {  	[bflag:$0x0] =	sbarrier.arrive $0xFFFF  }
0x9d: {  	p0 =	sne.s32 s4, $0x0;
	_ =	strace $0x9000004A  }
0x9e: {  	s0 =	sadd.s32 @!p0 $0x100000, s0;
	[bflag:$0x2] =	sbarrier.arrive $0xFFFF  }
0x9f: {  	[sflag:s0] =	ssyncadd.tile.s32 @!p0 $0x1;
	_ =	shalt  }
.Lfunc_end2:
_tile_overlayer_lowered:
.L_overlay_start_2:
0xa0: {  	(tag) =	ssettag $0x2  }
0xa1: {  	s0 =	rddreg [dreg:$0x0];
	s2 =	stileid.u32  }
0xa2: {  	s1 =	rddreg [dreg:$0x1];
	p0 =	sne.s32 s2, $0x0  }
0xa3: {  	s3 =	rddreg [dreg:$0x2];
	[bflag:$0x3] =	sbarrier.arrive $0xFFFF;
	s2 =	simm.s32 @!p0 $0x1C02  }
0xa4: {  	[timem:s3], [sflag:s2] =	dma.local @!p0 [hbm:s0], s1  }
0xa5: {  	s0 =	simm.s32 @!p0 $0x2  }
0xa6: {  	_ =	swait.ge @!p0 [sflag:s0], s1  }
0xa7: {  	s1 =	ssub.s32 @!p0 $0x0, s1;
	[sflag:s0] =	ssyncset.done @!p0 $0x0  }
0xa8: {  	[sflag:s0] =	ssyncadd.s32 @!p0 s1  }
0xa9: {  	[bflag:$0x3] =	sbarrier.arrive $0xFFFF  }
0xaa: {  	_ =	shalt  }

// kernel: kernel.16.cloned.1.call-start
scs
__scs_entry_jumppad:
0x0: {  	(pc) =	sbr.rel $0x88, $3  }
0x1: {  	(tag) =	ssettag $0x0;
	lr =	simm.s32 $0x1  }
0x2: {  	[smem:$0x3F99] =	sst lr;
	_ =	strace $0xD0000000  }
0x3: {  	_ = 	snop  }
0x4: {  	_ = 	snop  }
0x5: {  	_ = 	snop  }
0x6: {  	_ = 	snop  }
0x7: {  	_ = 	snop  }
__scs_overlays_trampoline_lowered:
0x8: {  	[smem:$0x3FA8] =	sst s0  }
0x9: {  	[smem:$0x3FA9] =	sst s1  }
0xa: {  	[smem:$0x3FAA] =	sst s2  }
0xb: {  	[smem:$0x3FAB] =	sst s3  }
0xc: {  	[smem:$0x3FAC] =	sst s4  }
0xd: {  	[smem:$0x3FAD] =	sst s5  }
0xe: {  	[smem:$0x3FAE] =	sst s6  }
0xf: {  	[smem:$0x3FAF] =	sst s7  }
0x10: {  	[smem:$0x3FB0] =	sst s8  }
0x11: {  	[smem:$0x3FB1] =	sst s9;
	s0 =	simm.s32 @!p0 $0x0  }
0x12: {  	s1 =	sld [smem:$0x3F97];
	s0 =	simm.s32 @p0 $0x1  }
0x13: {  	[smem:$0x3FB2] =	sst s0;
	s0 =	simm.s32 @!p1 $0x0  }
0x14: {  	s2 =	sld [smem:$0x3F96];
	s0 =	simm.s32 @p1 $0x1  }
0x15: {  	[smem:$0x3FB3] =	sst s0;
	s0 =	simm.s32 @!p2 $0x0  }
0x16: {  	s3 =	sld [smem:$0x3FDB];
	s0 =	simm.s32 @p2 $0x1  }
0x17: {  	s4 =	simm.s32 $0x1BF5;
	[smem:$0x3FB5] =	sst s0  }
0x18: {  	s0 =	sld [smem:$0x3F98];
	_ =	swait.ge [sflag:s4], $0x0  }
0x19: {  	s7 =	sld [smem:$0x3F99]  }
0x1a: {  	s8 =	sadd.s32 $0xFFFFE003, lr  }
0x1b: {  	s9 =	sadd.s32 $0xFFFFFEF7, lr;
	s5 =	simm.s32 $0xFFFFFFFF;
	p2 =	slt.u32 s8, $0xFFFFF086  }
0x1c: {  	p1 =	slt.u32 s9, $0xF7A;
	s5 =	simm.s32 @!p2 $0x0  }
0x1d: {  	s5 =	simm.s32 @p1 $0x1;
	p0 =	seq.s32 s7, s2  }
0x1e: {  	s7 =	smul.u32 @!p0 $0xF7A, s2;
	p2 =	seq.s32 @!p0 s5, $0x0  }
0x1f: {  	s9 =	smul.u32 $0xF7A, s1;
	s8 =	simm.s32 @!p0 $0x1BF5;
	p2 =	por !p2, p0  }
0x20: {  	[sflag:s8] =	ssyncset.s32 @!p0 $0xFFFFF086;
	s6 =	sadd.s32 @!p0 s3, s7;
	s7 =	simm.s32 @!p0 $0x108  }
0x21: {  	s3 =	sadd.s32 s3, s9;
	s6 =	sadd.s32 @!p0 $0x88, s6;
	s7 =	simm.s32 @p2 $0x1082  }
0x22: {  	[simem:s7], [sflag:s8] =	dma.local @!p0 [hbm:s6], $0xF7A  }
0x23: {  	s9 =	sor.u32 $0xD0000000, s2;
	s6 =	simm.s32 $0x108;
	_ =	swait.ge @!p0 [sflag:s8], $0x0  }
0x24: {  	s3 =	sadd.s32 $0x88, s3;
	s6 =	simm.s32 @!p1 $0x1082;
	[sflag:s4] =	ssyncset.s32 $0xFFFFF086  }
0x25: {  	[simem:s6], [sflag:s4] =	dma.local [hbm:s3], $0xF7A  }
0x26: {  	[smem:$0x3F99] =	sst s1;
	(tag) =	ssettag s2;
	_ =	strace s9  }
0x27: {  	s1 =	sld [smem:$0x3FA9]  }
0x28: {  	s2 =	sld [smem:$0x3FAA]  }
0x29: {  	s4 =	sld [smem:$0x3FAC]  }
0x2a: {  	p0 =	seq.s32 s5, $0x0;
	s5 =	sld [smem:$0x3FAD]  }
0x2b: {  	s6 =	sld [smem:$0x3FAE]  }
0x2c: {  	s7 =	sld [smem:$0x3FAF]  }
0x2d: {  	s3 =	simm.s32 $0x108;
	s8 =	sld [smem:$0x3FB0]  }
0x2e: {  	s3 =	simm.s32 @!p0 $0x1082;
	s9 =	sld [smem:$0x3FB1]  }
0x2f: {  	lr =	sadd.s32 s0, s3;
	s0 =	sld [smem:$0x3FA8]  }
0x30: {  	s3 =	sld [smem:$0x3FAB]  }
0x31: {  	[smem:$0x3FB4] =	sst s10  }
0x32: {  	s10 =	sld [smem:$0x3FB2];
	_ =	sdelay $0x3  }
0x33: {  	p0 =	seq.s32 s10, $0x1;
	s10 =	sld [smem:$0x3FB4];
	_ =	sdelay $0x3  }
0x34: {  	[smem:$0x3FB4] =	sst s10  }
0x35: {  	s10 =	sld [smem:$0x3FB3];
	_ =	sdelay $0x3  }
0x36: {  	p1 =	seq.s32 s10, $0x1;
	s10 =	sld [smem:$0x3FB4];
	_ =	sdelay $0x3  }
0x37: {  	[smem:$0x3FB4] =	sst s10  }
0x38: {  	s10 =	sld [smem:$0x3FB5]  }
0x39: {  	_ = 	snop;
	(pc) =	sbr.ind lr, $3  }
0x3a: {  	_ = 	snop  }
0x3b: {  	_ = 	snop  }
0x3c: {  	p2 =	seq.s32 s10, $0x1;
	s10 =	sld [smem:$0x3FB4]  }
0x3d: {  	_ =	shalt  }
0x3e: {  	_ =	shalt  }
0x3f: {  	_ =	shalt  }
0x40: {  	_ =	shalt  }
0x41: {  	_ =	shalt  }
0x42: {  	_ =	shalt  }
0x43: {  	_ =	shalt  }
0x44: {  	_ =	shalt  }
0x45: {  	_ =	shalt  }
0x46: {  	_ =	shalt  }
0x47: {  	_ =	shalt  }
0x48: {  	_ =	shalt  }
0x49: {  	_ =	shalt  }
0x4a: {  	_ =	shalt  }
0x4b: {  	_ =	shalt  }
0x4c: {  	_ =	shalt  }
0x4d: {  	_ =	shalt  }
0x4e: {  	_ =	shalt  }
0x4f: {  	_ =	shalt  }
0x50: {  	_ =	shalt  }
0x51: {  	_ =	shalt  }
0x52: {  	_ =	shalt  }
0x53: {  	_ =	shalt  }
0x54: {  	_ =	shalt  }
0x55: {  	_ =	shalt  }
0x56: {  	_ =	shalt  }
0x57: {  	_ =	shalt  }
0x58: {  	_ =	shalt  }
0x59: {  	_ =	shalt  }
0x5a: {  	_ =	shalt  }
0x5b: {  	_ =	shalt  }
0x5c: {  	_ =	shalt  }
0x5d: {  	_ =	shalt  }
0x5e: {  	_ =	shalt  }
0x5f: {  	_ =	shalt  }
0x60: {  	_ =	shalt  }
0x61: {  	_ =	shalt  }
0x62: {  	_ =	shalt  }
0x63: {  	_ =	shalt  }
0x64: {  	_ =	shalt  }
0x65: {  	_ =	shalt  }
0x66: {  	_ =	shalt  }
0x67: {  	_ =	shalt  }
0x68: {  	_ =	shalt  }
0x69: {  	_ =	shalt  }
0x6a: {  	_ =	shalt  }
0x6b: {  	_ =	shalt  }
0x6c: {  	_ =	shalt  }
0x6d: {  	_ =	shalt  }
0x6e: {  	_ =	shalt  }
0x6f: {  	_ =	shalt  }
0x70: {  	_ =	shalt  }
0x71: {  	_ =	shalt  }
0x72: {  	_ =	shalt  }
0x73: {  	_ =	shalt  }
0x74: {  	_ =	shalt  }
0x75: {  	_ =	shalt  }
0x76: {  	_ =	shalt  }
0x77: {  	_ =	shalt  }
0x78: {  	_ =	shalt  }
0x79: {  	_ =	shalt  }
0x7a: {  	_ =	shalt  }
0x7b: {  	_ =	shalt  }
0x7c: {  	_ =	shalt  }
0x7d: {  	_ =	shalt  }
0x7e: {  	_ =	shalt  }
0x7f: {  	_ =	shalt  }
0x80: {  	_ =	shalt  }
0x81: {  	_ =	shalt  }
0x82: {  	_ =	shalt  }
0x83: {  	_ =	shalt  }
0x84: {  	_ =	shalt  }
0x85: {  	_ =	shalt  }
0x86: {  	_ =	shalt  }
0x87: {  	_ =	shalt  }
.Lfunc_end0:
.L_simem_size_0:
called_computation.2_lowered:
.L_overlay_start_0:
0x88: {  	s2 =	sld [smem:$0x3FD9]  }
0x89: {  	s3 =	sld [smem:$0x3FFE];
	_ =	sdelay $0x1  }
0x8a: {  	s1 =	srdreg.scid  }
0x8b: {  	s0 =	sand.u32 $0x1, s1  }
0x8c: {  	s17 =	sshll.u32 s0, $0xA;
	s2 =	sadd.s32 s3, s2  }
0x8d: {  	s2 =	sadd.s32 s2, s17  }
0x8e: {  	[smem:$0x3FC0] =	sst s2  }
0x8f: {  	_ = 	snop  }
0x90: {  	s2 =	sld [smem:$0x3FD0];
	(tm) =	ssettm $0x1  }
0x91: {  	s18 =	sld [smem:$0x3FFB];
	_ =	sdelay $0x3  }
0x92: {  	_ =	strace s18  }
0x93: {  	s3 =	sld [smem:$0x3FFC];
	_ =	sdelay $0x3  }
0x94: {  	_ =	strace s3  }
0x95: {  	s3 =	sld [smem:$0x3FFD];
	_ =	sdelay $0x3  }
0x96: {  	_ =	strace s3  }
0x97: {  	_ =	strace $0x8FFFFFFF  }
0x98: {  	s19 =	sld [smem:$0x3FDB];
	_ =	sdelay $0x1  }
0x99: {  	s4 =	simm.s32 $_scs_section_size  }
0x9a: {  	s5 =	simm.s32 $_size__tile_overlayer_lowered;
	s6 =	simm.s32 $_tile_overlayer_lowered  }
0x9b: {  	s22 =	simm.s32 $0x1BFF;
	s21 =	sshll.u32 s6, $0x1;
	s3 =	sadd.s32 s4, s19  }
0x9c: {  	s7 =	simm.s32 $0x0;
	s20 =	sshll.u32 s5, $0x1;
	s5 =	sadd.s32 s21, s3  }
0x9d: {  	[timem:s7], [sflag:s22] =	dma.local [hbm:s5], s20  }
0x9e: {  	_ =	swait.ge [sflag:s22], s20  }
0x9f: {  	s4 =	ssub.s32 $0x0, s20;
	[sflag:s22] =	ssyncset.done $0x0  }
0xa0: {  	[sflag:s22] =	ssyncadd.s32 s4;
	_ =	sdelay $0x1  }
0xa1: {  	s23 =	simm.s32 $0x1B8B  }
0xa2: {  	_ =	swait.ge [sflag:s23], $0x1  }
0xa3: {  	[sflag:s23] =	ssyncset.done $0x0  }
0xa4: {  	s25 =	simm.s32 $0x1B8E;
	s24 =	sld [smem:$0x3FFE];
	[sflag:s23] =	ssyncadd.s32 $0xFFFFFFFF  }
0xa5: {  	s26 =	simm.s32 $execute0_lowered;
	[smem:$0x3FD2] =	sst s25  }
0xa6: {  	s5 =	sshll.u32 s26, $0x1;
	_ =	strace $0x8000004C;
	[dreg:$0x1] =	wrdreg $0xFFFFFFFF  }
0xa7: {  	s28 =	simm.s32 $_size_execute0_lowered;
	s3 =	sadd.s32 s3, s5;
	[dreg:$0x0] =	wrdreg $0x0  }
0xa8: {  	s5 =	sshll.u32 s28, $0x1;
	[dreg:$0x2] =	wrdreg s3  }
0xa9: {  	[dreg:$0x3] =	wrdreg s5  }
0xaa: {  	[dreg:$0x4] =	wrdreg $0xC0  }
0xab: {  	_ =	task [dreg:s7], $0x5FFFF  }
0xac: {  	[dreg:$0x1] =	wrdreg $0xFFFFFFFF  }
0xad: {  	[dreg:$0x0] =	wrdreg $0x60  }
0xae: {  	[dreg:$0x2] =	wrdreg s24  }
0xaf: {  	[dreg:$0x3] =	wrdreg s2  }
0xb0: {  	[dreg:$0x4] =	wrdreg $0x90000  }
0xb1: {  	[dreg:$0x5] =	wrdreg $0x9  }
0xb2: {  	_ =	task.clear_ibuf [dreg:s7], $0x6FFFF;
	_ =	strace $0x9000004C  }
0xb3: {  	s29 =	simm.s32 $0x9;
	_ =	strace $0x8000004E  }
0xb4: {  	_ =	swait.ge [sflag:s29], $0x1  }
0xb5: {  	[sflag:s29] =	ssyncadd.s32 $0xFFFFFFFF  }
0xb6: {  	_ =	strace $0x9000004E  }
0xb7: {  	_ =	sfence  }
0xb8: {  	s30 =	sld [smem:$0x0];
	_ =	sdelay $0x2  }
0xb9: {  	s31 =	sshll.u32 s1, $0xD;
	s1 =	sshrl.u32 s1, $0x2  }
0xba: {  	s3 =	sand.u32 $0x4000, s31;
	s1 =	sadd.s32 s1, s30  }
0xbb: {  	s0 =	sor.u32 s3, s0;
	s1 =	sshll.u32 s1, $0x11  }
0xbc: {  	s0 =	sor.u32 s1, s0  }
0xbd: {  	s0 =	sadd.s32 $0x8F2B, s0  }
0xbe: {  	[sflag:s0] =	ssyncadd.remote.s32 $0x1  }
0xbf: {  	_ =	sfence.sel $0xFFFF  }
0xc0: {  	[dreg:$0x0] =	wrdreg $0xFFFFFFFF;
	(pc) =	sbr.abs _section_cstart, $3  }
0xc1: {  	[dreg:$0x1] =	wrdreg $0xFFFFFFFF  }
0xc2: {  	_ =	task.clear_ibuf [dreg:s7], $0x2FFFF;
	_ =	strace $0x9FFFFFFF  }
0xc3: {  	(tm) =	ssettm $0x7FFFFFFF  }
tec
execute0_lowered:
.L_overlay_start_1:
0x0: {  	(tag) =	ssettag $0x1  }
0x1: {  	s8 =	rddreg [dreg:$0x0]  }
0x2: {  	s1 =	rddreg [dreg:$0x1]  }
0x3: {  	s2 =	rddreg [dreg:$0x2]  }
0x4: {  	s0 =	rddreg [dreg:$0x3];
	s3 =	simm.s32 $0x0;
	s7 =	srdreg.scid  }
0x5: {  	s4 =	stileid.u32;
	s18 =	simm.s32 $0x2800;
	s19 =	simm.s32 $0x80  }
0x6: {  	s20 =	simm.s32 $0x5000;
	s21 =	simm.s32 $0x1;
	s22 =	simm.s32 $0x0  }
0x7: {  	[smem:$0x7FF] =	sst s3;
	s12 =	sadd.s32 $0x61A00, s8;
	s13 =	sadd.s32 $0x57A00, s8  }
0x8: {  	s5 =	sadd.s32 $0x6BA00, s8;
	s6 =	sadd.s32 $0x5200, s8;
	s10 =	sand.u32 $0x1, s7  }
0x9: {  	s7 =	sadd.s32 $0x93A00, s8;
	s11 =	smul.u32 $0x50000, s4;
	s8 =	sadd.s32 $0xBBA00, s8  }
0xa: {  	s15 =	smul.u32 $0x5000, s4;
	s29 =	sshll.u32 s4, $0x6;
	s9 =	ssub.s32 $0x2, s10  }
0xb: {  	_ =	strace $0x8000004D;
	p0 =	seq.s32 s10, $0x1;
	s14 =	sshrl.u32 s9, $0x1  }
.Ltmp0:
0xc: {  	s28 =	sshrl.u32 s11, $0x2;
	s30 =	sshrl.u32 s15, $0x3;
	(pc) =	sbr.rel .LBB2_1-.Ltmp0, $4  }
0xd: {  	s16 =	ssub.s32 s9, s14;
	s17 =	sadd.s32 s28, s2;
	s9 =	sor.u32 $0x1C02, s29  }
0xe: {  	s10 =	sadd.s32 s12, s30;
	s31 =	sadd.s32 $0x500, s30;
	s11 =	sadd.s32 s13, s30  }
0xf: {  	s14 =	smul.u32 $0x2800, s4;
	s12 =	sadd.s32 s12, s31;
	s13 =	sadd.s32 s13, s31  }
0x10: {  	s15 =	smax.u32 s16, $0x1;
	s16 =	sshrl.u32 s17, $0x3;
	s17 =	simm.s32 $0x2  }
.LBB2_11:
0x11: {  	s23 =	sshra.s32 s23, $0x2;
	[sflag:s17] =	ssyncadd.s32 $0xFFFFC000  }
0x12: {  	[tilespmem:s20], [sflag:$0x1] =	stream.indirect.gather [hbm4b:s5+s19], $0x80, s23, s19, $0xb8;
	[tilespmem:$0x1D000] =	vst v63  }
0x13: {  	_ =	swait.ge [sflag:s21], $0x4000  }
0x14: {  	[sflag:s21] =	ssyncset.done $0x0  }
0x15: {  	s23 =	sadd.s32 $0x2800, s23;
	[sflag:s21] =	ssyncadd.s32 $0xFFFFC000  }
0x16: {  	[spmem:s2] =	stream.indirect.scatter.add.f32 [tilespmem:s20], [sflag:$0x2], $0x80, s23, s19, $0xb8;
	[tilespmem:$0x1D000] =	vst v63  }
0x17: {  	_ =	swait.ge [sflag:s17], $0x4000  }
0x18: {  	[sflag:s17] =	ssyncset.done $0x0  }
0x19: {  	s23 =	smov.u32 s8;
	[sflag:s17] =	ssyncadd.s32 $0xFFFFC000  }
.LBB2_12:
0x1a: {  	s22 =	sadd.s32 $0x1, s22  }
0x1b: {  	p1 =	sne.s32 s22, s15  }
.Ltmp1:
0x1c: {  	s23 =	sadd.s32 s23, s14;
	[bflag:$0x0] =	sbarrier.arrive $0xFFFF;
	(pc) =	sbr.rel @!p1 .LBB2_13-.Ltmp1, $4  }
0x1d: {  	[hbm:s23], [sflag:s9] =	dma.local [spmem:s16], $0x2800  }
0x1e: {  	_ =	swait.ge [sflag:s17], $0x2800  }
0x1f: {  	[sflag:s17] =	ssyncset.done $0x0  }
0x20: {  	[sflag:s17] =	ssyncadd.s32 $0xFFFFD800  }
.LBB2_1:
0x21: {  	[spmem:s16], [sflag:s9] =	dma.local [hbm:s6], $0x2800  }
0x22: {  	_ =	swait.ge [sflag:s17], $0x2800  }
0x23: {  	[sflag:s17] =	ssyncset.done $0x0  }
0x24: {  	[sflag:s17] =	ssyncadd.s32 $0xFFFFD800  }
0x25: {  	[bflag:$0x0] =	sbarrier.arrive $0xFFFF  }
0x26: {  	[tilespmem:s3], [sflag:$0x2] =	stream.linear.gather [hbm4b:s10+s3], $0x2780, $0x38;
	[tilespmem:$0x1D000] =	vst v63  }
0x27: {  	_ =	swait.ge [sflag:s17], $0x2780  }
0x28: {  	[sflag:s17] =	ssyncset.done $0x0  }
.Ltmp2:
0x29: {  	[sflag:s17] =	ssyncadd.s32 $0xFFFFD880;
	(pc) =	sbr.rel @!p0 .LBB2_2-.Ltmp2, $4  }
0x2a: {  	[tilespmem:s18], [sflag:$0x2] =	stream.linear.gather [hbm4b:s11+s3], $0x2780, $0x38;
	[tilespmem:$0x1D000] =	vst v63  }
0x2b: {  	_ =	swait.ge [sflag:s17], $0x2780  }
0x2c: {  	[sflag:s17] =	ssyncset.done $0x0  }
0x2d: {  	s23 =	simm.s32 $0x0;
	[sflag:s17] =	ssyncadd.s32 $0xFFFFD880  }
0x2e: {  	[tilespmem:s20], [sflag:$0x1] =	stream.indirect.gather [hbm4b:s5+s19], $0x80, s23, s19, $0xb8;
	[tilespmem:$0x1D000] =	vst v63  }
0x2f: {  	_ =	swait.ge [sflag:s21], $0x4000  }
0x30: {  	[sflag:s21] =	ssyncset.done $0x0  }
0x31: {  	s31 =	simm.s32 $0x2800;
	[sflag:s21] =	ssyncadd.s32 $0xFFFFC000  }
0x32: {  	[spmem:s2] =	stream.indirect.scatter.add.f32 [tilespmem:s20], [sflag:$0x2], $0x80, s31, s19, $0xb8;
	[tilespmem:$0x1D000] =	vst v63  }
0x33: {  	_ =	swait.ge [sflag:s17], $0x4000  }
0x34: {  	s23 =	simm.s32 $0x200;
	s24 =	simm.s32 $0x400;
	[sflag:s17] =	ssyncset.done $0x0  }
.LBB2_8:
0x35: {  	s25 =	sshra.s32 s23, $0x2  }
0x36: {  	[sflag:s17] =	ssyncadd.s32 $0xFFFFC000;
	s23 =	smov.u32 s24;
	s26 =	sadd.s32 $0x200, s24  }
0x37: {  	[tilespmem:s20], [sflag:$0x1] =	stream.indirect.gather [hbm4b:s5+s19], $0x80, s25, s19, $0xb8;
	[tilespmem:$0x1D000] =	vst v63  }
0x38: {  	p1 =	sne.s32 s24, $0x9C00;
	_ =	swait.ge [sflag:s21], $0x4000  }
.Ltmp3:
0x39: {  	[sflag:s21] =	ssyncset.done $0x0;
	(pc) =	sbr.rel @p1 .LBB2_8-.Ltmp3, $4  }
0x3a: {  	s24 =	sadd.s32 $0x2800, s25;
	[sflag:s21] =	ssyncadd.s32 $0xFFFFC000  }
0x3b: {  	[spmem:s2] =	stream.indirect.scatter.add.f32 [tilespmem:s20], [sflag:$0x2], $0x80, s24, s19, $0xb8;
	[tilespmem:$0x1D000] =	vst v63  }
0x3c: {  	_ =	swait.ge [sflag:s17], $0x4000  }
0x3d: {  	s24 =	smov.u32 s26;
	[sflag:s17] =	ssyncset.done $0x0  }
0x3e: {  	s23 =	sshra.s32 s23, $0x2;
	[sflag:s17] =	ssyncadd.s32 $0xFFFFC000  }
0x3f: {  	[tilespmem:s20], [sflag:$0x1] =	stream.indirect.gather [hbm4b:s5+s19], $0x80, s23, s19, $0xb8;
	[tilespmem:$0x1D000] =	vst v63  }
0x40: {  	_ =	swait.ge [sflag:s21], $0x4000  }
0x41: {  	[sflag:s21] =	ssyncset.done $0x0  }
0x42: {  	s23 =	sadd.s32 $0x2800, s23;
	[sflag:s21] =	ssyncadd.s32 $0xFFFFC000  }
0x43: {  	[spmem:s2] =	stream.indirect.scatter.add.f32 [tilespmem:s20], [sflag:$0x2], $0x80, s23, s19, $0xb8;
	[tilespmem:$0x1D000] =	vst v63  }
0x44: {  	_ =	swait.ge [sflag:s17], $0x4000  }
0x45: {  	[sflag:s17] =	ssyncset.done $0x0  }
0x46: {  	s29 =	simm.s32 $0x0;
	[sflag:s17] =	ssyncadd.s32 $0xFFFFC000  }
0x47: {  	[tilespmem:s29], [sflag:$0x2] =	stream.linear.gather [hbm4b:s12+s29], $0x2780, $0x38;
	[tilespmem:$0x1D000] =	vst v63  }
0x48: {  	_ =	swait.ge [sflag:s17], $0x2780  }
0x49: {  	[sflag:s17] =	ssyncset.done $0x0  }
0x4a: {  	[sflag:s17] =	ssyncadd.s32 $0xFFFFD880  }
0x4b: {  	[tilespmem:s18], [sflag:$0x2] =	stream.linear.gather [hbm4b:s13+s29], $0x2780, $0x38;
	[tilespmem:$0x1D000] =	vst v63  }
0x4c: {  	_ =	swait.ge [sflag:s17], $0x2780  }
0x4d: {  	[sflag:s17] =	ssyncset.done $0x0  }
0x4e: {  	s30 =	simm.s32 $0x0;
	[sflag:s17] =	ssyncadd.s32 $0xFFFFD880  }
0x4f: {  	[tilespmem:s20], [sflag:$0x1] =	stream.indirect.gather [hbm4b:s5+s19], $0x80, s30, s19, $0xb8;
	[tilespmem:$0x1D000] =	vst v63  }
0x50: {  	_ =	swait.ge [sflag:s21], $0x4000  }
0x51: {  	[sflag:s21] =	ssyncset.done $0x0  }
0x52: {  	s31 =	simm.s32 $0x2800;
	[sflag:s21] =	ssyncadd.s32 $0xFFFFC000  }
0x53: {  	[spmem:s2] =	stream.indirect.scatter.add.f32 [tilespmem:s20], [sflag:$0x2], $0x80, s31, s19, $0xb8;
	[tilespmem:$0x1D000] =	vst v63  }
0x54: {  	_ =	swait.ge [sflag:s17], $0x4000  }
0x55: {  	s24 =	simm.s32 $0x400;
	s23 =	simm.s32 $0x200;
	[sflag:s17] =	ssyncset.done $0x0  }
.LBB2_10:
0x56: {  	s25 =	sshra.s32 s23, $0x2  }
0x57: {  	[sflag:s17] =	ssyncadd.s32 $0xFFFFC000;
	s23 =	smov.u32 s24;
	s26 =	sadd.s32 $0x200, s24  }
0x58: {  	[tilespmem:s20], [sflag:$0x1] =	stream.indirect.gather [hbm4b:s5+s19], $0x80, s25, s19, $0xb8;
	[tilespmem:$0x1D000] =	vst v63  }
0x59: {  	p1 =	sne.s32 s24, $0x9C00;
	_ =	swait.ge [sflag:s21], $0x4000  }
.Ltmp4:
0x5a: {  	[sflag:s21] =	ssyncset.done $0x0;
	(pc) =	sbr.rel @p1 .LBB2_10-.Ltmp4, $4  }
0x5b: {  	s24 =	sadd.s32 $0x2800, s25;
	[sflag:s21] =	ssyncadd.s32 $0xFFFFC000  }
0x5c: {  	[spmem:s2] =	stream.indirect.scatter.add.f32 [tilespmem:s20], [sflag:$0x2], $0x80, s24, s19, $0xb8;
	[tilespmem:$0x1D000] =	vst v63  }
0x5d: {  	_ =	swait.ge [sflag:s17], $0x4000  }
0x5e: {  	s24 =	smov.u32 s26;
	[sflag:s17] =	ssyncset.done $0x0  }
.Ltmp5:
0x5f: {  	_ = 	snop;
	(pc) =	sbr.rel .LBB2_11-.Ltmp5, $1  }
0x60: {  	_ =	sdelay $0x3  }
.LBB2_2:
0x61: {  	[tilespmem:s20], [sflag:$0x1] =	stream.indirect.gather [hbm4b:s1+s19], $0x80, s23, s19, $0xb8;
	[tilespmem:$0x1D000] =	vst v63  }
0x62: {  	_ =	swait.ge [sflag:s21], $0x4000  }
0x63: {  	[sflag:s21] =	ssyncset.done $0x0  }
0x64: {  	s31 =	simm.s32 $0x2800;
	[sflag:s21] =	ssyncadd.s32 $0xFFFFC000  }
0x65: {  	[spmem:s2] =	stream.indirect.scatter.add.f32 [tilespmem:s20], [sflag:$0x2], $0x80, s31, s19, $0xb8;
	[tilespmem:$0x1D000] =	vst v63  }
0x66: {  	_ =	swait.ge [sflag:s17], $0x4000  }
0x67: {  	s23 =	simm.s32 $0x200;
	s24 =	simm.s32 $0x400;
	[sflag:s17] =	ssyncset.done $0x0  }
.LBB2_3:
0x68: {  	s25 =	sshra.s32 s23, $0x2  }
0x69: {  	[sflag:s17] =	ssyncadd.s32 $0xFFFFC000;
	s23 =	smov.u32 s24;
	s26 =	sadd.s32 $0x200, s24  }
0x6a: {  	[tilespmem:s20], [sflag:$0x1] =	stream.indirect.gather [hbm4b:s1+s19], $0x80, s25, s19, $0xb8;
	[tilespmem:$0x1D000] =	vst v63  }
0x6b: {  	p1 =	sne.s32 s24, $0x9C00;
	_ =	swait.ge [sflag:s21], $0x4000  }
.Ltmp6:
0x6c: {  	[sflag:s21] =	ssyncset.done $0x0;
	(pc) =	sbr.rel @p1 .LBB2_3-.Ltmp6, $4  }
0x6d: {  	s24 =	sadd.s32 $0x2800, s25;
	[sflag:s21] =	ssyncadd.s32 $0xFFFFC000  }
0x6e: {  	[spmem:s2] =	stream.indirect.scatter.add.f32 [tilespmem:s20], [sflag:$0x2], $0x80, s24, s19, $0xb8;
	[tilespmem:$0x1D000] =	vst v63  }
0x6f: {  	_ =	swait.ge [sflag:s17], $0x4000  }
0x70: {  	s24 =	smov.u32 s26;
	[sflag:s17] =	ssyncset.done $0x0  }
0x71: {  	s23 =	sshra.s32 s23, $0x2;
	[sflag:s17] =	ssyncadd.s32 $0xFFFFC000  }
0x72: {  	[tilespmem:s20], [sflag:$0x1] =	stream.indirect.gather [hbm4b:s1+s19], $0x80, s23, s19, $0xb8;
	[tilespmem:$0x1D000] =	vst v63  }
0x73: {  	_ =	swait.ge [sflag:s21], $0x4000  }
0x74: {  	[sflag:s21] =	ssyncset.done $0x0  }
0x75: {  	s23 =	sadd.s32 $0x2800, s23;
	[sflag:s21] =	ssyncadd.s32 $0xFFFFC000  }
0x76: {  	[spmem:s2] =	stream.indirect.scatter.add.f32 [tilespmem:s20], [sflag:$0x2], $0x80, s23, s19, $0xb8;
	[tilespmem:$0x1D000] =	vst v63  }
0x77: {  	_ =	swait.ge [sflag:s17], $0x4000  }
0x78: {  	[sflag:s17] =	ssyncset.done $0x0  }
0x79: {  	s29 =	simm.s32 $0x0;
	[sflag:s17] =	ssyncadd.s32 $0xFFFFC000  }
0x7a: {  	[tilespmem:s29], [sflag:$0x2] =	stream.linear.gather [hbm4b:s12+s29], $0x2780, $0x38;
	[tilespmem:$0x1D000] =	vst v63  }
0x7b: {  	_ =	swait.ge [sflag:s17], $0x2780  }
0x7c: {  	[sflag:s17] =	ssyncset.done $0x0  }
0x7d: {  	[sflag:s17] =	ssyncadd.s32 $0xFFFFD880  }
0x7e: {  	[tilespmem:s18], [sflag:$0x2] =	stream.linear.gather [hbm4b:s13+s29], $0x2780, $0x38;
	[tilespmem:$0x1D000] =	vst v63  }
0x7f: {  	_ =	swait.ge [sflag:s17], $0x2780  }
0x80: {  	[sflag:s17] =	ssyncset.done $0x0  }
0x81: {  	s30 =	simm.s32 $0x0;
	[sflag:s17] =	ssyncadd.s32 $0xFFFFD880  }
0x82: {  	[tilespmem:s20], [sflag:$0x1] =	stream.indirect.gather [hbm4b:s1+s19], $0x80, s30, s19, $0xb8;
	[tilespmem:$0x1D000] =	vst v63  }
0x83: {  	_ =	swait.ge [sflag:s21], $0x4000  }
0x84: {  	[sflag:s21] =	ssyncset.done $0x0  }
0x85: {  	s31 =	simm.s32 $0x2800;
	[sflag:s21] =	ssyncadd.s32 $0xFFFFC000  }
0x86: {  	[spmem:s2] =	stream.indirect.scatter.add.f32 [tilespmem:s20], [sflag:$0x2], $0x80, s31, s19, $0xb8;
	[tilespmem:$0x1D000] =	vst v63  }
0x87: {  	_ =	swait.ge [sflag:s17], $0x4000  }
0x88: {  	s24 =	simm.s32 $0x400;
	s23 =	simm.s32 $0x200;
	[sflag:s17] =	ssyncset.done $0x0  }
.LBB2_5:
0x89: {  	s25 =	sshra.s32 s23, $0x2  }
0x8a: {  	[sflag:s17] =	ssyncadd.s32 $0xFFFFC000;
	s23 =	smov.u32 s24;
	s26 =	sadd.s32 $0x200, s24  }
0x8b: {  	[tilespmem:s20], [sflag:$0x1] =	stream.indirect.gather [hbm4b:s1+s19], $0x80, s25, s19, $0xb8;
	[tilespmem:$0x1D000] =	vst v63  }
0x8c: {  	p1 =	seq.s32 s24, $0x9C00;
	_ =	swait.ge [sflag:s21], $0x4000  }
.Ltmp7:
0x8d: {  	[sflag:s21] =	ssyncset.done $0x0;
	(pc) =	sbr.rel @!p1 .LBB2_5-.Ltmp7, $4  }
0x8e: {  	s24 =	sadd.s32 $0x2800, s25;
	[sflag:s21] =	ssyncadd.s32 $0xFFFFC000  }
0x8f: {  	[spmem:s2] =	stream.indirect.scatter.add.f32 [tilespmem:s20], [sflag:$0x2], $0x80, s24, s19, $0xb8;
	[tilespmem:$0x1D000] =	vst v63  }
0x90: {  	_ =	swait.ge [sflag:s17], $0x4000  }
0x91: {  	s24 =	smov.u32 s26;
	[sflag:s17] =	ssyncset.done $0x0  }
0x92: {  	s23 =	sshra.s32 s23, $0x2;
	[sflag:s17] =	ssyncadd.s32 $0xFFFFC000  }
0x93: {  	[tilespmem:s20], [sflag:$0x1] =	stream.indirect.gather [hbm4b:s1+s19], $0x80, s23, s19, $0xb8;
	[tilespmem:$0x1D000] =	vst v63  }
0x94: {  	_ =	swait.ge [sflag:s21], $0x4000  }
0x95: {  	[sflag:s21] =	ssyncset.done $0x0  }
.Ltmp8:
0x96: {  	s23 =	sadd.s32 $0x2800, s23;
	[sflag:s21] =	ssyncadd.s32 $0xFFFFC000;
	(pc) =	sbr.rel .LBB2_12-.Ltmp8, $4  }
0x97: {  	[spmem:s2] =	stream.indirect.scatter.add.f32 [tilespmem:s20], [sflag:$0x2], $0x80, s23, s19, $0xb8;
	[tilespmem:$0x1D000] =	vst v63  }
0x98: {  	_ =	swait.ge [sflag:s17], $0x4000  }
0x99: {  	[sflag:s17] =	ssyncset.done $0x0  }
0x9a: {  	s23 =	smov.u32 s7;
	[sflag:s17] =	ssyncadd.s32 $0xFFFFC000  }
.LBB2_13:
0x9b: {  	_ =	sfence.sel $0x180000  }
0x9c: {  	[bflag:$0x0] =	sbarrier.arrive $0xFFFF  }
0x9d: {  	p0 =	sne.s32 s4, $0x0;
	_ =	strace $0x9000004D  }
0x9e: {  	s0 =	sadd.s32 @!p0 $0x100000, s0;
	[bflag:$0x2] =	sbarrier.arrive $0xFFFF  }
0x9f: {  	[sflag:s0] =	ssyncadd.tile.s32 @!p0 $0x1;
	_ =	shalt  }
.Lfunc_end2:
_tile_overlayer_lowered:
.L_overlay_start_2:
0xa0: {  	(tag) =	ssettag $0x2  }
0xa1: {  	s0 =	rddreg [dreg:$0x0];
	s2 =	stileid.u32  }
0xa2: {  	s1 =	rddreg [dreg:$0x1];
	p0 =	sne.s32 s2, $0x0  }
0xa3: {  	s3 =	rddreg [dreg:$0x2];
	[bflag:$0x3] =	sbarrier.arrive $0xFFFF;
	s2 =	simm.s32 @!p0 $0x1C02  }
0xa4: {  	[timem:s3], [sflag:s2] =	dma.local @!p0 [hbm:s0], s1  }
0xa5: {  	s0 =	simm.s32 @!p0 $0x2  }
0xa6: {  	_ =	swait.ge @!p0 [sflag:s0], s1  }
0xa7: {  	s1 =	ssub.s32 @!p0 $0x0, s1;
	[sflag:s0] =	ssyncset.done @!p0 $0x0  }
0xa8: {  	[sflag:s0] =	ssyncadd.s32 @!p0 s1  }
0xa9: {  	[bflag:$0x3] =	sbarrier.arrive $0xFFFF  }
0xaa: {  	_ =	shalt  }

// kernel: kernel.19.cloned.1.call-start
scs
__scs_entry_jumppad:
0x0: {  	(pc) =	sbr.rel $0x88, $3  }
0x1: {  	(tag) =	ssettag $0x0;
	lr =	simm.s32 $0x1  }
0x2: {  	[smem:$0x3F99] =	sst lr;
	_ =	strace $0xD0000000  }
0x3: {  	_ = 	snop  }
0x4: {  	_ = 	snop  }
0x5: {  	_ = 	snop  }
0x6: {  	_ = 	snop  }
0x7: {  	_ = 	snop  }
__scs_overlays_trampoline_lowered:
0x8: {  	[smem:$0x3FA8] =	sst s0  }
0x9: {  	[smem:$0x3FA9] =	sst s1  }
0xa: {  	[smem:$0x3FAA] =	sst s2  }
0xb: {  	[smem:$0x3FAB] =	sst s3  }
0xc: {  	[smem:$0x3FAC] =	sst s4  }
0xd: {  	[smem:$0x3FAD] =	sst s5  }
0xe: {  	[smem:$0x3FAE] =	sst s6  }
0xf: {  	[smem:$0x3FAF] =	sst s7  }
0x10: {  	[smem:$0x3FB0] =	sst s8  }
0x11: {  	[smem:$0x3FB1] =	sst s9;
	s0 =	simm.s32 @!p0 $0x0  }
0x12: {  	s1 =	sld [smem:$0x3F97];
	s0 =	simm.s32 @p0 $0x1  }
0x13: {  	[smem:$0x3FB2] =	sst s0;
	s0 =	simm.s32 @!p1 $0x0  }
0x14: {  	s2 =	sld [smem:$0x3F96];
	s0 =	simm.s32 @p1 $0x1  }
0x15: {  	[smem:$0x3FB3] =	sst s0;
	s0 =	simm.s32 @!p2 $0x0  }
0x16: {  	s3 =	sld [smem:$0x3FDB];
	s0 =	simm.s32 @p2 $0x1  }
0x17: {  	s4 =	simm.s32 $0x1BF5;
	[smem:$0x3FB5] =	sst s0  }
0x18: {  	s0 =	sld [smem:$0x3F98];
	_ =	swait.ge [sflag:s4], $0x0  }
0x19: {  	s7 =	sld [smem:$0x3F99]  }
0x1a: {  	s8 =	sadd.s32 $0xFFFFE003, lr  }
0x1b: {  	s9 =	sadd.s32 $0xFFFFFEF7, lr;
	s5 =	simm.s32 $0xFFFFFFFF;
	p2 =	slt.u32 s8, $0xFFFFF086  }
0x1c: {  	p1 =	slt.u32 s9, $0xF7A;
	s5 =	simm.s32 @!p2 $0x0  }
0x1d: {  	s5 =	simm.s32 @p1 $0x1;
	p0 =	seq.s32 s7, s2  }
0x1e: {  	s7 =	smul.u32 @!p0 $0xF7A, s2;
	p2 =	seq.s32 @!p0 s5, $0x0  }
0x1f: {  	s9 =	smul.u32 $0xF7A, s1;
	s8 =	simm.s32 @!p0 $0x1BF5;
	p2 =	por !p2, p0  }
0x20: {  	[sflag:s8] =	ssyncset.s32 @!p0 $0xFFFFF086;
	s6 =	sadd.s32 @!p0 s3, s7;
	s7 =	simm.s32 @!p0 $0x108  }
0x21: {  	s3 =	sadd.s32 s3, s9;
	s6 =	sadd.s32 @!p0 $0x88, s6;
	s7 =	simm.s32 @p2 $0x1082  }
0x22: {  	[simem:s7], [sflag:s8] =	dma.local @!p0 [hbm:s6], $0xF7A  }
0x23: {  	s9 =	sor.u32 $0xD0000000, s2;
	s6 =	simm.s32 $0x108;
	_ =	swait.ge @!p0 [sflag:s8], $0x0  }
0x24: {  	s3 =	sadd.s32 $0x88, s3;
	s6 =	simm.s32 @!p1 $0x1082;
	[sflag:s4] =	ssyncset.s32 $0xFFFFF086  }
0x25: {  	[simem:s6], [sflag:s4] =	dma.local [hbm:s3], $0xF7A  }
0x26: {  	[smem:$0x3F99] =	sst s1;
	(tag) =	ssettag s2;
	_ =	strace s9  }
0x27: {  	s1 =	sld [smem:$0x3FA9]  }
0x28: {  	s2 =	sld [smem:$0x3FAA]  }
0x29: {  	s4 =	sld [smem:$0x3FAC]  }
0x2a: {  	p0 =	seq.s32 s5, $0x0;
	s5 =	sld [smem:$0x3FAD]  }
0x2b: {  	s6 =	sld [smem:$0x3FAE]  }
0x2c: {  	s7 =	sld [smem:$0x3FAF]  }
0x2d: {  	s3 =	simm.s32 $0x108;
	s8 =	sld [smem:$0x3FB0]  }
0x2e: {  	s3 =	simm.s32 @!p0 $0x1082;
	s9 =	sld [smem:$0x3FB1]  }
0x2f: {  	lr =	sadd.s32 s0, s3;
	s0 =	sld [smem:$0x3FA8]  }
0x30: {  	s3 =	sld [smem:$0x3FAB]  }
0x31: {  	[smem:$0x3FB4] =	sst s10  }
0x32: {  	s10 =	sld [smem:$0x3FB2];
	_ =	sdelay $0x3  }
0x33: {  	p0 =	seq.s32 s10, $0x1;
	s10 =	sld [smem:$0x3FB4];
	_ =	sdelay $0x3  }
0x34: {  	[smem:$0x3FB4] =	sst s10  }
0x35: {  	s10 =	sld [smem:$0x3FB3];
	_ =	sdelay $0x3  }
0x36: {  	p1 =	seq.s32 s10, $0x1;
	s10 =	sld [smem:$0x3FB4];
	_ =	sdelay $0x3  }
0x37: {  	[smem:$0x3FB4] =	sst s10  }
0x38: {  	s10 =	sld [smem:$0x3FB5]  }
0x39: {  	_ = 	snop;
	(pc) =	sbr.ind lr, $3  }
0x3a: {  	_ = 	snop  }
0x3b: {  	_ = 	snop  }
0x3c: {  	p2 =	seq.s32 s10, $0x1;
	s10 =	sld [smem:$0x3FB4]  }
0x3d: {  	_ =	shalt  }
0x3e: {  	_ =	shalt  }
0x3f: {  	_ =	shalt  }
0x40: {  	_ =	shalt  }
0x41: {  	_ =	shalt  }
0x42: {  	_ =	shalt  }
0x43: {  	_ =	shalt  }
0x44: {  	_ =	shalt  }
0x45: {  	_ =	shalt  }
0x46: {  	_ =	shalt  }
0x47: {  	_ =	shalt  }
0x48: {  	_ =	shalt  }
0x49: {  	_ =	shalt  }
0x4a: {  	_ =	shalt  }
0x4b: {  	_ =	shalt  }
0x4c: {  	_ =	shalt  }
0x4d: {  	_ =	shalt  }
0x4e: {  	_ =	shalt  }
0x4f: {  	_ =	shalt  }
0x50: {  	_ =	shalt  }
0x51: {  	_ =	shalt  }
0x52: {  	_ =	shalt  }
0x53: {  	_ =	shalt  }
0x54: {  	_ =	shalt  }
0x55: {  	_ =	shalt  }
0x56: {  	_ =	shalt  }
0x57: {  	_ =	shalt  }
0x58: {  	_ =	shalt  }
0x59: {  	_ =	shalt  }
0x5a: {  	_ =	shalt  }
0x5b: {  	_ =	shalt  }
0x5c: {  	_ =	shalt  }
0x5d: {  	_ =	shalt  }
0x5e: {  	_ =	shalt  }
0x5f: {  	_ =	shalt  }
0x60: {  	_ =	shalt  }
0x61: {  	_ =	shalt  }
0x62: {  	_ =	shalt  }
0x63: {  	_ =	shalt  }
0x64: {  	_ =	shalt  }
0x65: {  	_ =	shalt  }
0x66: {  	_ =	shalt  }
0x67: {  	_ =	shalt  }
0x68: {  	_ =	shalt  }
0x69: {  	_ =	shalt  }
0x6a: {  	_ =	shalt  }
0x6b: {  	_ =	shalt  }
0x6c: {  	_ =	shalt  }
0x6d: {  	_ =	shalt  }
0x6e: {  	_ =	shalt  }
0x6f: {  	_ =	shalt  }
0x70: {  	_ =	shalt  }
0x71: {  	_ =	shalt  }
0x72: {  	_ =	shalt  }
0x73: {  	_ =	shalt  }
0x74: {  	_ =	shalt  }
0x75: {  	_ =	shalt  }
0x76: {  	_ =	shalt  }
0x77: {  	_ =	shalt  }
0x78: {  	_ =	shalt  }
0x79: {  	_ =	shalt  }
0x7a: {  	_ =	shalt  }
0x7b: {  	_ =	shalt  }
0x7c: {  	_ =	shalt  }
0x7d: {  	_ =	shalt  }
0x7e: {  	_ =	shalt  }
0x7f: {  	_ =	shalt  }
0x80: {  	_ =	shalt  }
0x81: {  	_ =	shalt  }
0x82: {  	_ =	shalt  }
0x83: {  	_ =	shalt  }
0x84: {  	_ =	shalt  }
0x85: {  	_ =	shalt  }
0x86: {  	_ =	shalt  }
0x87: {  	_ =	shalt  }
.Lfunc_end0:
.L_simem_size_0:
called_computation.3_lowered:
.L_overlay_start_0:
0x88: {  	s2 =	sld [smem:$0x3FD9]  }
0x89: {  	s3 =	sld [smem:$0x3FFE];
	_ =	sdelay $0x1  }
0x8a: {  	s1 =	srdreg.scid  }
0x8b: {  	s0 =	sand.u32 $0x1, s1  }
0x8c: {  	s17 =	sshll.u32 s0, $0xA;
	s2 =	sadd.s32 s3, s2  }
0x8d: {  	s2 =	sadd.s32 s2, s17  }
0x8e: {  	[smem:$0x3FC0] =	sst s2  }
0x8f: {  	_ = 	snop  }
0x90: {  	s2 =	sld [smem:$0x3FD0];
	(tm) =	ssettm $0x1  }
0x91: {  	s18 =	sld [smem:$0x3FFB];
	_ =	sdelay $0x3  }
0x92: {  	_ =	strace s18  }
0x93: {  	s3 =	sld [smem:$0x3FFC];
	_ =	sdelay $0x3  }
0x94: {  	_ =	strace s3  }
0x95: {  	s3 =	sld [smem:$0x3FFD];
	_ =	sdelay $0x3  }
0x96: {  	_ =	strace s3  }
0x97: {  	_ =	strace $0x8FFFFFFF  }
0x98: {  	s19 =	sld [smem:$0x3FDB];
	_ =	sdelay $0x1  }
0x99: {  	s4 =	simm.s32 $_scs_section_size  }
0x9a: {  	s5 =	simm.s32 $_size__tile_overlayer_lowered;
	s6 =	simm.s32 $_tile_overlayer_lowered  }
0x9b: {  	s22 =	simm.s32 $0x1BFF;
	s21 =	sshll.u32 s6, $0x1;
	s3 =	sadd.s32 s4, s19  }
0x9c: {  	s7 =	simm.s32 $0x0;
	s20 =	sshll.u32 s5, $0x1;
	s5 =	sadd.s32 s21, s3  }
0x9d: {  	[timem:s7], [sflag:s22] =	dma.local [hbm:s5], s20  }
0x9e: {  	_ =	swait.ge [sflag:s22], s20  }
0x9f: {  	s4 =	ssub.s32 $0x0, s20;
	[sflag:s22] =	ssyncset.done $0x0  }
0xa0: {  	[sflag:s22] =	ssyncadd.s32 s4;
	_ =	sdelay $0x1  }
0xa1: {  	s23 =	simm.s32 $0x1B8B  }
0xa2: {  	_ =	swait.ge [sflag:s23], $0x1  }
0xa3: {  	[sflag:s23] =	ssyncset.done $0x0  }
0xa4: {  	s25 =	simm.s32 $0x1B8E;
	s24 =	sld [smem:$0x3FFE];
	[sflag:s23] =	ssyncadd.s32 $0xFFFFFFFF  }
0xa5: {  	s26 =	simm.s32 $execute0_lowered;
	[smem:$0x3FD2] =	sst s25  }
0xa6: {  	s5 =	sshll.u32 s26, $0x1;
	_ =	strace $0x8000004F;
	[dreg:$0x1] =	wrdreg $0xFFFFFFFF  }
0xa7: {  	s28 =	simm.s32 $_size_execute0_lowered;
	s3 =	sadd.s32 s3, s5;
	[dreg:$0x0] =	wrdreg $0x0  }
0xa8: {  	s5 =	sshll.u32 s28, $0x1;
	[dreg:$0x2] =	wrdreg s3  }
0xa9: {  	[dreg:$0x3] =	wrdreg s5  }
0xaa: {  	[dreg:$0x4] =	wrdreg $0xC0  }
0xab: {  	_ =	task [dreg:s7], $0x5FFFF  }
0xac: {  	[dreg:$0x1] =	wrdreg $0xFFFFFFFF  }
0xad: {  	[dreg:$0x0] =	wrdreg $0x60  }
0xae: {  	[dreg:$0x2] =	wrdreg s24  }
0xaf: {  	[dreg:$0x3] =	wrdreg s2  }
0xb0: {  	[dreg:$0x4] =	wrdreg $0x90000  }
0xb1: {  	[dreg:$0x5] =	wrdreg $0x9  }
0xb2: {  	_ =	task.clear_ibuf [dreg:s7], $0x6FFFF;
	_ =	strace $0x9000004F  }
0xb3: {  	s29 =	simm.s32 $0x9;
	_ =	strace $0x80000051  }
0xb4: {  	_ =	swait.ge [sflag:s29], $0x1  }
0xb5: {  	[sflag:s29] =	ssyncadd.s32 $0xFFFFFFFF  }
0xb6: {  	_ =	strace $0x90000051  }
0xb7: {  	_ =	sfence  }
0xb8: {  	s30 =	sld [smem:$0x0];
	_ =	sdelay $0x2  }
0xb9: {  	s31 =	sshll.u32 s1, $0xD;
	s1 =	sshrl.u32 s1, $0x2  }
0xba: {  	s3 =	sand.u32 $0x4000, s31;
	s1 =	sadd.s32 s1, s30  }
0xbb: {  	s0 =	sor.u32 s3, s0;
	s1 =	sshll.u32 s1, $0x11  }
0xbc: {  	s0 =	sor.u32 s1, s0  }
0xbd: {  	s0 =	sadd.s32 $0x8F2B, s0  }
0xbe: {  	[sflag:s0] =	ssyncadd.remote.s32 $0x1  }
0xbf: {  	_ =	sfence.sel $0xFFFF  }
0xc0: {  	[dreg:$0x0] =	wrdreg $0xFFFFFFFF;
	(pc) =	sbr.abs _section_cstart, $3  }
0xc1: {  	[dreg:$0x1] =	wrdreg $0xFFFFFFFF  }
0xc2: {  	_ =	task.clear_ibuf [dreg:s7], $0x2FFFF;
	_ =	strace $0x9FFFFFFF  }
0xc3: {  	(tm) =	ssettm $0x7FFFFFFF  }
tec
execute0_lowered:
.L_overlay_start_1:
0x0: {  	(tag) =	ssettag $0x1  }
0x1: {  	s8 =	rddreg [dreg:$0x0]  }
0x2: {  	s1 =	rddreg [dreg:$0x1]  }
0x3: {  	s2 =	rddreg [dreg:$0x2]  }
0x4: {  	s0 =	rddreg [dreg:$0x3];
	s3 =	simm.s32 $0x0;
	s7 =	srdreg.scid  }
0x5: {  	s4 =	stileid.u32;
	s18 =	simm.s32 $0x2800;
	s19 =	simm.s32 $0x80  }
0x6: {  	s20 =	simm.s32 $0x5000;
	s21 =	simm.s32 $0x1;
	s22 =	simm.s32 $0x0  }
0x7: {  	[smem:$0x7FF] =	sst s3;
	s12 =	sadd.s32 $0x61A00, s8;
	s13 =	sadd.s32 $0x57A00, s8  }
0x8: {  	s5 =	sadd.s32 $0x6BA00, s8;
	s6 =	sadd.s32 $0x5200, s8;
	s10 =	sand.u32 $0x1, s7  }
0x9: {  	s7 =	sadd.s32 $0x93A00, s8;
	s11 =	smul.u32 $0x50000, s4;
	s8 =	sadd.s32 $0xBBA00, s8  }
0xa: {  	s15 =	smul.u32 $0x5000, s4;
	s29 =	sshll.u32 s4, $0x6;
	s9 =	ssub.s32 $0x2, s10  }
0xb: {  	_ =	strace $0x80000050;
	p0 =	seq.s32 s10, $0x1;
	s14 =	sshrl.u32 s9, $0x1  }
.Ltmp0:
0xc: {  	s28 =	sshrl.u32 s11, $0x2;
	s30 =	sshrl.u32 s15, $0x3;
	(pc) =	sbr.rel .LBB2_1-.Ltmp0, $4  }
0xd: {  	s16 =	ssub.s32 s9, s14;
	s17 =	sadd.s32 s28, s2;
	s9 =	sor.u32 $0x1C02, s29  }
0xe: {  	s10 =	sadd.s32 s12, s30;
	s31 =	sadd.s32 $0x500, s30;
	s11 =	sadd.s32 s13, s30  }
0xf: {  	s14 =	smul.u32 $0x2800, s4;
	s12 =	sadd.s32 s12, s31;
	s13 =	sadd.s32 s13, s31  }
0x10: {  	s15 =	smax.u32 s16, $0x1;
	s16 =	sshrl.u32 s17, $0x3;
	s17 =	simm.s32 $0x2  }
.LBB2_11:
0x11: {  	s23 =	sshra.s32 s23, $0x2;
	[sflag:s17] =	ssyncadd.s32 $0xFFFFC000  }
0x12: {  	[tilespmem:s20], [sflag:$0x1] =	stream.indirect.gather [hbm4b:s5+s19], $0x80, s23, s19, $0xb8;
	[tilespmem:$0x1D000] =	vst v63  }
0x13: {  	_ =	swait.ge [sflag:s21], $0x4000  }
0x14: {  	[sflag:s21] =	ssyncset.done $0x0  }
0x15: {  	s23 =	sadd.s32 $0x2800, s23;
	[sflag:s21] =	ssyncadd.s32 $0xFFFFC000  }
0x16: {  	[spmem:s2] =	stream.indirect.scatter.add.f32 [tilespmem:s20], [sflag:$0x2], $0x80, s23, s19, $0xb8;
	[tilespmem:$0x1D000] =	vst v63  }
0x17: {  	_ =	swait.ge [sflag:s17], $0x4000  }
0x18: {  	[sflag:s17] =	ssyncset.done $0x0  }
0x19: {  	s23 =	smov.u32 s8;
	[sflag:s17] =	ssyncadd.s32 $0xFFFFC000  }
.LBB2_12:
0x1a: {  	s22 =	sadd.s32 $0x1, s22  }
0x1b: {  	p1 =	sne.s32 s22, s15  }
.Ltmp1:
0x1c: {  	s23 =	sadd.s32 s23, s14;
	[bflag:$0x0] =	sbarrier.arrive $0xFFFF;
	(pc) =	sbr.rel @!p1 .LBB2_13-.Ltmp1, $4  }
0x1d: {  	[hbm:s23], [sflag:s9] =	dma.local [spmem:s16], $0x2800  }
0x1e: {  	_ =	swait.ge [sflag:s17], $0x2800  }
0x1f: {  	[sflag:s17] =	ssyncset.done $0x0  }
0x20: {  	[sflag:s17] =	ssyncadd.s32 $0xFFFFD800  }
.LBB2_1:
0x21: {  	[spmem:s16], [sflag:s9] =	dma.local [hbm:s6], $0x2800  }
0x22: {  	_ =	swait.ge [sflag:s17], $0x2800  }
0x23: {  	[sflag:s17] =	ssyncset.done $0x0  }
0x24: {  	[sflag:s17] =	ssyncadd.s32 $0xFFFFD800  }
0x25: {  	[bflag:$0x0] =	sbarrier.arrive $0xFFFF  }
0x26: {  	[tilespmem:s3], [sflag:$0x2] =	stream.linear.gather [hbm4b:s10+s3], $0x2780, $0x38;
	[tilespmem:$0x1D000] =	vst v63  }
0x27: {  	_ =	swait.ge [sflag:s17], $0x2780  }
0x28: {  	[sflag:s17] =	ssyncset.done $0x0  }
.Ltmp2:
0x29: {  	[sflag:s17] =	ssyncadd.s32 $0xFFFFD880;
	(pc) =	sbr.rel @!p0 .LBB2_2-.Ltmp2, $4  }
0x2a: {  	[tilespmem:s18], [sflag:$0x2] =	stream.linear.gather [hbm4b:s11+s3], $0x2780, $0x38;
	[tilespmem:$0x1D000] =	vst v63  }
0x2b: {  	_ =	swait.ge [sflag:s17], $0x2780  }
0x2c: {  	[sflag:s17] =	ssyncset.done $0x0  }
0x2d: {  	s23 =	simm.s32 $0x0;
	[sflag:s17] =	ssyncadd.s32 $0xFFFFD880  }
0x2e: {  	[tilespmem:s20], [sflag:$0x1] =	stream.indirect.gather [hbm4b:s5+s19], $0x80, s23, s19, $0xb8;
	[tilespmem:$0x1D000] =	vst v63  }
0x2f: {  	_ =	swait.ge [sflag:s21], $0x4000  }
0x30: {  	[sflag:s21] =	ssyncset.done $0x0  }
0x31: {  	s31 =	simm.s32 $0x2800;
	[sflag:s21] =	ssyncadd.s32 $0xFFFFC000  }
0x32: {  	[spmem:s2] =	stream.indirect.scatter.add.f32 [tilespmem:s20], [sflag:$0x2], $0x80, s31, s19, $0xb8;
	[tilespmem:$0x1D000] =	vst v63  }
0x33: {  	_ =	swait.ge [sflag:s17], $0x4000  }
0x34: {  	s23 =	simm.s32 $0x200;
	s24 =	simm.s32 $0x400;
	[sflag:s17] =	ssyncset.done $0x0  }
.LBB2_8:
0x35: {  	s25 =	sshra.s32 s23, $0x2  }
0x36: {  	[sflag:s17] =	ssyncadd.s32 $0xFFFFC000;
	s23 =	smov.u32 s24;
	s26 =	sadd.s32 $0x200, s24  }
0x37: {  	[tilespmem:s20], [sflag:$0x1] =	stream.indirect.gather [hbm4b:s5+s19], $0x80, s25, s19, $0xb8;
	[tilespmem:$0x1D000] =	vst v63  }
0x38: {  	p1 =	sne.s32 s24, $0x9C00;
	_ =	swait.ge [sflag:s21], $0x4000  }
.Ltmp3:
0x39: {  	[sflag:s21] =	ssyncset.done $0x0;
	(pc) =	sbr.rel @p1 .LBB2_8-.Ltmp3, $4  }
0x3a: {  	s24 =	sadd.s32 $0x2800, s25;
	[sflag:s21] =	ssyncadd.s32 $0xFFFFC000  }
0x3b: {  	[spmem:s2] =	stream.indirect.scatter.add.f32 [tilespmem:s20], [sflag:$0x2], $0x80, s24, s19, $0xb8;
	[tilespmem:$0x1D000] =	vst v63  }
0x3c: {  	_ =	swait.ge [sflag:s17], $0x4000  }
0x3d: {  	s24 =	smov.u32 s26;
	[sflag:s17] =	ssyncset.done $0x0  }
0x3e: {  	s23 =	sshra.s32 s23, $0x2;
	[sflag:s17] =	ssyncadd.s32 $0xFFFFC000  }
0x3f: {  	[tilespmem:s20], [sflag:$0x1] =	stream.indirect.gather [hbm4b:s5+s19], $0x80, s23, s19, $0xb8;
	[tilespmem:$0x1D000] =	vst v63  }
0x40: {  	_ =	swait.ge [sflag:s21], $0x4000  }
0x41: {  	[sflag:s21] =	ssyncset.done $0x0  }
0x42: {  	s23 =	sadd.s32 $0x2800, s23;
	[sflag:s21] =	ssyncadd.s32 $0xFFFFC000  }
0x43: {  	[spmem:s2] =	stream.indirect.scatter.add.f32 [tilespmem:s20], [sflag:$0x2], $0x80, s23, s19, $0xb8;
	[tilespmem:$0x1D000] =	vst v63  }
0x44: {  	_ =	swait.ge [sflag:s17], $0x4000  }
0x45: {  	[sflag:s17] =	ssyncset.done $0x0  }
0x46: {  	s29 =	simm.s32 $0x0;
	[sflag:s17] =	ssyncadd.s32 $0xFFFFC000  }
0x47: {  	[tilespmem:s29], [sflag:$0x2] =	stream.linear.gather [hbm4b:s12+s29], $0x2780, $0x38;
	[tilespmem:$0x1D000] =	vst v63  }
0x48: {  	_ =	swait.ge [sflag:s17], $0x2780  }
0x49: {  	[sflag:s17] =	ssyncset.done $0x0  }
0x4a: {  	[sflag:s17] =	ssyncadd.s32 $0xFFFFD880  }
0x4b: {  	[tilespmem:s18], [sflag:$0x2] =	stream.linear.gather [hbm4b:s13+s29], $0x2780, $0x38;
	[tilespmem:$0x1D000] =	vst v63  }
0x4c: {  	_ =	swait.ge [sflag:s17], $0x2780  }
0x4d: {  	[sflag:s17] =	ssyncset.done $0x0  }
0x4e: {  	s30 =	simm.s32 $0x0;
	[sflag:s17] =	ssyncadd.s32 $0xFFFFD880  }
0x4f: {  	[tilespmem:s20], [sflag:$0x1] =	stream.indirect.gather [hbm4b:s5+s19], $0x80, s30, s19, $0xb8;
	[tilespmem:$0x1D000] =	vst v63  }
0x50: {  	_ =	swait.ge [sflag:s21], $0x4000  }
0x51: {  	[sflag:s21] =	ssyncset.done $0x0  }
0x52: {  	s31 =	simm.s32 $0x2800;
	[sflag:s21] =	ssyncadd.s32 $0xFFFFC000  }
0x53: {  	[spmem:s2] =	stream.indirect.scatter.add.f32 [tilespmem:s20], [sflag:$0x2], $0x80, s31, s19, $0xb8;
	[tilespmem:$0x1D000] =	vst v63  }
0x54: {  	_ =	swait.ge [sflag:s17], $0x4000  }
0x55: {  	s24 =	simm.s32 $0x400;
	s23 =	simm.s32 $0x200;
	[sflag:s17] =	ssyncset.done $0x0  }
.LBB2_10:
0x56: {  	s25 =	sshra.s32 s23, $0x2  }
0x57: {  	[sflag:s17] =	ssyncadd.s32 $0xFFFFC000;
	s23 =	smov.u32 s24;
	s26 =	sadd.s32 $0x200, s24  }
0x58: {  	[tilespmem:s20], [sflag:$0x1] =	stream.indirect.gather [hbm4b:s5+s19], $0x80, s25, s19, $0xb8;
	[tilespmem:$0x1D000] =	vst v63  }
0x59: {  	p1 =	sne.s32 s24, $0x9C00;
	_ =	swait.ge [sflag:s21], $0x4000  }
.Ltmp4:
0x5a: {  	[sflag:s21] =	ssyncset.done $0x0;
	(pc) =	sbr.rel @p1 .LBB2_10-.Ltmp4, $4  }
0x5b: {  	s24 =	sadd.s32 $0x2800, s25;
	[sflag:s21] =	ssyncadd.s32 $0xFFFFC000  }
0x5c: {  	[spmem:s2] =	stream.indirect.scatter.add.f32 [tilespmem:s20], [sflag:$0x2], $0x80, s24, s19, $0xb8;
	[tilespmem:$0x1D000] =	vst v63  }
0x5d: {  	_ =	swait.ge [sflag:s17], $0x4000  }
0x5e: {  	s24 =	smov.u32 s26;
	[sflag:s17] =	ssyncset.done $0x0  }
.Ltmp5:
0x5f: {  	_ = 	snop;
	(pc) =	sbr.rel .LBB2_11-.Ltmp5, $1  }
0x60: {  	_ =	sdelay $0x3  }
.LBB2_2:
0x61: {  	[tilespmem:s20], [sflag:$0x1] =	stream.indirect.gather [hbm4b:s1+s19], $0x80, s23, s19, $0xb8;
	[tilespmem:$0x1D000] =	vst v63  }
0x62: {  	_ =	swait.ge [sflag:s21], $0x4000  }
0x63: {  	[sflag:s21] =	ssyncset.done $0x0  }
0x64: {  	s31 =	simm.s32 $0x2800;
	[sflag:s21] =	ssyncadd.s32 $0xFFFFC000  }
0x65: {  	[spmem:s2] =	stream.indirect.scatter.add.f32 [tilespmem:s20], [sflag:$0x2], $0x80, s31, s19, $0xb8;
	[tilespmem:$0x1D000] =	vst v63  }
0x66: {  	_ =	swait.ge [sflag:s17], $0x4000  }
0x67: {  	s23 =	simm.s32 $0x200;
	s24 =	simm.s32 $0x400;
	[sflag:s17] =	ssyncset.done $0x0  }
.LBB2_3:
0x68: {  	s25 =	sshra.s32 s23, $0x2  }
0x69: {  	[sflag:s17] =	ssyncadd.s32 $0xFFFFC000;
	s23 =	smov.u32 s24;
	s26 =	sadd.s32 $0x200, s24  }
0x6a: {  	[tilespmem:s20], [sflag:$0x1] =	stream.indirect.gather [hbm4b:s1+s19], $0x80, s25, s19, $0xb8;
	[tilespmem:$0x1D000] =	vst v63  }
0x6b: {  	p1 =	sne.s32 s24, $0x9C00;
	_ =	swait.ge [sflag:s21], $0x4000  }
.Ltmp6:
0x6c: {  	[sflag:s21] =	ssyncset.done $0x0;
	(pc) =	sbr.rel @p1 .LBB2_3-.Ltmp6, $4  }
0x6d: {  	s24 =	sadd.s32 $0x2800, s25;
	[sflag:s21] =	ssyncadd.s32 $0xFFFFC000  }
0x6e: {  	[spmem:s2] =	stream.indirect.scatter.add.f32 [tilespmem:s20], [sflag:$0x2], $0x80, s24, s19, $0xb8;
	[tilespmem:$0x1D000] =	vst v63  }
0x6f: {  	_ =	swait.ge [sflag:s17], $0x4000  }
0x70: {  	s24 =	smov.u32 s26;
	[sflag:s17] =	ssyncset.done $0x0  }
0x71: {  	s23 =	sshra.s32 s23, $0x2;
	[sflag:s17] =	ssyncadd.s32 $0xFFFFC000  }
0x72: {  	[tilespmem:s20], [sflag:$0x1] =	stream.indirect.gather [hbm4b:s1+s19], $0x80, s23, s19, $0xb8;
	[tilespmem:$0x1D000] =	vst v63  }
0x73: {  	_ =	swait.ge [sflag:s21], $0x4000  }
0x74: {  	[sflag:s21] =	ssyncset.done $0x0  }
0x75: {  	s23 =	sadd.s32 $0x2800, s23;
	[sflag:s21] =	ssyncadd.s32 $0xFFFFC000  }
0x76: {  	[spmem:s2] =	stream.indirect.scatter.add.f32 [tilespmem:s20], [sflag:$0x2], $0x80, s23, s19, $0xb8;
	[tilespmem:$0x1D000] =	vst v63  }
0x77: {  	_ =	swait.ge [sflag:s17], $0x4000  }
0x78: {  	[sflag:s17] =	ssyncset.done $0x0  }
0x79: {  	s29 =	simm.s32 $0x0;
	[sflag:s17] =	ssyncadd.s32 $0xFFFFC000  }
0x7a: {  	[tilespmem:s29], [sflag:$0x2] =	stream.linear.gather [hbm4b:s12+s29], $0x2780, $0x38;
	[tilespmem:$0x1D000] =	vst v63  }
0x7b: {  	_ =	swait.ge [sflag:s17], $0x2780  }
0x7c: {  	[sflag:s17] =	ssyncset.done $0x0  }
0x7d: {  	[sflag:s17] =	ssyncadd.s32 $0xFFFFD880  }
0x7e: {  	[tilespmem:s18], [sflag:$0x2] =	stream.linear.gather [hbm4b:s13+s29], $0x2780, $0x38;
	[tilespmem:$0x1D000] =	vst v63  }
0x7f: {  	_ =	swait.ge [sflag:s17], $0x2780  }
0x80: {  	[sflag:s17] =	ssyncset.done $0x0  }
0x81: {  	s30 =	simm.s32 $0x0;
	[sflag:s17] =	ssyncadd.s32 $0xFFFFD880  }
0x82: {  	[tilespmem:s20], [sflag:$0x1] =	stream.indirect.gather [hbm4b:s1+s19], $0x80, s30, s19, $0xb8;
	[tilespmem:$0x1D000] =	vst v63  }
0x83: {  	_ =	swait.ge [sflag:s21], $0x4000  }
0x84: {  	[sflag:s21] =	ssyncset.done $0x0  }
0x85: {  	s31 =	simm.s32 $0x2800;
	[sflag:s21] =	ssyncadd.s32 $0xFFFFC000  }
0x86: {  	[spmem:s2] =	stream.indirect.scatter.add.f32 [tilespmem:s20], [sflag:$0x2], $0x80, s31, s19, $0xb8;
	[tilespmem:$0x1D000] =	vst v63  }
0x87: {  	_ =	swait.ge [sflag:s17], $0x4000  }
0x88: {  	s24 =	simm.s32 $0x400;
	s23 =	simm.s32 $0x200;
	[sflag:s17] =	ssyncset.done $0x0  }
.LBB2_5:
0x89: {  	s25 =	sshra.s32 s23, $0x2  }
0x8a: {  	[sflag:s17] =	ssyncadd.s32 $0xFFFFC000;
	s23 =	smov.u32 s24;
	s26 =	sadd.s32 $0x200, s24  }
0x8b: {  	[tilespmem:s20], [sflag:$0x1] =	stream.indirect.gather [hbm4b:s1+s19], $0x80, s25, s19, $0xb8;
	[tilespmem:$0x1D000] =	vst v63  }
0x8c: {  	p1 =	seq.s32 s24, $0x9C00;
	_ =	swait.ge [sflag:s21], $0x4000  }
.Ltmp7:
0x8d: {  	[sflag:s21] =	ssyncset.done $0x0;
	(pc) =	sbr.rel @!p1 .LBB2_5-.Ltmp7, $4  }
0x8e: {  	s24 =	sadd.s32 $0x2800, s25;
	[sflag:s21] =	ssyncadd.s32 $0xFFFFC000  }
0x8f: {  	[spmem:s2] =	stream.indirect.scatter.add.f32 [tilespmem:s20], [sflag:$0x2], $0x80, s24, s19, $0xb8;
	[tilespmem:$0x1D000] =	vst v63  }
0x90: {  	_ =	swait.ge [sflag:s17], $0x4000  }
0x91: {  	s24 =	smov.u32 s26;
	[sflag:s17] =	ssyncset.done $0x0  }
0x92: {  	s23 =	sshra.s32 s23, $0x2;
	[sflag:s17] =	ssyncadd.s32 $0xFFFFC000  }
0x93: {  	[tilespmem:s20], [sflag:$0x1] =	stream.indirect.gather [hbm4b:s1+s19], $0x80, s23, s19, $0xb8;
	[tilespmem:$0x1D000] =	vst v63  }
0x94: {  	_ =	swait.ge [sflag:s21], $0x4000  }
0x95: {  	[sflag:s21] =	ssyncset.done $0x0  }
.Ltmp8:
0x96: {  	s23 =	sadd.s32 $0x2800, s23;
	[sflag:s21] =	ssyncadd.s32 $0xFFFFC000;
	(pc) =	sbr.rel .LBB2_12-.Ltmp8, $4  }
0x97: {  	[spmem:s2] =	stream.indirect.scatter.add.f32 [tilespmem:s20], [sflag:$0x2], $0x80, s23, s19, $0xb8;
	[tilespmem:$0x1D000] =	vst v63  }
0x98: {  	_ =	swait.ge [sflag:s17], $0x4000  }
0x99: {  	[sflag:s17] =	ssyncset.done $0x0  }
0x9a: {  	s23 =	smov.u32 s7;
	[sflag:s17] =	ssyncadd.s32 $0xFFFFC000  }
.LBB2_13:
0x9b: {  	_ =	sfence.sel $0x180000  }
0x9c: {  	[bflag:$0x0] =	sbarrier.arrive $0xFFFF  }
0x9d: {  	p0 =	sne.s32 s4, $0x0;
	_ =	strace $0x90000050  }
0x9e: {  	s0 =	sadd.s32 @!p0 $0x100000, s0;
	[bflag:$0x2] =	sbarrier.arrive $0xFFFF  }
0x9f: {  	[sflag:s0] =	ssyncadd.tile.s32 @!p0 $0x1;
	_ =	shalt  }
.Lfunc_end2:
_tile_overlayer_lowered:
.L_overlay_start_2:
0xa0: {  	(tag) =	ssettag $0x2  }
0xa1: {  	s0 =	rddreg [dreg:$0x0];
	s2 =	stileid.u32  }
0xa2: {  	s1 =	rddreg [dreg:$0x1];
	p0 =	sne.s32 s2, $0x0  }
0xa3: {  	s3 =	rddreg [dreg:$0x2];
	[bflag:$0x3] =	sbarrier.arrive $0xFFFF;
	s2 =	simm.s32 @!p0 $0x1C02  }
0xa4: {  	[timem:s3], [sflag:s2] =	dma.local @!p0 [hbm:s0], s1  }
0xa5: {  	s0 =	simm.s32 @!p0 $0x2  }
0xa6: {  	_ =	swait.ge @!p0 [sflag:s0], s1  }
0xa7: {  	s1 =	ssub.s32 @!p0 $0x0, s1;
	[sflag:s0] =	ssyncset.done @!p0 $0x0  }
0xa8: {  	[sflag:s0] =	ssyncadd.s32 @!p0 s1  }
0xa9: {  	[bflag:$0x3] =	sbarrier.arrive $0xFFFF  }
0xaa: {  	_ =	shalt  }

</sc_bundles>
